<compile_context>
chip_gen: v7x
topology: tpu7x:2x2x1
jax: 0.10.2.dev20260603
libtpu: 0.0.44.dev20260713+nightly
codegen_flags: <defaults>
</compile_context>

<pallas_src>
import functools

import jax
import jax.numpy as jnp
from jax import lax
from jax.experimental import pallas as pl
from jax.experimental.pallas import tpu as pltpu
from jax.experimental.pallas import tpu_sc as plsc

N = 10000
NPAD = 10240
E = 320000
D = 128
H = 128
C = 64

RPS = 125
EDGE_ROWS = E // RPS
N_TILES = 32
RPT = EDGE_ROWS // N_TILES
OPT = NPAD // 16
HPT = RPT // 2

MB = 5000


def _mesh():
    return plsc.VectorSubcoreMesh(core_axis_name="c", subcore_axis_name="s")



@functools.cache
def _make_deg():
    @functools.partial(
        pl.kernel,
        out_type=jax.ShapeDtypeStruct((2, NPAD), jnp.float32),
        mesh=_mesh(),
        scratch_types=[
            pltpu.VMEM((RPT, RPS), jnp.int32),
            pltpu.VMEM((128,), jnp.float32),
            pltpu.VMEM((OPT,), jnp.float32),
            pltpu.VMEM_SHARED((NPAD,), jnp.float32),
            pltpu.SemaphoreType.DMA,
        ],
    )
    def _deg_sc(dst_hbm, out_hbm, dst_v, ones_v, z_v, acc, dsem):
        c = lax.axis_index("c")
        s = lax.axis_index("s")
        base_row = (c * 16 + s) * RPT
        pltpu.sync_copy(dst_hbm.at[pl.ds(base_row, RPT)], dst_v)

        def fill_ones(i, carry):
            ones_v[pl.ds(i * 16, 16)] = jnp.ones((16,), jnp.float32)
            return carry
        lax.fori_loop(0, 8, fill_ones, 0)

        def fill_zeros(i, carry):
            z_v[pl.ds(i * 16, 16)] = jnp.zeros((16,), jnp.float32)
            return carry
        lax.fori_loop(0, OPT // 16, fill_zeros, 0)

        pltpu.sync_copy(z_v, acc.at[pl.ds(s * OPT, OPT)])
        plsc.subcore_barrier()

        def body(j, carry):
            pltpu.async_copy(ones_v.at[pl.ds(0, RPS)], acc.at[dst_v.at[j]],
                             dsem, add=True)
            return carry
        lax.fori_loop(0, RPT, body, 0)

        def drain(j, carry):
            pltpu.make_async_copy(ones_v.at[pl.ds(0, RPS)],
                                  acc.at[dst_v.at[j]], dsem).wait()
            return carry
        lax.fori_loop(0, RPT, drain, 0)

        plsc.subcore_barrier()
        pltpu.sync_copy(acc.at[pl.ds(s * OPT, OPT)],
                        out_hbm.at[c, pl.ds(s * OPT, OPT)])
    return _deg_sc



@functools.cache
def _make_segsum(Hw):
    @functools.partial(
        pl.kernel,
        out_type=jax.ShapeDtypeStruct((2, NPAD, Hw), jnp.float32),
        mesh=_mesh(),
        scratch_types=[
            pltpu.VMEM((HPT, RPS), jnp.int32),
            pltpu.VMEM((HPT, RPS), jnp.int32),
            pltpu.VMEM((RPS, Hw), jnp.float32),
            pltpu.VMEM((RPS, Hw), jnp.float32),
            pltpu.VMEM_SHARED((NPAD, Hw), jnp.float32),
            pltpu.SemaphoreType.DMA,
            pltpu.SemaphoreType.DMA,
            pltpu.SemaphoreType.DMA,
            pltpu.SemaphoreType.DMA,
        ],
    )
    def seg(feat_hbm, src_hbm, dst_hbm, out_hbm, src_v, dst_v, buf0, buf1,
            acc_ref, gs0, gs1, ss0, ss1):
        c = lax.axis_index("c")
        s = lax.axis_index("s")
        base_row = (c * 16 + s) * RPT

        def fzrow(r, carry):
            for k in range(Hw // 16):
                buf1[r, pl.ds(k * 16, 16)] = jnp.zeros((16,), jnp.float32)
            return carry
        lax.fori_loop(0, RPT, fzrow, 0)
        for t in range(OPT // RPT):
            pltpu.async_copy(buf1.at[pl.ds(0, RPT)],
                            acc_ref.at[pl.ds(s * OPT + t * RPT, RPT)], ss1)
        first = True

        for p in range(RPT // HPT):
            src_stage = src_hbm.at[pl.ds(base_row + p * HPT, HPT)]
            dst_stage = dst_hbm.at[pl.ds(base_row + p * HPT, HPT)]
            pltpu.async_copy(src_stage, src_v, gs0)
            pltpu.async_copy(dst_stage, dst_v, gs1)
            pltpu.make_async_copy(src_stage, src_v, gs0).wait()
            pltpu.async_copy(feat_hbm.at[src_v.at[0]], buf0, gs0)
            pltpu.make_async_copy(dst_stage, dst_v, gs1).wait()
            if first:
                for t in range(OPT // RPT):
                    pltpu.make_async_copy(
                        buf1.at[pl.ds(0, RPT)],
                        acc_ref.at[pl.ds(s * OPT + t * RPT, RPT)], ss1).wait()
                plsc.subcore_barrier()
                first = False

            def body(i, carry):
                j0 = 2 * i
                pltpu.make_async_copy(feat_hbm.at[src_v.at[j0]], buf0, gs0).wait()
                pltpu.async_copy(feat_hbm.at[src_v.at[j0 + 1]], buf1, gs1)
                pltpu.async_copy(buf0, acc_ref.at[dst_v.at[j0]], ss0, add=True)
                pltpu.make_async_copy(feat_hbm.at[src_v.at[j0 + 1]], buf1, gs1).wait()
                pltpu.async_copy(buf1, acc_ref.at[dst_v.at[j0 + 1]], ss1, add=True)
                pltpu.make_async_copy(buf0, acc_ref.at[dst_v.at[j0]], ss0).wait()

                @pl.when(i < HPT // 2 - 1)
                def _():
                    pltpu.async_copy(feat_hbm.at[src_v.at[j0 + 2]], buf0, gs0)
                pltpu.make_async_copy(buf1, acc_ref.at[dst_v.at[j0 + 1]], ss1).wait()
                return carry
            lax.fori_loop(0, HPT // 2, body, 0)

        plsc.subcore_barrier()
        pltpu.sync_copy(acc_ref.at[pl.ds(s * OPT, OPT)],
                        out_hbm.at[c, pl.ds(s * OPT, OPT)])
    return seg



def _dsq(deg_ref):
    deg = deg_ref[:, 0] + deg_ref[:, 1]
    return lax.rsqrt(jnp.maximum(deg, 1.0))


def _k1_body(x_ref, w_ref, deg_ref, o_ref):
    dsq = _dsq(deg_ref)
    o_ref[...] = jnp.dot(x_ref[...], w_ref[...],
                         preferred_element_type=jnp.float32) * dsq[:, None]


def _k1(x, W, degp):
    return pl.pallas_call(
        _k1_body,
        grid=(N // MB,),
        in_specs=[
            pl.BlockSpec((MB, D), lambda i: (i, 0)),
            pl.BlockSpec((D, H), lambda i: (0, 0)),
            pl.BlockSpec((MB, 2), lambda i: (i, 0)),
        ],
        out_specs=pl.BlockSpec((MB, H), lambda i: (i, 0)),
        out_shape=jax.ShapeDtypeStruct((N, H), jnp.float32),
    )(x, W, degp)


def _k2_body(rp_ref, deg_ref, b_ref, w_ref, o_ref):
    dsq = _dsq(deg_ref)
    agg = rp_ref[0] + rp_ref[1]
    h = jnp.maximum(agg * dsq[:, None] + b_ref[...], 0.0)
    o_ref[...] = jnp.dot(h, w_ref[...],
                         preferred_element_type=jnp.float32) * dsq[:, None]


def _k2(rp, degp, b, W):
    Wout = W.shape[1]
    return pl.pallas_call(
        _k2_body,
        grid=(N // MB,),
        in_specs=[
            pl.BlockSpec((2, MB, H), lambda i: (0, i, 0)),
            pl.BlockSpec((MB, 2), lambda i: (i, 0)),
            pl.BlockSpec((1, H), lambda i: (0, 0)),
            pl.BlockSpec((H, Wout), lambda i: (0, 0)),
        ],
        out_specs=pl.BlockSpec((MB, Wout), lambda i: (i, 0)),
        out_shape=jax.ShapeDtypeStruct((N, Wout), jnp.float32),
    )(rp, degp, b.reshape(1, H), W)


def _k4_body(rp_ref, deg_ref, b_ref, o_ref):
    dsq = _dsq(deg_ref)
    y = (rp_ref[0, :, :C] + rp_ref[1, :, :C]) * dsq[:, None] + b_ref[...]
    m = jnp.max(y, axis=1, keepdims=True)
    lse = jnp.log(jnp.sum(jnp.exp(y - m), axis=1, keepdims=True)) + m
    o_ref[...] = y - lse


def _k4(rp, degp, b):
    return pl.pallas_call(
        _k4_body,
        grid=(N // MB,),
        in_specs=[
            pl.BlockSpec((2, MB, H), lambda i: (0, i, 0)),
            pl.BlockSpec((MB, 2), lambda i: (i, 0)),
            pl.BlockSpec((1, C), lambda i: (0, 0)),
        ],
        out_specs=pl.BlockSpec((MB, C), lambda i: (i, 0)),
        out_shape=jax.ShapeDtypeStruct((N, C), jnp.float32),
    )(rp, degp, b.reshape(1, C))



def kernel(x, edge_index, edge_attr, W1, b1, W2, b2, W3, b3):
    src = edge_index[0].reshape(EDGE_ROWS, RPS)
    dst = edge_index[1].reshape(EDGE_ROWS, RPS)

    degp = _make_deg()(dst).T
    _seg128 = _make_segsum(H)
    s1 = _k1(x, W1, degp)
    r1 = _seg128(s1, src, dst)
    s2 = _k2(r1, degp, b1, W2)
    r2 = _seg128(s2, src, dst)
    W3p = jnp.pad(W3, ((0, 0), (0, H - C)))
    s3 = _k2(r2, degp, b2, W3p)
    r3 = _seg128(s3, src, dst)
    return _k4(r3, degp, b3)

# --- scband reference (transcript-rebuilt; emitter-appended) ---
"""Pipeline reference for scband-gcn-57174604644381 (READ-ONLY COPY).

The authoritative reference and input builder live on the scoring server;
editing this copy changes nothing except your own understanding.
"""

import jax, jax.numpy as jnp
import numpy as np

N = 10000
E = 320000
D = 128
H = 128
C = 64
DE = 4

def setup_inputs(seed: int = 0) -> dict:
    key = jax.random.key(seed)
    ks = jax.random.split(key, 10)
    x = jax.random.normal(ks[0], (N, D), dtype=jnp.float32)
    edge_index = jax.random.randint(ks[1], (2, E), 0, N, dtype=jnp.int32)
    edge_attr = jax.random.normal(ks[2], (E, DE), dtype=jnp.float32)
    W1 = jax.random.normal(ks[3], (D, H), dtype=jnp.float32) * (1.0 / np.sqrt(D))
    b1 = jnp.zeros((H,), dtype=jnp.float32)
    W2 = jax.random.normal(ks[4], (H, H), dtype=jnp.float32) * (1.0 / np.sqrt(H))
    b2 = jnp.zeros((H,), dtype=jnp.float32)
    W3 = jax.random.normal(ks[5], (H, C), dtype=jnp.float32) * (1.0 / np.sqrt(H))
    b3 = jnp.zeros((C,), dtype=jnp.float32)
    return {"x": x, "edge_index": edge_index, "edge_attr": edge_attr,
            "W1": W1, "b1": b1, "W2": W2, "b2": b2, "W3": W3, "b3": b3}

def reference(x, edge_index, edge_attr, W1, b1, W2, b2, W3, b3):
    # GraphConvolution (Kipf-style): support = x @ W; out = norm-aggregated
    # neighbor sum (sparse adj matmul via gather + segment_sum) + bias.
    # edge_attr is unpacked by the torch module but unused by GCN conv layers.
    src = edge_index[0]
    dst = edge_index[1]
    n = x.shape[0]
    deg = jnp.zeros((n,), dtype=jnp.float32).at[dst].add(1.0)
    deg = jnp.clip(deg, 1.0)
    norm = jax.lax.rsqrt(deg[src] * deg[dst])

    def conv(h, W, b):
        support = h @ W
        msgs = support[src] * norm[:, None]
        agg = jax.ops.segment_sum(msgs, dst, num_segments=n)
        return agg + b

    h = jax.nn.relu(conv(x, W1, b1))
    # dropout: training=False -> identity
    h = jax.nn.relu(conv(h, W2, b2))
    h = conv(h, W3, b3)
    return jax.nn.log_softmax(h, axis=1)

if __name__ == "__main__":
    import jax
    _d = setup_inputs()
    print(jax.jit(kernel)(*tuple(_d.values())))

</pallas_src>

<mosaic_0001>
#map = affine_map<(d0, d1) -> (0, 0)>
#map1 = affine_map<(d0, d1) -> (0, 0, 0)>
module attributes {stable_mosaic.version = 14 : i64} {
  func.func @seg(%arg0: i32, %arg1: i32, %arg2: memref<10000x128xf32, #tpu.memory_space<hbm>>, %arg3: memref<2560x125xi32, #tpu.memory_space<hbm>>, %arg4: memref<2560x125xi32, #tpu.memory_space<hbm>>, %arg5: memref<2x10240x128xf32, #tpu.memory_space<hbm>>, %arg6: memref<40x125xi32, #tpu.memory_space<vmem>>, %arg7: memref<40x125xi32, #tpu.memory_space<vmem>>, %arg8: memref<125x128xf32, #tpu.memory_space<vmem>>, %arg9: memref<125x128xf32, #tpu.memory_space<vmem>>, %arg10: memref<10240x128xf32, #tpu.memory_space<vmem_shared>>, %arg11: memref<!tpu.dma_semaphore, #tpu.memory_space<semaphore_mem>>, %arg12: memref<!tpu.dma_semaphore, #tpu.memory_space<semaphore_mem>>, %arg13: memref<!tpu.dma_semaphore, #tpu.memory_space<semaphore_mem>>, %arg14: memref<!tpu.dma_semaphore, #tpu.memory_space<semaphore_mem>>) attributes {dimension_semantics = [#tpu.dimension_semantics<core_parallel>, #tpu.dimension_semantics<subcore_parallel>], iteration_bounds = array<i64: 2, 16>, scalar_prefetch = 0 : i64, scratch_operands = 9 : i64, tpu.core_type = #tpu.core_type<sc_vector_subcore>, window_params = [{transform_indices = #map}, {transform_indices = #map}, {transform_indices = #map}, {transform_indices = #map1}]} {
    %mul3A = arith.constant 16 : i32
    %mul3A_0 = arith.muli %arg0, %mul3A : i32
    %add3A = arith.addi %mul3A_0, %arg1 : i32
    %mul3A_1 = arith.constant 80 : i32
    %mul3A_2 = arith.muli %add3A, %mul3A_1 : i32
    %scan3A = arith.constant 0 : i32
    %scan3A_3 = arith.constant 0 : i32
    %scan3A_4 = arith.constant 80 : i32
    %scan3A_5 = arith.addi %scan3A_3, %scan3A_4 : i32
    %scan3A_6 = arith.constant 1 : i32
    scf.for %scan3A_301 = %scan3A_3 to %scan3A_5 step %scan3A_6  : i32 {
      %broadcast_in_dim3A = arith.constant 0.000000e+00 : f32
      %broadcast_in_dim3A_302 = vector.broadcast %broadcast_in_dim3A : f32 to vector<16xf32>
      %swap3A = arith.index_cast %scan3A_301 : i32 to index
      %swap3A_303 = arith.constant 0 : index
      %swap3A_304 = tpu.vector_load %arg9[%swap3A, %swap3A_303] {strides = array<i32>} : memref<125x128xf32, #tpu.memory_space<vmem>>, vector<1x16xf32>,
      %swap3A_305 = vector.shape_cast %swap3A_304 : vector<1x16xf32> to vector<16xf32>
      %swap3A_306 = vector.shape_cast %broadcast_in_dim3A_302 : vector<16xf32> to vector<1x16xf32>
      tpu.vector_store %arg9[%swap3A, %swap3A_303], %swap3A_306 {strides = array<i32>} : memref<125x128xf32, #tpu.memory_space<vmem>>, vector<1x16xf32>,
      %broadcast_in_dim3A_307 = arith.constant 0.000000e+00 : f32
      %broadcast_in_dim3A_308 = vector.broadcast %broadcast_in_dim3A_307 : f32 to vector<16xf32>
      %swap3A_309 = arith.index_cast %scan3A_301 : i32 to index
      %swap3A_310 = arith.constant 16 : index
      %swap3A_311 = tpu.vector_load %arg9[%swap3A_309, %swap3A_310] {strides = array<i32>} : memref<125x128xf32, #tpu.memory_space<vmem>>, vector<1x16xf32>,
      %swap3A_312 = vector.shape_cast %swap3A_311 : vector<1x16xf32> to vector<16xf32>
      %swap3A_313 = vector.shape_cast %broadcast_in_dim3A_308 : vector<16xf32> to vector<1x16xf32>
      tpu.vector_store %arg9[%swap3A_309, %swap3A_310], %swap3A_313 {strides = array<i32>} : memref<125x128xf32, #tpu.memory_space<vmem>>, vector<1x16xf32>,
      %broadcast_in_dim3A_314 = arith.constant 0.000000e+00 : f32
      %broadcast_in_dim3A_315 = vector.broadcast %broadcast_in_dim3A_314 : f32 to vector<16xf32>
      %swap3A_316 = arith.index_cast %scan3A_301 : i32 to index
      %swap3A_317 = arith.constant 32 : index
      %swap3A_318 = tpu.vector_load %arg9[%swap3A_316, %swap3A_317] {strides = array<i32>} : memref<125x128xf32, #tpu.memory_space<vmem>>, vector<1x16xf32>,
      %swap3A_319 = vector.shape_cast %swap3A_318 : vector<1x16xf32> to vector<16xf32>
      %swap3A_320 = vector.shape_cast %broadcast_in_dim3A_315 : vector<16xf32> to vector<1x16xf32>
      tpu.vector_store %arg9[%swap3A_316, %swap3A_317], %swap3A_320 {strides = array<i32>} : memref<125x128xf32, #tpu.memory_space<vmem>>, vector<1x16xf32>,
      %broadcast_in_dim3A_321 = arith.constant 0.000000e+00 : f32
      %broadcast_in_dim3A_322 = vector.broadcast %broadcast_in_dim3A_321 : f32 to vector<16xf32>
      %swap3A_323 = arith.index_cast %scan3A_301 : i32 to index
      %swap3A_324 = arith.constant 48 : index
      %swap3A_325 = tpu.vector_load %arg9[%swap3A_323, %swap3A_324] {strides = array<i32>} : memref<125x128xf32, #tpu.memory_space<vmem>>, vector<1x16xf32>,
      %swap3A_326 = vector.shape_cast %swap3A_325 : vector<1x16xf32> to vector<16xf32>
      %swap3A_327 = vector.shape_cast %broadcast_in_dim3A_322 : vector<16xf32> to vector<1x16xf32>
      tpu.vector_store %arg9[%swap3A_323, %swap3A_324], %swap3A_327 {strides = array<i32>} : memref<125x128xf32, #tpu.memory_space<vmem>>, vector<1x16xf32>,
      %broadcast_in_dim3A_328 = arith.constant 0.000000e+00 : f32
      %broadcast_in_dim3A_329 = vector.broadcast %broadcast_in_dim3A_328 : f32 to vector<16xf32>
      %swap3A_330 = arith.index_cast %scan3A_301 : i32 to index
      %swap3A_331 = arith.constant 64 : index
      %swap3A_332 = tpu.vector_load %arg9[%swap3A_330, %swap3A_331] {strides = array<i32>} : memref<125x128xf32, #tpu.memory_space<vmem>>, vector<1x16xf32>,
      %swap3A_333 = vector.shape_cast %swap3A_332 : vector<1x16xf32> to vector<16xf32>
      %swap3A_334 = vector.shape_cast %broadcast_in_dim3A_329 : vector<16xf32> to vector<1x16xf32>
      tpu.vector_store %arg9[%swap3A_330, %swap3A_331], %swap3A_334 {strides = array<i32>} : memref<125x128xf32, #tpu.memory_space<vmem>>, vector<1x16xf32>,
      %broadcast_in_dim3A_335 = arith.constant 0.000000e+00 : f32
      %broadcast_in_dim3A_336 = vector.broadcast %broadcast_in_dim3A_335 : f32 to vector<16xf32>
      %swap3A_337 = arith.index_cast %scan3A_301 : i32 to index
      %swap3A_338 = arith.constant 80 : index
      %swap3A_339 = tpu.vector_load %arg9[%swap3A_337, %swap3A_338] {strides = array<i32>} : memref<125x128xf32, #tpu.memory_space<vmem>>, vector<1x16xf32>,
      %swap3A_340 = vector.shape_cast %swap3A_339 : vector<1x16xf32> to vector<16xf32>
      %swap3A_341 = vector.shape_cast %broadcast_in_dim3A_336 : vector<16xf32> to vector<1x16xf32>
      tpu.vector_store %arg9[%swap3A_337, %swap3A_338], %swap3A_341 {strides = array<i32>} : memref<125x128xf32, #tpu.memory_space<vmem>>, vector<1x16xf32>,
      %broadcast_in_dim3A_342 = arith.constant 0.000000e+00 : f32
      %broadcast_in_dim3A_343 = vector.broadcast %broadcast_in_dim3A_342 : f32 to vector<16xf32>
      %swap3A_344 = arith.index_cast %scan3A_301 : i32 to index
      %swap3A_345 = arith.constant 96 : index
      %swap3A_346 = tpu.vector_load %arg9[%swap3A_344, %swap3A_345] {strides = array<i32>} : memref<125x128xf32, #tpu.memory_space<vmem>>, vector<1x16xf32>,
      %swap3A_347 = vector.shape_cast %swap3A_346 : vector<1x16xf32> to vector<16xf32>
      %swap3A_348 = vector.shape_cast %broadcast_in_dim3A_343 : vector<16xf32> to vector<1x16xf32>
      tpu.vector_store %arg9[%swap3A_344, %swap3A_345], %swap3A_348 {strides = array<i32>} : memref<125x128xf32, #tpu.memory_space<vmem>>, vector<1x16xf32>,
      %broadcast_in_dim3A_349 = arith.constant 0.000000e+00 : f32
      %broadcast_in_dim3A_350 = vector.broadcast %broadcast_in_dim3A_349 : f32 to vector<16xf32>
      %swap3A_351 = arith.index_cast %scan3A_301 : i32 to index
      %swap3A_352 = arith.constant 112 : index
      %swap3A_353 = tpu.vector_load %arg9[%swap3A_351, %swap3A_352] {strides = array<i32>} : memref<125x128xf32, #tpu.memory_space<vmem>>, vector<1x16xf32>,
      %swap3A_354 = vector.shape_cast %swap3A_353 : vector<1x16xf32> to vector<16xf32>
      %swap3A_355 = vector.shape_cast %broadcast_in_dim3A_350 : vector<16xf32> to vector<1x16xf32>
      tpu.vector_store %arg9[%swap3A_351, %swap3A_352], %swap3A_355 {strides = array<i32>} : memref<125x128xf32, #tpu.memory_space<vmem>>, vector<1x16xf32>,
    }
    %scan3A_7 = arith.constant 80 : i32
    %mul3A_8 = arith.constant 640 : i32
    %mul3A_9 = arith.muli %arg1, %mul3A_8 : i32
    %add3A_10 = arith.constant 0 : i32
    %add3A_11 = arith.addi %mul3A_9, %add3A_10 : i32
    %dma_start3A = arith.constant 0 : i32
    %dma_start3A_12 = arith.constant 0 : i32
    %dma_start3A_13 = tpu.memref_slice %arg9[%dma_start3A, %dma_start3A_12] : memref<125x128xf32, #tpu.memory_space<vmem>> -> memref<80x128xf32, #tpu.memory_space<vmem>>
    %dma_start3A_14 = arith.constant 0 : i32
    %dma_start3A_15 = tpu.memref_slice %arg10[%add3A_11, %dma_start3A_14] : memref<10240x128xf32, #tpu.memory_space<vmem_shared>> -> memref<80x128xf32, #tpu.memory_space<vmem_shared>>
    %dma_start3A_16 = arith.constant 0 : i32
    %dma_start3A_17 = tpu.memref_slice %arg10[%add3A_11, %dma_start3A_16] : memref<10240x128xf32, #tpu.memory_space<vmem_shared>> -> memref<80x128xf32, #tpu.memory_space<vmem_shared>>
    %dma_start3A_18 = arith.constant 0 : i32
    %dma_start3A_19 = arith.constant 0 : i32
    %dma_start3A_20 = tpu.memref_slice %arg9[%dma_start3A_18, %dma_start3A_19] : memref<125x128xf32, #tpu.memory_space<vmem>> -> memref<80x128xf32, #tpu.memory_space<vmem>>
    tpu.enqueue_dma source(%dma_start3A_20 : memref<80x128xf32, #tpu.memory_space<vmem>>) target(%dma_start3A_17 : memref<80x128xf32, #tpu.memory_space<vmem_shared>>) target_semaphore(%arg14 : memref<!tpu.dma_semaphore, #tpu.memory_space<semaphore_mem>>)
    %mul3A_21 = arith.constant 640 : i32
    %mul3A_22 = arith.muli %arg1, %mul3A_21 : i32
    %add3A_23 = arith.constant 80 : i32
    %add3A_24 = arith.addi %mul3A_22, %add3A_23 : i32
    %dma_start3A_25 = arith.constant 0 : i32
    %dma_start3A_26 = arith.constant 0 : i32
    %dma_start3A_27 = tpu.memref_slice %arg9[%dma_start3A_25, %dma_start3A_26] : memref<125x128xf32, #tpu.memory_space<vmem>> -> memref<80x128xf32, #tpu.memory_space<vmem>>
    %dma_start3A_28 = arith.constant 0 : i32
    %dma_start3A_29 = tpu.memref_slice %arg10[%add3A_24, %dma_start3A_28] : memref<10240x128xf32, #tpu.memory_space<vmem_shared>> -> memref<80x128xf32, #tpu.memory_space<vmem_shared>>
    %dma_start3A_30 = arith.constant 0 : i32
    %dma_start3A_31 = tpu.memref_slice %arg10[%add3A_24, %dma_start3A_30] : memref<10240x128xf32, #tpu.memory_space<vmem_shared>> -> memref<80x128xf32, #tpu.memory_space<vmem_shared>>
    %dma_start3A_32 = arith.constant 0 : i32
    %dma_start3A_33 = arith.constant 0 : i32
    %dma_start3A_34 = tpu.memref_slice %arg9[%dma_start3A_32, %dma_start3A_33] : memref<125x128xf32, #tpu.memory_space<vmem>> -> memref<80x128xf32, #tpu.memory_space<vmem>>
    tpu.enqueue_dma source(%dma_start3A_34 : memref<80x128xf32, #tpu.memory_space<vmem>>) target(%dma_start3A_31 : memref<80x128xf32, #tpu.memory_space<vmem_shared>>) target_semaphore(%arg14 : memref<!tpu.dma_semaphore, #tpu.memory_space<semaphore_mem>>)
    %mul3A_35 = arith.constant 640 : i32
    %mul3A_36 = arith.muli %arg1, %mul3A_35 : i32
    %add3A_37 = arith.constant 160 : i32
    %add3A_38 = arith.addi %mul3A_36, %add3A_37 : i32
    %dma_start3A_39 = arith.constant 0 : i32
    %dma_start3A_40 = arith.constant 0 : i32
    %dma_start3A_41 = tpu.memref_slice %arg9[%dma_start3A_39, %dma_start3A_40] : memref<125x128xf32, #tpu.memory_space<vmem>> -> memref<80x128xf32, #tpu.memory_space<vmem>>
    %dma_start3A_42 = arith.constant 0 : i32
    %dma_start3A_43 = tpu.memref_slice %arg10[%add3A_38, %dma_start3A_42] : memref<10240x128xf32, #tpu.memory_space<vmem_shared>> -> memref<80x128xf32, #tpu.memory_space<vmem_shared>>
    %dma_start3A_44 = arith.constant 0 : i32
    %dma_start3A_45 = tpu.memref_slice %arg10[%add3A_38, %dma_start3A_44] : memref<10240x128xf32, #tpu.memory_space<vmem_shared>> -> memref<80x128xf32, #tpu.memory_space<vmem_shared>>
    %dma_start3A_46 = arith.constant 0 : i32
    %dma_start3A_47 = arith.constant 0 : i32
    %dma_start3A_48 = tpu.memref_slice %arg9[%dma_start3A_46, %dma_start3A_47] : memref<125x128xf32, #tpu.memory_space<vmem>> -> memref<80x128xf32, #tpu.memory_space<vmem>>
    tpu.enqueue_dma source(%dma_start3A_48 : memref<80x128xf32, #tpu.memory_space<vmem>>) target(%dma_start3A_45 : memref<80x128xf32, #tpu.memory_space<vmem_shared>>) target_semaphore(%arg14 : memref<!tpu.dma_semaphore, #tpu.memory_space<semaphore_mem>>)
    %mul3A_49 = arith.constant 640 : i32
    %mul3A_50 = arith.muli %arg1, %mul3A_49 : i32
    %add3A_51 = arith.constant 240 : i32
    %add3A_52 = arith.addi %mul3A_50, %add3A_51 : i32
    %dma_start3A_53 = arith.constant 0 : i32
    %dma_start3A_54 = arith.constant 0 : i32
    %dma_start3A_55 = tpu.memref_slice %arg9[%dma_start3A_53, %dma_start3A_54] : memref<125x128xf32, #tpu.memory_space<vmem>> -> memref<80x128xf32, #tpu.memory_space<vmem>>
    %dma_start3A_56 = arith.constant 0 : i32
    %dma_start3A_57 = tpu.memref_slice %arg10[%add3A_52, %dma_start3A_56] : memref<10240x128xf32, #tpu.memory_space<vmem_shared>> -> memref<80x128xf32, #tpu.memory_space<vmem_shared>>
    %dma_start3A_58 = arith.constant 0 : i32
    %dma_start3A_59 = tpu.memref_slice %arg10[%add3A_52, %dma_start3A_58] : memref<10240x128xf32, #tpu.memory_space<vmem_shared>> -> memref<80x128xf32, #tpu.memory_space<vmem_shared>>
    %dma_start3A_60 = arith.constant 0 : i32
    %dma_start3A_61 = arith.constant 0 : i32
    %dma_start3A_62 = tpu.memref_slice %arg9[%dma_start3A_60, %dma_start3A_61] : memref<125x128xf32, #tpu.memory_space<vmem>> -> memref<80x128xf32, #tpu.memory_space<vmem>>
    tpu.enqueue_dma source(%dma_start3A_62 : memref<80x128xf32, #tpu.memory_space<vmem>>) target(%dma_start3A_59 : memref<80x128xf32, #tpu.memory_space<vmem_shared>>) target_semaphore(%arg14 : memref<!tpu.dma_semaphore, #tpu.memory_space<semaphore_mem>>)
    %mul3A_63 = arith.constant 640 : i32
    %mul3A_64 = arith.muli %arg1, %mul3A_63 : i32
    %add3A_65 = arith.constant 320 : i32
    %add3A_66 = arith.addi %mul3A_64, %add3A_65 : i32
    %dma_start3A_67 = arith.constant 0 : i32
    %dma_start3A_68 = arith.constant 0 : i32
    %dma_start3A_69 = tpu.memref_slice %arg9[%dma_start3A_67, %dma_start3A_68] : memref<125x128xf32, #tpu.memory_space<vmem>> -> memref<80x128xf32, #tpu.memory_space<vmem>>
    %dma_start3A_70 = arith.constant 0 : i32
    %dma_start3A_71 = tpu.memref_slice %arg10[%add3A_66, %dma_start3A_70] : memref<10240x128xf32, #tpu.memory_space<vmem_shared>> -> memref<80x128xf32, #tpu.memory_space<vmem_shared>>
    %dma_start3A_72 = arith.constant 0 : i32
    %dma_start3A_73 = tpu.memref_slice %arg10[%add3A_66, %dma_start3A_72] : memref<10240x128xf32, #tpu.memory_space<vmem_shared>> -> memref<80x128xf32, #tpu.memory_space<vmem_shared>>
    %dma_start3A_74 = arith.constant 0 : i32
    %dma_start3A_75 = arith.constant 0 : i32
    %dma_start3A_76 = tpu.memref_slice %arg9[%dma_start3A_74, %dma_start3A_75] : memref<125x128xf32, #tpu.memory_space<vmem>> -> memref<80x128xf32, #tpu.memory_space<vmem>>
    tpu.enqueue_dma source(%dma_start3A_76 : memref<80x128xf32, #tpu.memory_space<vmem>>) target(%dma_start3A_73 : memref<80x128xf32, #tpu.memory_space<vmem_shared>>) target_semaphore(%arg14 : memref<!tpu.dma_semaphore, #tpu.memory_space<semaphore_mem>>)
    %mul3A_77 = arith.constant 640 : i32
    %mul3A_78 = arith.muli %arg1, %mul3A_77 : i32
    %add3A_79 = arith.constant 400 : i32
    %add3A_80 = arith.addi %mul3A_78, %add3A_79 : i32
    %dma_start3A_81 = arith.constant 0 : i32
    %dma_start3A_82 = arith.constant 0 : i32
    %dma_start3A_83 = tpu.memref_slice %arg9[%dma_start3A_81, %dma_start3A_82] : memref<125x128xf32, #tpu.memory_space<vmem>> -> memref<80x128xf32, #tpu.memory_space<vmem>>
    %dma_start3A_84 = arith.constant 0 : i32
    %dma_start3A_85 = tpu.memref_slice %arg10[%add3A_80, %dma_start3A_84] : memref<10240x128xf32, #tpu.memory_space<vmem_shared>> -> memref<80x128xf32, #tpu.memory_space<vmem_shared>>
    %dma_start3A_86 = arith.constant 0 : i32
    %dma_start3A_87 = tpu.memref_slice %arg10[%add3A_80, %dma_start3A_86] : memref<10240x128xf32, #tpu.memory_space<vmem_shared>> -> memref<80x128xf32, #tpu.memory_space<vmem_shared>>
    %dma_start3A_88 = arith.constant 0 : i32
    %dma_start3A_89 = arith.constant 0 : i32
    %dma_start3A_90 = tpu.memref_slice %arg9[%dma_start3A_88, %dma_start3A_89] : memref<125x128xf32, #tpu.memory_space<vmem>> -> memref<80x128xf32, #tpu.memory_space<vmem>>
    tpu.enqueue_dma source(%dma_start3A_90 : memref<80x128xf32, #tpu.memory_space<vmem>>) target(%dma_start3A_87 : memref<80x128xf32, #tpu.memory_space<vmem_shared>>) target_semaphore(%arg14 : memref<!tpu.dma_semaphore, #tpu.memory_space<semaphore_mem>>)
    %mul3A_91 = arith.constant 640 : i32
    %mul3A_92 = arith.muli %arg1, %mul3A_91 : i32
    %add3A_93 = arith.constant 480 : i32
    %add3A_94 = arith.addi %mul3A_92, %add3A_93 : i32
    %dma_start3A_95 = arith.constant 0 : i32
    %dma_start3A_96 = arith.constant 0 : i32
    %dma_start3A_97 = tpu.memref_slice %arg9[%dma_start3A_95, %dma_start3A_96] : memref<125x128xf32, #tpu.memory_space<vmem>> -> memref<80x128xf32, #tpu.memory_space<vmem>>
    %dma_start3A_98 = arith.constant 0 : i32
    %dma_start3A_99 = tpu.memref_slice %arg10[%add3A_94, %dma_start3A_98] : memref<10240x128xf32, #tpu.memory_space<vmem_shared>> -> memref<80x128xf32, #tpu.memory_space<vmem_shared>>
    %dma_start3A_100 = arith.constant 0 : i32
    %dma_start3A_101 = tpu.memref_slice %arg10[%add3A_94, %dma_start3A_100] : memref<10240x128xf32, #tpu.memory_space<vmem_shared>> -> memref<80x128xf32, #tpu.memory_space<vmem_shared>>
    %dma_start3A_102 = arith.constant 0 : i32
    %dma_start3A_103 = arith.constant 0 : i32
    %dma_start3A_104 = tpu.memref_slice %arg9[%dma_start3A_102, %dma_start3A_103] : memref<125x128xf32, #tpu.memory_space<vmem>> -> memref<80x128xf32, #tpu.memory_space<vmem>>
    tpu.enqueue_dma source(%dma_start3A_104 : memref<80x128xf32, #tpu.memory_space<vmem>>) target(%dma_start3A_101 : memref<80x128xf32, #tpu.memory_space<vmem_shared>>) target_semaphore(%arg14 : memref<!tpu.dma_semaphore, #tpu.memory_space<semaphore_mem>>)
    %mul3A_105 = arith.constant 640 : i32
    %mul3A_106 = arith.muli %arg1, %mul3A_105 : i32
    %add3A_107 = arith.constant 560 : i32
    %add3A_108 = arith.addi %mul3A_106, %add3A_107 : i32
    %dma_start3A_109 = arith.constant 0 : i32
    %dma_start3A_110 = arith.constant 0 : i32
    %dma_start3A_111 = tpu.memref_slice %arg9[%dma_start3A_109, %dma_start3A_110] : memref<125x128xf32, #tpu.memory_space<vmem>> -> memref<80x128xf32, #tpu.memory_space<vmem>>
    %dma_start3A_112 = arith.constant 0 : i32
    %dma_start3A_113 = tpu.memref_slice %arg10[%add3A_108, %dma_start3A_112] : memref<10240x128xf32, #tpu.memory_space<vmem_shared>> -> memref<80x128xf32, #tpu.memory_space<vmem_shared>>
    %dma_start3A_114 = arith.constant 0 : i32
    %dma_start3A_115 = tpu.memref_slice %arg10[%add3A_108, %dma_start3A_114] : memref<10240x128xf32, #tpu.memory_space<vmem_shared>> -> memref<80x128xf32, #tpu.memory_space<vmem_shared>>
    %dma_start3A_116 = arith.constant 0 : i32
    %dma_start3A_117 = arith.constant 0 : i32
    %dma_start3A_118 = tpu.memref_slice %arg9[%dma_start3A_116, %dma_start3A_117] : memref<125x128xf32, #tpu.memory_space<vmem>> -> memref<80x128xf32, #tpu.memory_space<vmem>>
    tpu.enqueue_dma source(%dma_start3A_118 : memref<80x128xf32, #tpu.memory_space<vmem>>) target(%dma_start3A_115 : memref<80x128xf32, #tpu.memory_space<vmem_shared>>) target_semaphore(%arg14 : memref<!tpu.dma_semaphore, #tpu.memory_space<semaphore_mem>>)
    %add3A_119 = arith.constant 0 : i32
    %add3A_120 = arith.addi %mul3A_2, %add3A_119 : i32
    %add3A_121 = arith.constant 0 : i32
    %add3A_122 = arith.addi %mul3A_2, %add3A_121 : i32
    %dma_start3A_123 = arith.constant 0 : i32
    %dma_start3A_124 = tpu.memref_slice %arg3[%add3A_120, %dma_start3A_123] : memref<2560x125xi32, #tpu.memory_space<hbm>> -> memref<40x125xi32, #tpu.memory_space<hbm>>
    %dma_start3A_125 = arith.constant 0 : i32
    %dma_start3A_126 = tpu.memref_slice %arg3[%add3A_120, %dma_start3A_125] : memref<2560x125xi32, #tpu.memory_space<hbm>> -> memref<40x125xi32, #tpu.memory_space<hbm>>
    tpu.enqueue_dma source(%dma_start3A_126 : memref<40x125xi32, #tpu.memory_space<hbm>>) target(%arg6 : memref<40x125xi32, #tpu.memory_space<vmem>>) target_semaphore(%arg11 : memref<!tpu.dma_semaphore, #tpu.memory_space<semaphore_mem>>)
    %dma_start3A_127 = arith.constant 0 : i32
    %dma_start3A_128 = tpu.memref_slice %arg4[%add3A_122, %dma_start3A_127] : memref<2560x125xi32, #tpu.memory_space<hbm>> -> memref<40x125xi32, #tpu.memory_space<hbm>>
    %dma_start3A_129 = arith.constant 0 : i32
    %dma_start3A_130 = tpu.memref_slice %arg4[%add3A_122, %dma_start3A_129] : memref<2560x125xi32, #tpu.memory_space<hbm>> -> memref<40x125xi32, #tpu.memory_space<hbm>>
    tpu.enqueue_dma source(%dma_start3A_130 : memref<40x125xi32, #tpu.memory_space<hbm>>) target(%arg7 : memref<40x125xi32, #tpu.memory_space<vmem>>) target_semaphore(%arg12 : memref<!tpu.dma_semaphore, #tpu.memory_space<semaphore_mem>>)
    %dma_wait3A = arith.constant 0 : i32
    %dma_wait3A_131 = tpu.memref_slice %arg3[%add3A_120, %dma_wait3A] : memref<2560x125xi32, #tpu.memory_space<hbm>> -> memref<40x125xi32, #tpu.memory_space<hbm>>
    %dma_wait3A_132 = arith.constant 0 : i32
    %dma_wait3A_133 = tpu.memref_slice %arg3[%add3A_120, %dma_wait3A_132] : memref<2560x125xi32, #tpu.memory_space<hbm>> -> memref<40x125xi32, #tpu.memory_space<hbm>>
    tpu.wait_dma2 semaphore(%arg11 : memref<!tpu.dma_semaphore, #tpu.memory_space<semaphore_mem>>) src(%dma_wait3A_133 : memref<40x125xi32, #tpu.memory_space<hbm>>) dst(%arg6 : memref<40x125xi32, #tpu.memory_space<vmem>>)
    %dma_start3A_134 = arith.constant 0 : i32
    %dma_start3A_135 = arith.constant 0 : i32
    %dma_start3A_136 = tpu.memref_slice %arg6[%dma_start3A_134, %dma_start3A_135] : memref<40x125xi32, #tpu.memory_space<vmem>> -> memref<1x125xi32, #tpu.memory_space<vmem>>
    %dma_start3A_137 = tpu.memref_squeeze %dma_start3A_136 : memref<1x125xi32, #tpu.memory_space<vmem>> -> memref<125xi32, #tpu.memory_space<vmem>>
    %dma_start3A_138 = arith.constant 0 : i32
    %dma_start3A_139 = arith.constant 0 : i32
    %dma_start3A_140 = tpu.memref_slice %arg2[%dma_start3A_138, %dma_start3A_139] : memref<10000x128xf32, #tpu.memory_space<hbm>> -> memref<10000x128xf32, #tpu.memory_space<hbm>>
    tpu.enqueue_indirect_dma source(%dma_start3A_140 : memref<10000x128xf32, #tpu.memory_space<hbm>>) target(%arg8 : memref<125x128xf32, #tpu.memory_space<vmem>>) offsets(%dma_start3A_137 : memref<125xi32, #tpu.memory_space<vmem>>) semaphore(%arg11 : memref<!tpu.dma_semaphore, #tpu.memory_space<semaphore_mem>>)
    %dma_wait3A_141 = arith.constant 0 : i32
    %dma_wait3A_142 = tpu.memref_slice %arg4[%add3A_122, %dma_wait3A_141] : memref<2560x125xi32, #tpu.memory_space<hbm>> -> memref<40x125xi32, #tpu.memory_space<hbm>>
    %dma_wait3A_143 = arith.constant 0 : i32
    %dma_wait3A_144 = tpu.memref_slice %arg4[%add3A_122, %dma_wait3A_143] : memref<2560x125xi32, #tpu.memory_space<hbm>> -> memref<40x125xi32, #tpu.memory_space<hbm>>
    tpu.wait_dma2 semaphore(%arg12 : memref<!tpu.dma_semaphore, #tpu.memory_space<semaphore_mem>>) src(%dma_wait3A_144 : memref<40x125xi32, #tpu.memory_space<hbm>>) dst(%arg7 : memref<40x125xi32, #tpu.memory_space<vmem>>)
    %mul3A_145 = arith.constant 640 : i32
    %mul3A_146 = arith.muli %arg1, %mul3A_145 : i32
    %add3A_147 = arith.constant 0 : i32
    %add3A_148 = arith.addi %mul3A_146, %add3A_147 : i32
    %dma_wait3A_149 = arith.constant 0 : i32
    %dma_wait3A_150 = arith.constant 0 : i32
    %dma_wait3A_151 = tpu.memref_slice %arg9[%dma_wait3A_149, %dma_wait3A_150] : memref<125x128xf32, #tpu.memory_space<vmem>> -> memref<80x128xf32, #tpu.memory_space<vmem>>
    %dma_wait3A_152 = arith.constant 0 : i32
    %dma_wait3A_153 = tpu.memref_slice %arg10[%add3A_148, %dma_wait3A_152] : memref<10240x128xf32, #tpu.memory_space<vmem_shared>> -> memref<80x128xf32, #tpu.memory_space<vmem_shared>>
    %dma_wait3A_154 = arith.constant 0 : i32
    %dma_wait3A_155 = tpu.memref_slice %arg10[%add3A_148, %dma_wait3A_154] : memref<10240x128xf32, #tpu.memory_space<vmem_shared>> -> memref<80x128xf32, #tpu.memory_space<vmem_shared>>
    %dma_wait3A_156 = arith.constant 0 : i32
    %dma_wait3A_157 = arith.constant 0 : i32
    %dma_wait3A_158 = tpu.memref_slice %arg9[%dma_wait3A_156, %dma_wait3A_157] : memref<125x128xf32, #tpu.memory_space<vmem>> -> memref<80x128xf32, #tpu.memory_space<vmem>>
    tpu.wait_dma2 semaphore(%arg14 : memref<!tpu.dma_semaphore, #tpu.memory_space<semaphore_mem>>) src(%dma_wait3A_158 : memref<80x128xf32, #tpu.memory_space<vmem>>) dst(%dma_wait3A_155 : memref<80x128xf32, #tpu.memory_space<vmem_shared>>)
    %mul3A_159 = arith.constant 640 : i32
    %mul3A_160 = arith.muli %arg1, %mul3A_159 : i32
    %add3A_161 = arith.constant 80 : i32
    %add3A_162 = arith.addi %mul3A_160, %add3A_161 : i32
    %dma_wait3A_163 = arith.constant 0 : i32
    %dma_wait3A_164 = arith.constant 0 : i32
    %dma_wait3A_165 = tpu.memref_slice %arg9[%dma_wait3A_163, %dma_wait3A_164] : memref<125x128xf32, #tpu.memory_space<vmem>> -> memref<80x128xf32, #tpu.memory_space<vmem>>
    %dma_wait3A_166 = arith.constant 0 : i32
    %dma_wait3A_167 = tpu.memref_slice %arg10[%add3A_162, %dma_wait3A_166] : memref<10240x128xf32, #tpu.memory_space<vmem_shared>> -> memref<80x128xf32, #tpu.memory_space<vmem_shared>>
    %dma_wait3A_168 = arith.constant 0 : i32
    %dma_wait3A_169 = tpu.memref_slice %arg10[%add3A_162, %dma_wait3A_168] : memref<10240x128xf32, #tpu.memory_space<vmem_shared>> -> memref<80x128xf32, #tpu.memory_space<vmem_shared>>
    %dma_wait3A_170 = arith.constant 0 : i32
    %dma_wait3A_171 = arith.constant 0 : i32
    %dma_wait3A_172 = tpu.memref_slice %arg9[%dma_wait3A_170, %dma_wait3A_171] : memref<125x128xf32, #tpu.memory_space<vmem>> -> memref<80x128xf32, #tpu.memory_space<vmem>>
    tpu.wait_dma2 semaphore(%arg14 : memref<!tpu.dma_semaphore, #tpu.memory_space<semaphore_mem>>) src(%dma_wait3A_172 : memref<80x128xf32, #tpu.memory_space<vmem>>) dst(%dma_wait3A_169 : memref<80x128xf32, #tpu.memory_space<vmem_shared>>)
    %mul3A_173 = arith.constant 640 : i32
    %mul3A_174 = arith.muli %arg1, %mul3A_173 : i32
    %add3A_175 = arith.constant 160 : i32
    %add3A_176 = arith.addi %mul3A_174, %add3A_175 : i32
    %dma_wait3A_177 = arith.constant 0 : i32
    %dma_wait3A_178 = arith.constant 0 : i32
    %dma_wait3A_179 = tpu.memref_slice %arg9[%dma_wait3A_177, %dma_wait3A_178] : memref<125x128xf32, #tpu.memory_space<vmem>> -> memref<80x128xf32, #tpu.memory_space<vmem>>
    %dma_wait3A_180 = arith.constant 0 : i32
    %dma_wait3A_181 = tpu.memref_slice %arg10[%add3A_176, %dma_wait3A_180] : memref<10240x128xf32, #tpu.memory_space<vmem_shared>> -> memref<80x128xf32, #tpu.memory_space<vmem_shared>>
    %dma_wait3A_182 = arith.constant 0 : i32
    %dma_wait3A_183 = tpu.memref_slice %arg10[%add3A_176, %dma_wait3A_182] : memref<10240x128xf32, #tpu.memory_space<vmem_shared>> -> memref<80x128xf32, #tpu.memory_space<vmem_shared>>
    %dma_wait3A_184 = arith.constant 0 : i32
    %dma_wait3A_185 = arith.constant 0 : i32
    %dma_wait3A_186 = tpu.memref_slice %arg9[%dma_wait3A_184, %dma_wait3A_185] : memref<125x128xf32, #tpu.memory_space<vmem>> -> memref<80x128xf32, #tpu.memory_space<vmem>>
    tpu.wait_dma2 semaphore(%arg14 : memref<!tpu.dma_semaphore, #tpu.memory_space<semaphore_mem>>) src(%dma_wait3A_186 : memref<80x128xf32, #tpu.memory_space<vmem>>) dst(%dma_wait3A_183 : memref<80x128xf32, #tpu.memory_space<vmem_shared>>)
    %mul3A_187 = arith.constant 640 : i32
    %mul3A_188 = arith.muli %arg1, %mul3A_187 : i32
    %add3A_189 = arith.constant 240 : i32
    %add3A_190 = arith.addi %mul3A_188, %add3A_189 : i32
    %dma_wait3A_191 = arith.constant 0 : i32
    %dma_wait3A_192 = arith.constant 0 : i32
    %dma_wait3A_193 = tpu.memref_slice %arg9[%dma_wait3A_191, %dma_wait3A_192] : memref<125x128xf32, #tpu.memory_space<vmem>> -> memref<80x128xf32, #tpu.memory_space<vmem>>
    %dma_wait3A_194 = arith.constant 0 : i32
    %dma_wait3A_195 = tpu.memref_slice %arg10[%add3A_190, %dma_wait3A_194] : memref<10240x128xf32, #tpu.memory_space<vmem_shared>> -> memref<80x128xf32, #tpu.memory_space<vmem_shared>>
    %dma_wait3A_196 = arith.constant 0 : i32
    %dma_wait3A_197 = tpu.memref_slice %arg10[%add3A_190, %dma_wait3A_196] : memref<10240x128xf32, #tpu.memory_space<vmem_shared>> -> memref<80x128xf32, #tpu.memory_space<vmem_shared>>
    %dma_wait3A_198 = arith.constant 0 : i32
    %dma_wait3A_199 = arith.constant 0 : i32
    %dma_wait3A_200 = tpu.memref_slice %arg9[%dma_wait3A_198, %dma_wait3A_199] : memref<125x128xf32, #tpu.memory_space<vmem>> -> memref<80x128xf32, #tpu.memory_space<vmem>>
    tpu.wait_dma2 semaphore(%arg14 : memref<!tpu.dma_semaphore, #tpu.memory_space<semaphore_mem>>) src(%dma_wait3A_200 : memref<80x128xf32, #tpu.memory_space<vmem>>) dst(%dma_wait3A_197 : memref<80x128xf32, #tpu.memory_space<vmem_shared>>)
    %mul3A_201 = arith.constant 640 : i32
    %mul3A_202 = arith.muli %arg1, %mul3A_201 : i32
    %add3A_203 = arith.constant 320 : i32
    %add3A_204 = arith.addi %mul3A_202, %add3A_203 : i32
    %dma_wait3A_205 = arith.constant 0 : i32
    %dma_wait3A_206 = arith.constant 0 : i32
    %dma_wait3A_207 = tpu.memref_slice %arg9[%dma_wait3A_205, %dma_wait3A_206] : memref<125x128xf32, #tpu.memory_space<vmem>> -> memref<80x128xf32, #tpu.memory_space<vmem>>
    %dma_wait3A_208 = arith.constant 0 : i32
    %dma_wait3A_209 = tpu.memref_slice %arg10[%add3A_204, %dma_wait3A_208] : memref<10240x128xf32, #tpu.memory_space<vmem_shared>> -> memref<80x128xf32, #tpu.memory_space<vmem_shared>>
    %dma_wait3A_210 = arith.constant 0 : i32
    %dma_wait3A_211 = tpu.memref_slice %arg10[%add3A_204, %dma_wait3A_210] : memref<10240x128xf32, #tpu.memory_space<vmem_shared>> -> memref<80x128xf32, #tpu.memory_space<vmem_shared>>
    %dma_wait3A_212 = arith.constant 0 : i32
    %dma_wait3A_213 = arith.constant 0 : i32
    %dma_wait3A_214 = tpu.memref_slice %arg9[%dma_wait3A_212, %dma_wait3A_213] : memref<125x128xf32, #tpu.memory_space<vmem>> -> memref<80x128xf32, #tpu.memory_space<vmem>>
    tpu.wait_dma2 semaphore(%arg14 : memref<!tpu.dma_semaphore, #tpu.memory_space<semaphore_mem>>) src(%dma_wait3A_214 : memref<80x128xf32, #tpu.memory_space<vmem>>) dst(%dma_wait3A_211 : memref<80x128xf32, #tpu.memory_space<vmem_shared>>)
    %mul3A_215 = arith.constant 640 : i32
    %mul3A_216 = arith.muli %arg1, %mul3A_215 : i32
    %add3A_217 = arith.constant 400 : i32
    %add3A_218 = arith.addi %mul3A_216, %add3A_217 : i32
    %dma_wait3A_219 = arith.constant 0 : i32
    %dma_wait3A_220 = arith.constant 0 : i32
    %dma_wait3A_221 = tpu.memref_slice %arg9[%dma_wait3A_219, %dma_wait3A_220] : memref<125x128xf32, #tpu.memory_space<vmem>> -> memref<80x128xf32, #tpu.memory_space<vmem>>
    %dma_wait3A_222 = arith.constant 0 : i32
    %dma_wait3A_223 = tpu.memref_slice %arg10[%add3A_218, %dma_wait3A_222] : memref<10240x128xf32, #tpu.memory_space<vmem_shared>> -> memref<80x128xf32, #tpu.memory_space<vmem_shared>>
    %dma_wait3A_224 = arith.constant 0 : i32
    %dma_wait3A_225 = tpu.memref_slice %arg10[%add3A_218, %dma_wait3A_224] : memref<10240x128xf32, #tpu.memory_space<vmem_shared>> -> memref<80x128xf32, #tpu.memory_space<vmem_shared>>
    %dma_wait3A_226 = arith.constant 0 : i32
    %dma_wait3A_227 = arith.constant 0 : i32
    %dma_wait3A_228 = tpu.memref_slice %arg9[%dma_wait3A_226, %dma_wait3A_227] : memref<125x128xf32, #tpu.memory_space<vmem>> -> memref<80x128xf32, #tpu.memory_space<vmem>>
    tpu.wait_dma2 semaphore(%arg14 : memref<!tpu.dma_semaphore, #tpu.memory_space<semaphore_mem>>) src(%dma_wait3A_228 : memref<80x128xf32, #tpu.memory_space<vmem>>) dst(%dma_wait3A_225 : memref<80x128xf32, #tpu.memory_space<vmem_shared>>)
    %mul3A_229 = arith.constant 640 : i32
    %mul3A_230 = arith.muli %arg1, %mul3A_229 : i32
    %add3A_231 = arith.constant 480 : i32
    %add3A_232 = arith.addi %mul3A_230, %add3A_231 : i32
    %dma_wait3A_233 = arith.constant 0 : i32
    %dma_wait3A_234 = arith.constant 0 : i32
    %dma_wait3A_235 = tpu.memref_slice %arg9[%dma_wait3A_233, %dma_wait3A_234] : memref<125x128xf32, #tpu.memory_space<vmem>> -> memref<80x128xf32, #tpu.memory_space<vmem>>
    %dma_wait3A_236 = arith.constant 0 : i32
    %dma_wait3A_237 = tpu.memref_slice %arg10[%add3A_232, %dma_wait3A_236] : memref<10240x128xf32, #tpu.memory_space<vmem_shared>> -> memref<80x128xf32, #tpu.memory_space<vmem_shared>>
    %dma_wait3A_238 = arith.constant 0 : i32
    %dma_wait3A_239 = tpu.memref_slice %arg10[%add3A_232, %dma_wait3A_238] : memref<10240x128xf32, #tpu.memory_space<vmem_shared>> -> memref<80x128xf32, #tpu.memory_space<vmem_shared>>
    %dma_wait3A_240 = arith.constant 0 : i32
    %dma_wait3A_241 = arith.constant 0 : i32
    %dma_wait3A_242 = tpu.memref_slice %arg9[%dma_wait3A_240, %dma_wait3A_241] : memref<125x128xf32, #tpu.memory_space<vmem>> -> memref<80x128xf32, #tpu.memory_space<vmem>>
    tpu.wait_dma2 semaphore(%arg14 : memref<!tpu.dma_semaphore, #tpu.memory_space<semaphore_mem>>) src(%dma_wait3A_242 : memref<80x128xf32, #tpu.memory_space<vmem>>) dst(%dma_wait3A_239 : memref<80x128xf32, #tpu.memory_space<vmem_shared>>)
    %mul3A_243 = arith.constant 640 : i32
    %mul3A_244 = arith.muli %arg1, %mul3A_243 : i32
    %add3A_245 = arith.constant 560 : i32
    %add3A_246 = arith.addi %mul3A_244, %add3A_245 : i32
    %dma_wait3A_247 = arith.constant 0 : i32
    %dma_wait3A_248 = arith.constant 0 : i32
    %dma_wait3A_249 = tpu.memref_slice %arg9[%dma_wait3A_247, %dma_wait3A_248] : memref<125x128xf32, #tpu.memory_space<vmem>> -> memref<80x128xf32, #tpu.memory_space<vmem>>
    %dma_wait3A_250 = arith.constant 0 : i32
    %dma_wait3A_251 = tpu.memref_slice %arg10[%add3A_246, %dma_wait3A_250] : memref<10240x128xf32, #tpu.memory_space<vmem_shared>> -> memref<80x128xf32, #tpu.memory_space<vmem_shared>>
    %dma_wait3A_252 = arith.constant 0 : i32
    %dma_wait3A_253 = tpu.memref_slice %arg10[%add3A_246, %dma_wait3A_252] : memref<10240x128xf32, #tpu.memory_space<vmem_shared>> -> memref<80x128xf32, #tpu.memory_space<vmem_shared>>
    %dma_wait3A_254 = arith.constant 0 : i32
    %dma_wait3A_255 = arith.constant 0 : i32
    %dma_wait3A_256 = tpu.memref_slice %arg9[%dma_wait3A_254, %dma_wait3A_255] : memref<125x128xf32, #tpu.memory_space<vmem>> -> memref<80x128xf32, #tpu.memory_space<vmem>>
    tpu.wait_dma2 semaphore(%arg14 : memref<!tpu.dma_semaphore, #tpu.memory_space<semaphore_mem>>) src(%dma_wait3A_256 : memref<80x128xf32, #tpu.memory_space<vmem>>) dst(%dma_wait3A_253 : memref<80x128xf32, #tpu.memory_space<vmem_shared>>)
    %barrier3A = arith.constant 0 : index
    tpu.barrier barrier_id(%barrier3A)
    %scan3A_257 = arith.constant 0 : i32
    %scan3A_258 = arith.constant 0 : i32
    %scan3A_259 = arith.constant 20 : i32
    %scan3A_260 = arith.addi %scan3A_258, %scan3A_259 : i32
    %scan3A_261 = arith.constant 1 : i32
    scf.for %scan3A_301 = %scan3A_258 to %scan3A_260 step %scan3A_261  : i32 {
      %mul3A_302 = arith.constant 2 : i32
      %mul3A_303 = arith.muli %mul3A_302, %scan3A_301 : i32
      %dma_wait3A_304 = arith.constant 0 : i32
      %dma_wait3A_305 = tpu.memref_slice %arg6[%mul3A_303, %dma_wait3A_304] : memref<40x125xi32, #tpu.memory_space<vmem>> -> memref<1x125xi32, #tpu.memory_space<vmem>>
      %dma_wait3A_306 = tpu.memref_squeeze %dma_wait3A_305 : memref<1x125xi32, #tpu.memory_space<vmem>> -> memref<125xi32, #tpu.memory_space<vmem>>
      %dma_wait3A_307 = arith.constant 0 : i32
      %dma_wait3A_308 = arith.constant 0 : i32
      %dma_wait3A_309 = tpu.memref_slice %arg2[%dma_wait3A_307, %dma_wait3A_308] : memref<10000x128xf32, #tpu.memory_space<hbm>> -> memref<10000x128xf32, #tpu.memory_space<hbm>>
      tpu.wait_indirect_dma semaphore(%arg11 : memref<!tpu.dma_semaphore, #tpu.memory_space<semaphore_mem>>) src(%dma_wait3A_309 : memref<10000x128xf32, #tpu.memory_space<hbm>>) dst(%arg8 : memref<125x128xf32, #tpu.memory_space<vmem>>)
      %add3A_310 = arith.constant 1 : i32
      %add3A_311 = arith.addi %mul3A_303, %add3A_310 : i32
      %dma_start3A_312 = arith.constant 0 : i32
      %dma_start3A_313 = tpu.memref_slice %arg6[%add3A_311, %dma_start3A_312] : memref<40x125xi32, #tpu.memory_space<vmem>> -> memref<1x125xi32, #tpu.memory_space<vmem>>
      %dma_start3A_314 = tpu.memref_squeeze %dma_start3A_313 : memref<1x125xi32, #tpu.memory_space<vmem>> -> memref<125xi32, #tpu.memory_space<vmem>>
      %dma_start3A_315 = arith.constant 0 : i32
      %dma_start3A_316 = arith.constant 0 : i32
      %dma_start3A_317 = tpu.memref_slice %arg2[%dma_start3A_315, %dma_start3A_316] : memref<10000x128xf32, #tpu.memory_space<hbm>> -> memref<10000x128xf32, #tpu.memory_space<hbm>>
      tpu.enqueue_indirect_dma source(%dma_start3A_317 : memref<10000x128xf32, #tpu.memory_space<hbm>>) target(%arg9 : memref<125x128xf32, #tpu.memory_space<vmem>>) offsets(%dma_start3A_314 : memref<125xi32, #tpu.memory_space<vmem>>) semaphore(%arg12 : memref<!tpu.dma_semaphore, #tpu.memory_space<semaphore_mem>>)
      %dma_start3A_318 = arith.constant 0 : i32
      %dma_start3A_319 = tpu.memref_slice %arg7[%mul3A_303, %dma_start3A_318] : memref<40x125xi32, #tpu.memory_space<vmem>> -> memref<1x125xi32, #tpu.memory_space<vmem>>
      %dma_start3A_320 = tpu.memref_squeeze %dma_start3A_319 : memref<1x125xi32, #tpu.memory_space<vmem>> -> memref<125xi32, #tpu.memory_space<vmem>>
      %dma_start3A_321 = arith.constant 0 : i32
      %dma_start3A_322 = arith.constant 0 : i32
      %dma_start3A_323 = tpu.memref_slice %arg10[%dma_start3A_321, %dma_start3A_322] : memref<10240x128xf32, #tpu.memory_space<vmem_shared>> -> memref<10240x128xf32, #tpu.memory_space<vmem_shared>>
      tpu.enqueue_indirect_dma source(%arg8 : memref<125x128xf32, #tpu.memory_space<vmem>>) target(%dma_start3A_323 : memref<10240x128xf32, #tpu.memory_space<vmem_shared>>) offsets(%dma_start3A_320 : memref<125xi32, #tpu.memory_space<vmem>>) semaphore(%arg13 : memref<!tpu.dma_semaphore, #tpu.memory_space<semaphore_mem>>) {add = true}
      %add3A_324 = arith.constant 1 : i32
      %add3A_325 = arith.addi %mul3A_303, %add3A_324 : i32
      %dma_wait3A_326 = arith.constant 0 : i32
      %dma_wait3A_327 = tpu.memref_slice %arg6[%add3A_325, %dma_wait3A_326] : memref<40x125xi32, #tpu.memory_space<vmem>> -> memref<1x125xi32, #tpu.memory_space<vmem>>
      %dma_wait3A_328 = tpu.memref_squeeze %dma_wait3A_327 : memref<1x125xi32, #tpu.memory_space<vmem>> -> memref<125xi32, #tpu.memory_space<vmem>>
      %dma_wait3A_329 = arith.constant 0 : i32
      %dma_wait3A_330 = arith.constant 0 : i32
      %dma_wait3A_331 = tpu.memref_slice %arg2[%dma_wait3A_329, %dma_wait3A_330] : memref<10000x128xf32, #tpu.memory_space<hbm>> -> memref<10000x128xf32, #tpu.memory_space<hbm>>
      tpu.wait_indirect_dma semaphore(%arg12 : memref<!tpu.dma_semaphore, #tpu.memory_space<semaphore_mem>>) src(%dma_wait3A_331 : memref<10000x128xf32, #tpu.memory_space<hbm>>) dst(%arg9 : memref<125x128xf32, #tpu.memory_space<vmem>>)
      %add3A_332 = arith.constant 1 : i32
      %add3A_333 = arith.addi %mul3A_303, %add3A_332 : i32
      %dma_start3A_334 = arith.constant 0 : i32
      %dma_start3A_335 = tpu.memref_slice %arg7[%add3A_333, %dma_start3A_334] : memref<40x125xi32, #tpu.memory_space<vmem>> -> memref<1x125xi32, #tpu.memory_space<vmem>>
      %dma_start3A_336 = tpu.memref_squeeze %dma_start3A_335 : memref<1x125xi32, #tpu.memory_space<vmem>> -> memref<125xi32, #tpu.memory_space<vmem>>
      %dma_start3A_337 = arith.constant 0 : i32
      %dma_start3A_338 = arith.constant 0 : i32
      %dma_start3A_339 = tpu.memref_slice %arg10[%dma_start3A_337, %dma_start3A_338] : memref<10240x128xf32, #tpu.memory_space<vmem_shared>> -> memref<10240x128xf32, #tpu.memory_space<vmem_shared>>
      tpu.enqueue_indirect_dma source(%arg9 : memref<125x128xf32, #tpu.memory_space<vmem>>) target(%dma_start3A_339 : memref<10240x128xf32, #tpu.memory_space<vmem_shared>>) offsets(%dma_start3A_336 : memref<125xi32, #tpu.memory_space<vmem>>) semaphore(%arg14 : memref<!tpu.dma_semaphore, #tpu.memory_space<semaphore_mem>>) {add = true}
      %dma_wait3A_340 = arith.constant 0 : i32
      %dma_wait3A_341 = tpu.memref_slice %arg7[%mul3A_303, %dma_wait3A_340] : memref<40x125xi32, #tpu.memory_space<vmem>> -> memref<1x125xi32, #tpu.memory_space<vmem>>
      %dma_wait3A_342 = tpu.memref_squeeze %dma_wait3A_341 : memref<1x125xi32, #tpu.memory_space<vmem>> -> memref<125xi32, #tpu.memory_space<vmem>>
      %dma_wait3A_343 = arith.constant 0 : i32
      %dma_wait3A_344 = arith.constant 0 : i32
      %dma_wait3A_345 = tpu.memref_slice %arg10[%dma_wait3A_343, %dma_wait3A_344] : memref<10240x128xf32, #tpu.memory_space<vmem_shared>> -> memref<10240x128xf32, #tpu.memory_space<vmem_shared>>
      tpu.wait_indirect_dma semaphore(%arg13 : memref<!tpu.dma_semaphore, #tpu.memory_space<semaphore_mem>>) src(%arg8 : memref<125x128xf32, #tpu.memory_space<vmem>>) dst(%dma_wait3A_345 : memref<10240x128xf32, #tpu.memory_space<vmem_shared>>)
      %lt3A = arith.constant 19 : i32
      %lt3A_346 = arith.cmpi slt, %scan3A_301, %lt3A : i32
      %convert_element_type3A = arith.extui %lt3A_346 : i1 to i32
      %cond3A = arith.constant 0 : i32
      %cond3A_347 = arith.cmpi ne, %convert_element_type3A, %cond3A : i32
      scf.if %cond3A_347 {
        %add3A_356 = arith.constant 2 : i32
        %add3A_357 = arith.addi %mul3A_303, %add3A_356 : i32
        %dma_start3A_358 = arith.constant 0 : i32
        %dma_start3A_359 = tpu.memref_slice %arg6[%add3A_357, %dma_start3A_358] : memref<40x125xi32, #tpu.memory_space<vmem>> -> memref<1x125xi32, #tpu.memory_space<vmem>>
        %dma_start3A_360 = tpu.memref_squeeze %dma_start3A_359 : memref<1x125xi32, #tpu.memory_space<vmem>> -> memref<125xi32, #tpu.memory_space<vmem>>
        %dma_start3A_361 = arith.constant 0 : i32
        %dma_start3A_362 = arith.constant 0 : i32
        %dma_start3A_363 = tpu.memref_slice %arg2[%dma_start3A_361, %dma_start3A_362] : memref<10000x128xf32, #tpu.memory_space<hbm>> -> memref<10000x128xf32, #tpu.memory_space<hbm>>
        tpu.enqueue_indirect_dma source(%dma_start3A_363 : memref<10000x128xf32, #tpu.memory_space<hbm>>) target(%arg8 : memref<125x128xf32, #tpu.memory_space<vmem>>) offsets(%dma_start3A_360 : memref<125xi32, #tpu.memory_space<vmem>>) semaphore(%arg11 : memref<!tpu.dma_semaphore, #tpu.memory_space<semaphore_mem>>)
      } else {
      }
      %add3A_348 = arith.constant 1 : i32
      %add3A_349 = arith.addi %mul3A_303, %add3A_348 : i32
      %dma_wait3A_350 = arith.constant 0 : i32
      %dma_wait3A_351 = tpu.memref_slice %arg7[%add3A_349, %dma_wait3A_350] : memref<40x125xi32, #tpu.memory_space<vmem>> -> memref<1x125xi32, #tpu.memory_space<vmem>>
      %dma_wait3A_352 = tpu.memref_squeeze %dma_wait3A_351 : memref<1x125xi32, #tpu.memory_space<vmem>> -> memref<125xi32, #tpu.memory_space<vmem>>
      %dma_wait3A_353 = arith.constant 0 : i32
      %dma_wait3A_354 = arith.constant 0 : i32
      %dma_wait3A_355 = tpu.memref_slice %arg10[%dma_wait3A_353, %dma_wait3A_354] : memref<10240x128xf32, #tpu.memory_space<vmem_shared>> -> memref<10240x128xf32, #tpu.memory_space<vmem_shared>>
      tpu.wait_indirect_dma semaphore(%arg14 : memref<!tpu.dma_semaphore, #tpu.memory_space<semaphore_mem>>) src(%arg9 : memref<125x128xf32, #tpu.memory_space<vmem>>) dst(%dma_wait3A_355 : memref<10240x128xf32, #tpu.memory_space<vmem_shared>>)
    }
    %scan3A_262 = arith.constant 20 : i32
    %add3A_263 = arith.constant 40 : i32
    %add3A_264 = arith.addi %mul3A_2, %add3A_263 : i32
    %add3A_265 = arith.constant 40 : i32
    %add3A_266 = arith.addi %mul3A_2, %add3A_265 : i32
    %dma_start3A_267 = arith.constant 0 : i32
    %dma_start3A_268 = tpu.memref_slice %arg3[%add3A_264, %dma_start3A_267] : memref<2560x125xi32, #tpu.memory_space<hbm>> -> memref<40x125xi32, #tpu.memory_space<hbm>>
    %dma_start3A_269 = arith.constant 0 : i32
    %dma_start3A_270 = tpu.memref_slice %arg3[%add3A_264, %dma_start3A_269] : memref<2560x125xi32, #tpu.memory_space<hbm>> -> memref<40x125xi32, #tpu.memory_space<hbm>>
    tpu.enqueue_dma source(%dma_start3A_270 : memref<40x125xi32, #tpu.memory_space<hbm>>) target(%arg6 : memref<40x125xi32, #tpu.memory_space<vmem>>) target_semaphore(%arg11 : memref<!tpu.dma_semaphore, #tpu.memory_space<semaphore_mem>>)
    %dma_start3A_271 = arith.constant 0 : i32
    %dma_start3A_272 = tpu.memref_slice %arg4[%add3A_266, %dma_start3A_271] : memref<2560x125xi32, #tpu.memory_space<hbm>> -> memref<40x125xi32, #tpu.memory_space<hbm>>
    %dma_start3A_273 = arith.constant 0 : i32
    %dma_start3A_274 = tpu.memref_slice %arg4[%add3A_266, %dma_start3A_273] : memref<2560x125xi32, #tpu.memory_space<hbm>> -> memref<40x125xi32, #tpu.memory_space<hbm>>
    tpu.enqueue_dma source(%dma_start3A_274 : memref<40x125xi32, #tpu.memory_space<hbm>>) target(%arg7 : memref<40x125xi32, #tpu.memory_space<vmem>>) target_semaphore(%arg12 : memref<!tpu.dma_semaphore, #tpu.memory_space<semaphore_mem>>)
    %dma_wait3A_275 = arith.constant 0 : i32
    %dma_wait3A_276 = tpu.memref_slice %arg3[%add3A_264, %dma_wait3A_275] : memref<2560x125xi32, #tpu.memory_space<hbm>> -> memref<40x125xi32, #tpu.memory_space<hbm>>
    %dma_wait3A_277 = arith.constant 0 : i32
    %dma_wait3A_278 = tpu.memref_slice %arg3[%add3A_264, %dma_wait3A_277] : memref<2560x125xi32, #tpu.memory_space<hbm>> -> memref<40x125xi32, #tpu.memory_space<hbm>>
    tpu.wait_dma2 semaphore(%arg11 : memref<!tpu.dma_semaphore, #tpu.memory_space<semaphore_mem>>) src(%dma_wait3A_278 : memref<40x125xi32, #tpu.memory_space<hbm>>) dst(%arg6 : memref<40x125xi32, #tpu.memory_space<vmem>>)
    %dma_start3A_279 = arith.constant 0 : i32
    %dma_start3A_280 = arith.constant 0 : i32
    %dma_start3A_281 = tpu.memref_slice %arg6[%dma_start3A_279, %dma_start3A_280] : memref<40x125xi32, #tpu.memory_space<vmem>> -> memref<1x125xi32, #tpu.memory_space<vmem>>
    %dma_start3A_282 = tpu.memref_squeeze %dma_start3A_281 : memref<1x125xi32, #tpu.memory_space<vmem>> -> memref<125xi32, #tpu.memory_space<vmem>>
    %dma_start3A_283 = arith.constant 0 : i32
    %dma_start3A_284 = arith.constant 0 : i32
    %dma_start3A_285 = tpu.memref_slice %arg2[%dma_start3A_283, %dma_start3A_284] : memref<10000x128xf32, #tpu.memory_space<hbm>> -> memref<10000x128xf32, #tpu.memory_space<hbm>>
    tpu.enqueue_indirect_dma source(%dma_start3A_285 : memref<10000x128xf32, #tpu.memory_space<hbm>>) target(%arg8 : memref<125x128xf32, #tpu.memory_space<vmem>>) offsets(%dma_start3A_282 : memref<125xi32, #tpu.memory_space<vmem>>) semaphore(%arg11 : memref<!tpu.dma_semaphore, #tpu.memory_space<semaphore_mem>>)
    %dma_wait3A_286 = arith.constant 0 : i32
    %dma_wait3A_287 = tpu.memref_slice %arg4[%add3A_266, %dma_wait3A_286] : memref<2560x125xi32, #tpu.memory_space<hbm>> -> memref<40x125xi32, #tpu.memory_space<hbm>>
    %dma_wait3A_288 = arith.constant 0 : i32
    %dma_wait3A_289 = tpu.memref_slice %arg4[%add3A_266, %dma_wait3A_288] : memref<2560x125xi32, #tpu.memory_space<hbm>> -> memref<40x125xi32, #tpu.memory_space<hbm>>
    tpu.wait_dma2 semaphore(%arg12 : memref<!tpu.dma_semaphore, #tpu.memory_space<semaphore_mem>>) src(%dma_wait3A_289 : memref<40x125xi32, #tpu.memory_space<hbm>>) dst(%arg7 : memref<40x125xi32, #tpu.memory_space<vmem>>)
    %scan3A_290 = arith.constant 0 : i32
    %scan3A_291 = arith.constant 0 : i32
    %scan3A_292 = arith.constant 20 : i32
    %scan3A_293 = arith.addi %scan3A_291, %scan3A_292 : i32
    %scan3A_294 = arith.constant 1 : i32
    scf.for %scan3A_301 = %scan3A_291 to %scan3A_293 step %scan3A_294  : i32 {
      %mul3A_302 = arith.constant 2 : i32
      %mul3A_303 = arith.muli %mul3A_302, %scan3A_301 : i32
      %dma_wait3A_304 = arith.constant 0 : i32
      %dma_wait3A_305 = tpu.memref_slice %arg6[%mul3A_303, %dma_wait3A_304] : memref<40x125xi32, #tpu.memory_space<vmem>> -> memref<1x125xi32, #tpu.memory_space<vmem>>
      %dma_wait3A_306 = tpu.memref_squeeze %dma_wait3A_305 : memref<1x125xi32, #tpu.memory_space<vmem>> -> memref<125xi32, #tpu.memory_space<vmem>>
      %dma_wait3A_307 = arith.constant 0 : i32
      %dma_wait3A_308 = arith.constant 0 : i32
      %dma_wait3A_309 = tpu.memref_slice %arg2[%dma_wait3A_307, %dma_wait3A_308] : memref<10000x128xf32, #tpu.memory_space<hbm>> -> memref<10000x128xf32, #tpu.memory_space<hbm>>
      tpu.wait_indirect_dma semaphore(%arg11 : memref<!tpu.dma_semaphore, #tpu.memory_space<semaphore_mem>>) src(%dma_wait3A_309 : memref<10000x128xf32, #tpu.memory_space<hbm>>) dst(%arg8 : memref<125x128xf32, #tpu.memory_space<vmem>>)
      %add3A_310 = arith.constant 1 : i32
      %add3A_311 = arith.addi %mul3A_303, %add3A_310 : i32
      %dma_start3A_312 = arith.constant 0 : i32
      %dma_start3A_313 = tpu.memref_slice %arg6[%add3A_311, %dma_start3A_312] : memref<40x125xi32, #tpu.memory_space<vmem>> -> memref<1x125xi32, #tpu.memory_space<vmem>>
      %dma_start3A_314 = tpu.memref_squeeze %dma_start3A_313 : memref<1x125xi32, #tpu.memory_space<vmem>> -> memref<125xi32, #tpu.memory_space<vmem>>
      %dma_start3A_315 = arith.constant 0 : i32
      %dma_start3A_316 = arith.constant 0 : i32
      %dma_start3A_317 = tpu.memref_slice %arg2[%dma_start3A_315, %dma_start3A_316] : memref<10000x128xf32, #tpu.memory_space<hbm>> -> memref<10000x128xf32, #tpu.memory_space<hbm>>
      tpu.enqueue_indirect_dma source(%dma_start3A_317 : memref<10000x128xf32, #tpu.memory_space<hbm>>) target(%arg9 : memref<125x128xf32, #tpu.memory_space<vmem>>) offsets(%dma_start3A_314 : memref<125xi32, #tpu.memory_space<vmem>>) semaphore(%arg12 : memref<!tpu.dma_semaphore, #tpu.memory_space<semaphore_mem>>)
      %dma_start3A_318 = arith.constant 0 : i32
      %dma_start3A_319 = tpu.memref_slice %arg7[%mul3A_303, %dma_start3A_318] : memref<40x125xi32, #tpu.memory_space<vmem>> -> memref<1x125xi32, #tpu.memory_space<vmem>>
      %dma_start3A_320 = tpu.memref_squeeze %dma_start3A_319 : memref<1x125xi32, #tpu.memory_space<vmem>> -> memref<125xi32, #tpu.memory_space<vmem>>
      %dma_start3A_321 = arith.constant 0 : i32
      %dma_start3A_322 = arith.constant 0 : i32
      %dma_start3A_323 = tpu.memref_slice %arg10[%dma_start3A_321, %dma_start3A_322] : memref<10240x128xf32, #tpu.memory_space<vmem_shared>> -> memref<10240x128xf32, #tpu.memory_space<vmem_shared>>
      tpu.enqueue_indirect_dma source(%arg8 : memref<125x128xf32, #tpu.memory_space<vmem>>) target(%dma_start3A_323 : memref<10240x128xf32, #tpu.memory_space<vmem_shared>>) offsets(%dma_start3A_320 : memref<125xi32, #tpu.memory_space<vmem>>) semaphore(%arg13 : memref<!tpu.dma_semaphore, #tpu.memory_space<semaphore_mem>>) {add = true}
      %add3A_324 = arith.constant 1 : i32
      %add3A_325 = arith.addi %mul3A_303, %add3A_324 : i32
      %dma_wait3A_326 = arith.constant 0 : i32
      %dma_wait3A_327 = tpu.memref_slice %arg6[%add3A_325, %dma_wait3A_326] : memref<40x125xi32, #tpu.memory_space<vmem>> -> memref<1x125xi32, #tpu.memory_space<vmem>>
      %dma_wait3A_328 = tpu.memref_squeeze %dma_wait3A_327 : memref<1x125xi32, #tpu.memory_space<vmem>> -> memref<125xi32, #tpu.memory_space<vmem>>
      %dma_wait3A_329 = arith.constant 0 : i32
      %dma_wait3A_330 = arith.constant 0 : i32
      %dma_wait3A_331 = tpu.memref_slice %arg2[%dma_wait3A_329, %dma_wait3A_330] : memref<10000x128xf32, #tpu.memory_space<hbm>> -> memref<10000x128xf32, #tpu.memory_space<hbm>>
      tpu.wait_indirect_dma semaphore(%arg12 : memref<!tpu.dma_semaphore, #tpu.memory_space<semaphore_mem>>) src(%dma_wait3A_331 : memref<10000x128xf32, #tpu.memory_space<hbm>>) dst(%arg9 : memref<125x128xf32, #tpu.memory_space<vmem>>)
      %add3A_332 = arith.constant 1 : i32
      %add3A_333 = arith.addi %mul3A_303, %add3A_332 : i32
      %dma_start3A_334 = arith.constant 0 : i32
      %dma_start3A_335 = tpu.memref_slice %arg7[%add3A_333, %dma_start3A_334] : memref<40x125xi32, #tpu.memory_space<vmem>> -> memref<1x125xi32, #tpu.memory_space<vmem>>
      %dma_start3A_336 = tpu.memref_squeeze %dma_start3A_335 : memref<1x125xi32, #tpu.memory_space<vmem>> -> memref<125xi32, #tpu.memory_space<vmem>>
      %dma_start3A_337 = arith.constant 0 : i32
      %dma_start3A_338 = arith.constant 0 : i32
      %dma_start3A_339 = tpu.memref_slice %arg10[%dma_start3A_337, %dma_start3A_338] : memref<10240x128xf32, #tpu.memory_space<vmem_shared>> -> memref<10240x128xf32, #tpu.memory_space<vmem_shared>>
      tpu.enqueue_indirect_dma source(%arg9 : memref<125x128xf32, #tpu.memory_space<vmem>>) target(%dma_start3A_339 : memref<10240x128xf32, #tpu.memory_space<vmem_shared>>) offsets(%dma_start3A_336 : memref<125xi32, #tpu.memory_space<vmem>>) semaphore(%arg14 : memref<!tpu.dma_semaphore, #tpu.memory_space<semaphore_mem>>) {add = true}
      %dma_wait3A_340 = arith.constant 0 : i32
      %dma_wait3A_341 = tpu.memref_slice %arg7[%mul3A_303, %dma_wait3A_340] : memref<40x125xi32, #tpu.memory_space<vmem>> -> memref<1x125xi32, #tpu.memory_space<vmem>>
      %dma_wait3A_342 = tpu.memref_squeeze %dma_wait3A_341 : memref<1x125xi32, #tpu.memory_space<vmem>> -> memref<125xi32, #tpu.memory_space<vmem>>
      %dma_wait3A_343 = arith.constant 0 : i32
      %dma_wait3A_344 = arith.constant 0 : i32
      %dma_wait3A_345 = tpu.memref_slice %arg10[%dma_wait3A_343, %dma_wait3A_344] : memref<10240x128xf32, #tpu.memory_space<vmem_shared>> -> memref<10240x128xf32, #tpu.memory_space<vmem_shared>>
      tpu.wait_indirect_dma semaphore(%arg13 : memref<!tpu.dma_semaphore, #tpu.memory_space<semaphore_mem>>) src(%arg8 : memref<125x128xf32, #tpu.memory_space<vmem>>) dst(%dma_wait3A_345 : memref<10240x128xf32, #tpu.memory_space<vmem_shared>>)
      %lt3A = arith.constant 19 : i32
      %lt3A_346 = arith.cmpi slt, %scan3A_301, %lt3A : i32
      %convert_element_type3A = arith.extui %lt3A_346 : i1 to i32
      %cond3A = arith.constant 0 : i32
      %cond3A_347 = arith.cmpi ne, %convert_element_type3A, %cond3A : i32
      scf.if %cond3A_347 {
        %add3A_356 = arith.constant 2 : i32
        %add3A_357 = arith.addi %mul3A_303, %add3A_356 : i32
        %dma_start3A_358 = arith.constant 0 : i32
        %dma_start3A_359 = tpu.memref_slice %arg6[%add3A_357, %dma_start3A_358] : memref<40x125xi32, #tpu.memory_space<vmem>> -> memref<1x125xi32, #tpu.memory_space<vmem>>
        %dma_start3A_360 = tpu.memref_squeeze %dma_start3A_359 : memref<1x125xi32, #tpu.memory_space<vmem>> -> memref<125xi32, #tpu.memory_space<vmem>>
        %dma_start3A_361 = arith.constant 0 : i32
        %dma_start3A_362 = arith.constant 0 : i32
        %dma_start3A_363 = tpu.memref_slice %arg2[%dma_start3A_361, %dma_start3A_362] : memref<10000x128xf32, #tpu.memory_space<hbm>> -> memref<10000x128xf32, #tpu.memory_space<hbm>>
        tpu.enqueue_indirect_dma source(%dma_start3A_363 : memref<10000x128xf32, #tpu.memory_space<hbm>>) target(%arg8 : memref<125x128xf32, #tpu.memory_space<vmem>>) offsets(%dma_start3A_360 : memref<125xi32, #tpu.memory_space<vmem>>) semaphore(%arg11 : memref<!tpu.dma_semaphore, #tpu.memory_space<semaphore_mem>>)
      } else {
      }
      %add3A_348 = arith.constant 1 : i32
      %add3A_349 = arith.addi %mul3A_303, %add3A_348 : i32
      %dma_wait3A_350 = arith.constant 0 : i32
      %dma_wait3A_351 = tpu.memref_slice %arg7[%add3A_349, %dma_wait3A_350] : memref<40x125xi32, #tpu.memory_space<vmem>> -> memref<1x125xi32, #tpu.memory_space<vmem>>
      %dma_wait3A_352 = tpu.memref_squeeze %dma_wait3A_351 : memref<1x125xi32, #tpu.memory_space<vmem>> -> memref<125xi32, #tpu.memory_space<vmem>>
      %dma_wait3A_353 = arith.constant 0 : i32
      %dma_wait3A_354 = arith.constant 0 : i32
      %dma_wait3A_355 = tpu.memref_slice %arg10[%dma_wait3A_353, %dma_wait3A_354] : memref<10240x128xf32, #tpu.memory_space<vmem_shared>> -> memref<10240x128xf32, #tpu.memory_space<vmem_shared>>
      tpu.wait_indirect_dma semaphore(%arg14 : memref<!tpu.dma_semaphore, #tpu.memory_space<semaphore_mem>>) src(%arg9 : memref<125x128xf32, #tpu.memory_space<vmem>>) dst(%dma_wait3A_355 : memref<10240x128xf32, #tpu.memory_space<vmem_shared>>)
    }
    %scan3A_295 = arith.constant 20 : i32
    %barrier3A_296 = arith.constant 0 : index
    tpu.barrier barrier_id(%barrier3A_296)
    %mul3A_297 = arith.constant 640 : i32
    %mul3A_298 = arith.muli %arg1, %mul3A_297 : i32
    %mul3A_299 = arith.constant 640 : i32
    %mul3A_300 = arith.muli %arg1, %mul3A_299 : i32
    "tpu.region"() ({
      %run_scoped3A = tpu.sem_alloc : memref<!tpu.dma_semaphore, #tpu.memory_space<semaphore_mem>>
      %dma_start3A_301 = arith.constant 0 : i32
      %dma_start3A_302 = tpu.memref_slice %arg5[%arg0, %mul3A_300, %dma_start3A_301] : memref<2x10240x128xf32, #tpu.memory_space<hbm>> -> memref<1x640x128xf32, #tpu.memory_space<hbm>>
      %dma_start3A_303 = tpu.memref_squeeze %dma_start3A_302 : memref<1x640x128xf32, #tpu.memory_space<hbm>> -> memref<640x128xf32, #tpu.memory_space<hbm>>
      %dma_start3A_304 = arith.constant 0 : i32
      %dma_start3A_305 = tpu.memref_slice %arg10[%mul3A_298, %dma_start3A_304] : memref<10240x128xf32, #tpu.memory_space<vmem_shared>> -> memref<640x128xf32, #tpu.memory_space<vmem_shared>>
      tpu.enqueue_dma source(%dma_start3A_305 : memref<640x128xf32, #tpu.memory_space<vmem_shared>>) target(%dma_start3A_303 : memref<640x128xf32, #tpu.memory_space<hbm>>) target_semaphore(%run_scoped3A : memref<!tpu.dma_semaphore, #tpu.memory_space<semaphore_mem>>)
      %dma_wait3A_306 = arith.constant 0 : i32
      %dma_wait3A_307 = tpu.memref_slice %arg5[%arg0, %mul3A_300, %dma_wait3A_306] : memref<2x10240x128xf32, #tpu.memory_space<hbm>> -> memref<1x640x128xf32, #tpu.memory_space<hbm>>
      %dma_wait3A_308 = tpu.memref_squeeze %dma_wait3A_307 : memref<1x640x128xf32, #tpu.memory_space<hbm>> -> memref<640x128xf32, #tpu.memory_space<hbm>>
      %dma_wait3A_309 = arith.constant 0 : i32
      %dma_wait3A_310 = tpu.memref_slice %arg10[%mul3A_298, %dma_wait3A_309] : memref<10240x128xf32, #tpu.memory_space<vmem_shared>> -> memref<640x128xf32, #tpu.memory_space<vmem_shared>>
      tpu.wait_dma2 semaphore(%run_scoped3A : memref<!tpu.dma_semaphore, #tpu.memory_space<semaphore_mem>>) src(%dma_wait3A_310 : memref<640x128xf32, #tpu.memory_space<vmem_shared>>) dst(%dma_wait3A_308 : memref<640x128xf32, #tpu.memory_space<hbm>>)
      tpu.yield
    }) : () -> ()
    return
  }
}

#map = affine_map<(d0, d1) -> (0, 0)>
module attributes {stable_mosaic.version = 14 : i64} {
  func.func @_deg_sc(%arg0: i32, %arg1: i32, %arg2: memref<2560x125xi32, #tpu.memory_space<hbm>>, %arg3: memref<2x10240xf32, #tpu.memory_space<hbm>>, %arg4: memref<80x125xi32, #tpu.memory_space<vmem>>, %arg5: memref<128xf32, #tpu.memory_space<vmem>>, %arg6: memref<640xf32, #tpu.memory_space<vmem>>, %arg7: memref<10240xf32, #tpu.memory_space<vmem_shared>>, %arg8: memref<!tpu.dma_semaphore, #tpu.memory_space<semaphore_mem>>) attributes {dimension_semantics = [#tpu.dimension_semantics<core_parallel>, #tpu.dimension_semantics<subcore_parallel>], iteration_bounds = array<i64: 2, 16>, scalar_prefetch = 0 : i64, scratch_operands = 5 : i64, tpu.core_type = #tpu.core_type<sc_vector_subcore>, window_params = [{transform_indices = #map}, {transform_indices = #map}]} {
    %mul3A = arith.constant 16 : i32
    %mul3A_0 = arith.muli %arg0, %mul3A : i32
    %add3A = arith.addi %mul3A_0, %arg1 : i32
    %mul3A_1 = arith.constant 80 : i32
    %mul3A_2 = arith.muli %add3A, %mul3A_1 : i32
    "tpu.region"() ({
      %run_scoped3A = tpu.sem_alloc : memref<!tpu.dma_semaphore, #tpu.memory_space<semaphore_mem>>
      %dma_start3A = arith.constant 0 : i32
      %dma_start3A_33 = tpu.memref_slice %arg2[%mul3A_2, %dma_start3A] : memref<2560x125xi32, #tpu.memory_space<hbm>> -> memref<80x125xi32, #tpu.memory_space<hbm>>
      %dma_start3A_34 = arith.constant 0 : i32
      %dma_start3A_35 = tpu.memref_slice %arg2[%mul3A_2, %dma_start3A_34] : memref<2560x125xi32, #tpu.memory_space<hbm>> -> memref<80x125xi32, #tpu.memory_space<hbm>>
      tpu.enqueue_dma source(%dma_start3A_35 : memref<80x125xi32, #tpu.memory_space<hbm>>) target(%arg4 : memref<80x125xi32, #tpu.memory_space<vmem>>) target_semaphore(%run_scoped3A : memref<!tpu.dma_semaphore, #tpu.memory_space<semaphore_mem>>)
      %dma_wait3A = arith.constant 0 : i32
      %dma_wait3A_36 = tpu.memref_slice %arg2[%mul3A_2, %dma_wait3A] : memref<2560x125xi32, #tpu.memory_space<hbm>> -> memref<80x125xi32, #tpu.memory_space<hbm>>
      %dma_wait3A_37 = arith.constant 0 : i32
      %dma_wait3A_38 = tpu.memref_slice %arg2[%mul3A_2, %dma_wait3A_37] : memref<2560x125xi32, #tpu.memory_space<hbm>> -> memref<80x125xi32, #tpu.memory_space<hbm>>
      tpu.wait_dma2 semaphore(%run_scoped3A : memref<!tpu.dma_semaphore, #tpu.memory_space<semaphore_mem>>) src(%dma_wait3A_38 : memref<80x125xi32, #tpu.memory_space<hbm>>) dst(%arg4 : memref<80x125xi32, #tpu.memory_space<vmem>>)
      tpu.yield
    }) : () -> ()
    %scan3A = arith.constant 0 : i32
    %scan3A_3 = arith.constant 0 : i32
    %scan3A_4 = arith.constant 8 : i32
    %scan3A_5 = arith.addi %scan3A_3, %scan3A_4 : i32
    %scan3A_6 = arith.constant 1 : i32
    scf.for %scan3A_33 = %scan3A_3 to %scan3A_5 step %scan3A_6  : i32 {
      %broadcast_in_dim3A = arith.constant 1.000000e+00 : f32
      %broadcast_in_dim3A_34 = vector.broadcast %broadcast_in_dim3A : f32 to vector<16xf32>
      %mul3A_35 = arith.constant 16 : i32
      %mul3A_36 = arith.muli %scan3A_33, %mul3A_35 : i32
      %swap3A = arith.index_cast %mul3A_36 : i32 to index
      %swap3A_37 = tpu.vector_load %arg5[%swap3A] {strides = array<i32>} : memref<128xf32, #tpu.memory_space<vmem>>, vector<16xf32>,
      %swap3A_38 = vector.shape_cast %swap3A_37 : vector<16xf32> to vector<16xf32>
      %swap3A_39 = vector.shape_cast %broadcast_in_dim3A_34 : vector<16xf32> to vector<16xf32>
      tpu.vector_store %arg5[%swap3A], %swap3A_39 {strides = array<i32>} : memref<128xf32, #tpu.memory_space<vmem>>, vector<16xf32>,
    }
    %scan3A_7 = arith.constant 8 : i32
    %scan3A_8 = arith.constant 0 : i32
    %scan3A_9 = arith.constant 0 : i32
    %scan3A_10 = arith.constant 40 : i32
    %scan3A_11 = arith.addi %scan3A_9, %scan3A_10 : i32
    %scan3A_12 = arith.constant 1 : i32
    scf.for %scan3A_33 = %scan3A_9 to %scan3A_11 step %scan3A_12  : i32 {
      %broadcast_in_dim3A = arith.constant 0.000000e+00 : f32
      %broadcast_in_dim3A_34 = vector.broadcast %broadcast_in_dim3A : f32 to vector<16xf32>
      %mul3A_35 = arith.constant 16 : i32
      %mul3A_36 = arith.muli %scan3A_33, %mul3A_35 : i32
      %swap3A = arith.index_cast %mul3A_36 : i32 to index
      %swap3A_37 = tpu.vector_load %arg6[%swap3A] {strides = array<i32>} : memref<640xf32, #tpu.memory_space<vmem>>, vector<16xf32>,
      %swap3A_38 = vector.shape_cast %swap3A_37 : vector<16xf32> to vector<16xf32>
      %swap3A_39 = vector.shape_cast %broadcast_in_dim3A_34 : vector<16xf32> to vector<16xf32>
      tpu.vector_store %arg6[%swap3A], %swap3A_39 {strides = array<i32>} : memref<640xf32, #tpu.memory_space<vmem>>, vector<16xf32>,
    }
    %scan3A_13 = arith.constant 40 : i32
    %mul3A_14 = arith.constant 640 : i32
    %mul3A_15 = arith.muli %arg1, %mul3A_14 : i32
    "tpu.region"() ({
      %run_scoped3A = tpu.sem_alloc : memref<!tpu.dma_semaphore, #tpu.memory_space<semaphore_mem>>
      %dma_start3A = tpu.memref_slice %arg7[%mul3A_15] : memref<10240xf32, #tpu.memory_space<vmem_shared>> -> memref<640xf32, #tpu.memory_space<vmem_shared>>
      %dma_start3A_33 = tpu.memref_slice %arg7[%mul3A_15] : memref<10240xf32, #tpu.memory_space<vmem_shared>> -> memref<640xf32, #tpu.memory_space<vmem_shared>>
      tpu.enqueue_dma source(%arg6 : memref<640xf32, #tpu.memory_space<vmem>>) target(%dma_start3A_33 : memref<640xf32, #tpu.memory_space<vmem_shared>>) target_semaphore(%run_scoped3A : memref<!tpu.dma_semaphore, #tpu.memory_space<semaphore_mem>>)
      %dma_wait3A = tpu.memref_slice %arg7[%mul3A_15] : memref<10240xf32, #tpu.memory_space<vmem_shared>> -> memref<640xf32, #tpu.memory_space<vmem_shared>>
      %dma_wait3A_34 = tpu.memref_slice %arg7[%mul3A_15] : memref<10240xf32, #tpu.memory_space<vmem_shared>> -> memref<640xf32, #tpu.memory_space<vmem_shared>>
      tpu.wait_dma2 semaphore(%run_scoped3A : memref<!tpu.dma_semaphore, #tpu.memory_space<semaphore_mem>>) src(%arg6 : memref<640xf32, #tpu.memory_space<vmem>>) dst(%dma_wait3A_34 : memref<640xf32, #tpu.memory_space<vmem_shared>>)
      tpu.yield
    }) : () -> ()
    %barrier3A = arith.constant 0 : index
    tpu.barrier barrier_id(%barrier3A)
    %scan3A_16 = arith.constant 0 : i32
    %scan3A_17 = arith.constant 0 : i32
    %scan3A_18 = arith.constant 80 : i32
    %scan3A_19 = arith.addi %scan3A_17, %scan3A_18 : i32
    %scan3A_20 = arith.constant 1 : i32
    scf.for %scan3A_33 = %scan3A_17 to %scan3A_19 step %scan3A_20  : i32 {
      %dma_start3A = arith.constant 0 : i32
      %dma_start3A_34 = tpu.memref_slice %arg5[%dma_start3A] : memref<128xf32, #tpu.memory_space<vmem>> -> memref<125xf32, #tpu.memory_space<vmem>>
      %dma_start3A_35 = arith.constant 0 : i32
      %dma_start3A_36 = tpu.memref_slice %arg4[%scan3A_33, %dma_start3A_35] : memref<80x125xi32, #tpu.memory_space<vmem>> -> memref<1x125xi32, #tpu.memory_space<vmem>>
      %dma_start3A_37 = tpu.memref_squeeze %dma_start3A_36 : memref<1x125xi32, #tpu.memory_space<vmem>> -> memref<125xi32, #tpu.memory_space<vmem>>
      %dma_start3A_38 = arith.constant 0 : i32
      %dma_start3A_39 = tpu.memref_slice %arg7[%dma_start3A_38] : memref<10240xf32, #tpu.memory_space<vmem_shared>> -> memref<10240xf32, #tpu.memory_space<vmem_shared>>
      tpu.enqueue_indirect_dma source(%dma_start3A_34 : memref<125xf32, #tpu.memory_space<vmem>>) target(%dma_start3A_39 : memref<10240xf32, #tpu.memory_space<vmem_shared>>) offsets(%dma_start3A_37 : memref<125xi32, #tpu.memory_space<vmem>>) semaphore(%arg8 : memref<!tpu.dma_semaphore, #tpu.memory_space<semaphore_mem>>) {add = true}
    }
    %scan3A_21 = arith.constant 80 : i32
    %scan3A_22 = arith.constant 0 : i32
    %scan3A_23 = arith.constant 0 : i32
    %scan3A_24 = arith.constant 80 : i32
    %scan3A_25 = arith.addi %scan3A_23, %scan3A_24 : i32
    %scan3A_26 = arith.constant 1 : i32
    scf.for %scan3A_33 = %scan3A_23 to %scan3A_25 step %scan3A_26  : i32 {
      %dma_wait3A = arith.constant 0 : i32
      %dma_wait3A_34 = tpu.memref_slice %arg5[%dma_wait3A] : memref<128xf32, #tpu.memory_space<vmem>> -> memref<125xf32, #tpu.memory_space<vmem>>
      %dma_wait3A_35 = arith.constant 0 : i32
      %dma_wait3A_36 = tpu.memref_slice %arg4[%scan3A_33, %dma_wait3A_35] : memref<80x125xi32, #tpu.memory_space<vmem>> -> memref<1x125xi32, #tpu.memory_space<vmem>>
      %dma_wait3A_37 = tpu.memref_squeeze %dma_wait3A_36 : memref<1x125xi32, #tpu.memory_space<vmem>> -> memref<125xi32, #tpu.memory_space<vmem>>
      %dma_wait3A_38 = arith.constant 0 : i32
      %dma_wait3A_39 = tpu.memref_slice %arg7[%dma_wait3A_38] : memref<10240xf32, #tpu.memory_space<vmem_shared>> -> memref<10240xf32, #tpu.memory_space<vmem_shared>>
      tpu.wait_indirect_dma semaphore(%arg8 : memref<!tpu.dma_semaphore, #tpu.memory_space<semaphore_mem>>) src(%dma_wait3A_34 : memref<125xf32, #tpu.memory_space<vmem>>) dst(%dma_wait3A_39 : memref<10240xf32, #tpu.memory_space<vmem_shared>>)
    }
    %scan3A_27 = arith.constant 80 : i32
    %barrier3A_28 = arith.constant 0 : index
    tpu.barrier barrier_id(%barrier3A_28)
    %mul3A_29 = arith.constant 640 : i32
    %mul3A_30 = arith.muli %arg1, %mul3A_29 : i32
    %mul3A_31 = arith.constant 640 : i32
    %mul3A_32 = arith.muli %arg1, %mul3A_31 : i32
    "tpu.region"() ({
      %run_scoped3A = tpu.sem_alloc : memref<!tpu.dma_semaphore, #tpu.memory_space<semaphore_mem>>
      %dma_start3A = tpu.memref_slice %arg3[%arg0, %mul3A_32] : memref<2x10240xf32, #tpu.memory_space<hbm>> -> memref<1x640xf32, #tpu.memory_space<hbm>>
      %dma_start3A_33 = tpu.memref_squeeze %dma_start3A : memref<1x640xf32, #tpu.memory_space<hbm>> -> memref<640xf32, #tpu.memory_space<hbm>>
      %dma_start3A_34 = tpu.memref_slice %arg7[%mul3A_30] : memref<10240xf32, #tpu.memory_space<vmem_shared>> -> memref<640xf32, #tpu.memory_space<vmem_shared>>
      tpu.enqueue_dma source(%dma_start3A_34 : memref<640xf32, #tpu.memory_space<vmem_shared>>) target(%dma_start3A_33 : memref<640xf32, #tpu.memory_space<hbm>>) target_semaphore(%run_scoped3A : memref<!tpu.dma_semaphore, #tpu.memory_space<semaphore_mem>>)
      %dma_wait3A = tpu.memref_slice %arg3[%arg0, %mul3A_32] : memref<2x10240xf32, #tpu.memory_space<hbm>> -> memref<1x640xf32, #tpu.memory_space<hbm>>
      %dma_wait3A_35 = tpu.memref_squeeze %dma_wait3A : memref<1x640xf32, #tpu.memory_space<hbm>> -> memref<640xf32, #tpu.memory_space<hbm>>
      %dma_wait3A_36 = tpu.memref_slice %arg7[%mul3A_30] : memref<10240xf32, #tpu.memory_space<vmem_shared>> -> memref<640xf32, #tpu.memory_space<vmem_shared>>
      tpu.wait_dma2 semaphore(%run_scoped3A : memref<!tpu.dma_semaphore, #tpu.memory_space<semaphore_mem>>) src(%dma_wait3A_36 : memref<640xf32, #tpu.memory_space<vmem_shared>>) dst(%dma_wait3A_35 : memref<640xf32, #tpu.memory_space<hbm>>)
      tpu.yield
    }) : () -> ()
    return
  }
}

#map = affine_map<(d0, d1) -> (0, 0)>
#map1 = affine_map<(d0, d1) -> (0, 0, 0)>
module attributes {stable_mosaic.version = 14 : i64} {
  func.func @seg(%arg0: i32, %arg1: i32, %arg2: memref<10000x128xf32, #tpu.memory_space<hbm>>, %arg3: memref<2560x125xi32, #tpu.memory_space<hbm>>, %arg4: memref<2560x125xi32, #tpu.memory_space<hbm>>, %arg5: memref<2x10240x128xf32, #tpu.memory_space<hbm>>, %arg6: memref<40x125xi32, #tpu.memory_space<vmem>>, %arg7: memref<40x125xi32, #tpu.memory_space<vmem>>, %arg8: memref<125x128xf32, #tpu.memory_space<vmem>>, %arg9: memref<125x128xf32, #tpu.memory_space<vmem>>, %arg10: memref<10240x128xf32, #tpu.memory_space<vmem_shared>>, %arg11: memref<!tpu.dma_semaphore, #tpu.memory_space<semaphore_mem>>, %arg12: memref<!tpu.dma_semaphore, #tpu.memory_space<semaphore_mem>>, %arg13: memref<!tpu.dma_semaphore, #tpu.memory_space<semaphore_mem>>, %arg14: memref<!tpu.dma_semaphore, #tpu.memory_space<semaphore_mem>>) attributes {dimension_semantics = [#tpu.dimension_semantics<core_parallel>, #tpu.dimension_semantics<subcore_parallel>], iteration_bounds = array<i64: 2, 16>, scalar_prefetch = 0 : i64, scratch_operands = 9 : i64, tpu.core_type = #tpu.core_type<sc_vector_subcore>, window_params = [{transform_indices = #map}, {transform_indices = #map}, {transform_indices = #map}, {transform_indices = #map1}]} {
    %mul3A = arith.constant 16 : i32
    %mul3A_0 = arith.muli %arg0, %mul3A : i32
    %add3A = arith.addi %mul3A_0, %arg1 : i32
    %mul3A_1 = arith.constant 80 : i32
    %mul3A_2 = arith.muli %add3A, %mul3A_1 : i32
    %scan3A = arith.constant 0 : i32
    %scan3A_3 = arith.constant 0 : i32
    %scan3A_4 = arith.constant 80 : i32
    %scan3A_5 = arith.addi %scan3A_3, %scan3A_4 : i32
    %scan3A_6 = arith.constant 1 : i32
    scf.for %scan3A_301 = %scan3A_3 to %scan3A_5 step %scan3A_6  : i32 {
      %broadcast_in_dim3A = arith.constant 0.000000e+00 : f32
      %broadcast_in_dim3A_302 = vector.broadcast %broadcast_in_dim3A : f32 to vector<16xf32>
      %swap3A = arith.index_cast %scan3A_301 : i32 to index
      %swap3A_303 = arith.constant 0 : index
      %swap3A_304 = tpu.vector_load %arg9[%swap3A, %swap3A_303] {strides = array<i32>} : memref<125x128xf32, #tpu.memory_space<vmem>>, vector<1x16xf32>,
      %swap3A_305 = vector.shape_cast %swap3A_304 : vector<1x16xf32> to vector<16xf32>
      %swap3A_306 = vector.shape_cast %broadcast_in_dim3A_302 : vector<16xf32> to vector<1x16xf32>
      tpu.vector_store %arg9[%swap3A, %swap3A_303], %swap3A_306 {strides = array<i32>} : memref<125x128xf32, #tpu.memory_space<vmem>>, vector<1x16xf32>,
      %broadcast_in_dim3A_307 = arith.constant 0.000000e+00 : f32
      %broadcast_in_dim3A_308 = vector.broadcast %broadcast_in_dim3A_307 : f32 to vector<16xf32>
      %swap3A_309 = arith.index_cast %scan3A_301 : i32 to index
      %swap3A_310 = arith.constant 16 : index
      %swap3A_311 = tpu.vector_load %arg9[%swap3A_309, %swap3A_310] {strides = array<i32>} : memref<125x128xf32, #tpu.memory_space<vmem>>, vector<1x16xf32>,
      %swap3A_312 = vector.shape_cast %swap3A_311 : vector<1x16xf32> to vector<16xf32>
      %swap3A_313 = vector.shape_cast %broadcast_in_dim3A_308 : vector<16xf32> to vector<1x16xf32>
      tpu.vector_store %arg9[%swap3A_309, %swap3A_310], %swap3A_313 {strides = array<i32>} : memref<125x128xf32, #tpu.memory_space<vmem>>, vector<1x16xf32>,
      %broadcast_in_dim3A_314 = arith.constant 0.000000e+00 : f32
      %broadcast_in_dim3A_315 = vector.broadcast %broadcast_in_dim3A_314 : f32 to vector<16xf32>
      %swap3A_316 = arith.index_cast %scan3A_301 : i32 to index
      %swap3A_317 = arith.constant 32 : index
      %swap3A_318 = tpu.vector_load %arg9[%swap3A_316, %swap3A_317] {strides = array<i32>} : memref<125x128xf32, #tpu.memory_space<vmem>>, vector<1x16xf32>,
      %swap3A_319 = vector.shape_cast %swap3A_318 : vector<1x16xf32> to vector<16xf32>
      %swap3A_320 = vector.shape_cast %broadcast_in_dim3A_315 : vector<16xf32> to vector<1x16xf32>
      tpu.vector_store %arg9[%swap3A_316, %swap3A_317], %swap3A_320 {strides = array<i32>} : memref<125x128xf32, #tpu.memory_space<vmem>>, vector<1x16xf32>,
      %broadcast_in_dim3A_321 = arith.constant 0.000000e+00 : f32
      %broadcast_in_dim3A_322 = vector.broadcast %broadcast_in_dim3A_321 : f32 to vector<16xf32>
      %swap3A_323 = arith.index_cast %scan3A_301 : i32 to index
      %swap3A_324 = arith.constant 48 : index
      %swap3A_325 = tpu.vector_load %arg9[%swap3A_323, %swap3A_324] {strides = array<i32>} : memref<125x128xf32, #tpu.memory_space<vmem>>, vector<1x16xf32>,
      %swap3A_326 = vector.shape_cast %swap3A_325 : vector<1x16xf32> to vector<16xf32>
      %swap3A_327 = vector.shape_cast %broadcast_in_dim3A_322 : vector<16xf32> to vector<1x16xf32>
      tpu.vector_store %arg9[%swap3A_323, %swap3A_324], %swap3A_327 {strides = array<i32>} : memref<125x128xf32, #tpu.memory_space<vmem>>, vector<1x16xf32>,
      %broadcast_in_dim3A_328 = arith.constant 0.000000e+00 : f32
      %broadcast_in_dim3A_329 = vector.broadcast %broadcast_in_dim3A_328 : f32 to vector<16xf32>
      %swap3A_330 = arith.index_cast %scan3A_301 : i32 to index
      %swap3A_331 = arith.constant 64 : index
      %swap3A_332 = tpu.vector_load %arg9[%swap3A_330, %swap3A_331] {strides = array<i32>} : memref<125x128xf32, #tpu.memory_space<vmem>>, vector<1x16xf32>,
      %swap3A_333 = vector.shape_cast %swap3A_332 : vector<1x16xf32> to vector<16xf32>
      %swap3A_334 = vector.shape_cast %broadcast_in_dim3A_329 : vector<16xf32> to vector<1x16xf32>
      tpu.vector_store %arg9[%swap3A_330, %swap3A_331], %swap3A_334 {strides = array<i32>} : memref<125x128xf32, #tpu.memory_space<vmem>>, vector<1x16xf32>,
      %broadcast_in_dim3A_335 = arith.constant 0.000000e+00 : f32
      %broadcast_in_dim3A_336 = vector.broadcast %broadcast_in_dim3A_335 : f32 to vector<16xf32>
      %swap3A_337 = arith.index_cast %scan3A_301 : i32 to index
      %swap3A_338 = arith.constant 80 : index
      %swap3A_339 = tpu.vector_load %arg9[%swap3A_337, %swap3A_338] {strides = array<i32>} : memref<125x128xf32, #tpu.memory_space<vmem>>, vector<1x16xf32>,
      %swap3A_340 = vector.shape_cast %swap3A_339 : vector<1x16xf32> to vector<16xf32>
      %swap3A_341 = vector.shape_cast %broadcast_in_dim3A_336 : vector<16xf32> to vector<1x16xf32>
      tpu.vector_store %arg9[%swap3A_337, %swap3A_338], %swap3A_341 {strides = array<i32>} : memref<125x128xf32, #tpu.memory_space<vmem>>, vector<1x16xf32>,
      %broadcast_in_dim3A_342 = arith.constant 0.000000e+00 : f32
      %broadcast_in_dim3A_343 = vector.broadcast %broadcast_in_dim3A_342 : f32 to vector<16xf32>
      %swap3A_344 = arith.index_cast %scan3A_301 : i32 to index
      %swap3A_345 = arith.constant 96 : index
      %swap3A_346 = tpu.vector_load %arg9[%swap3A_344, %swap3A_345] {strides = array<i32>} : memref<125x128xf32, #tpu.memory_space<vmem>>, vector<1x16xf32>,
      %swap3A_347 = vector.shape_cast %swap3A_346 : vector<1x16xf32> to vector<16xf32>
      %swap3A_348 = vector.shape_cast %broadcast_in_dim3A_343 : vector<16xf32> to vector<1x16xf32>
      tpu.vector_store %arg9[%swap3A_344, %swap3A_345], %swap3A_348 {strides = array<i32>} : memref<125x128xf32, #tpu.memory_space<vmem>>, vector<1x16xf32>,
      %broadcast_in_dim3A_349 = arith.constant 0.000000e+00 : f32
      %broadcast_in_dim3A_350 = vector.broadcast %broadcast_in_dim3A_349 : f32 to vector<16xf32>
      %swap3A_351 = arith.index_cast %scan3A_301 : i32 to index
      %swap3A_352 = arith.constant 112 : index
      %swap3A_353 = tpu.vector_load %arg9[%swap3A_351, %swap3A_352] {strides = array<i32>} : memref<125x128xf32, #tpu.memory_space<vmem>>, vector<1x16xf32>,
      %swap3A_354 = vector.shape_cast %swap3A_353 : vector<1x16xf32> to vector<16xf32>
      %swap3A_355 = vector.shape_cast %broadcast_in_dim3A_350 : vector<16xf32> to vector<1x16xf32>
      tpu.vector_store %arg9[%swap3A_351, %swap3A_352], %swap3A_355 {strides = array<i32>} : memref<125x128xf32, #tpu.memory_space<vmem>>, vector<1x16xf32>,
    }
    %scan3A_7 = arith.constant 80 : i32
    %mul3A_8 = arith.constant 640 : i32
    %mul3A_9 = arith.muli %arg1, %mul3A_8 : i32
    %add3A_10 = arith.constant 0 : i32
    %add3A_11 = arith.addi %mul3A_9, %add3A_10 : i32
    %dma_start3A = arith.constant 0 : i32
    %dma_start3A_12 = arith.constant 0 : i32
    %dma_start3A_13 = tpu.memref_slice %arg9[%dma_start3A, %dma_start3A_12] : memref<125x128xf32, #tpu.memory_space<vmem>> -> memref<80x128xf32, #tpu.memory_space<vmem>>
    %dma_start3A_14 = arith.constant 0 : i32
    %dma_start3A_15 = tpu.memref_slice %arg10[%add3A_11, %dma_start3A_14] : memref<10240x128xf32, #tpu.memory_space<vmem_shared>> -> memref<80x128xf32, #tpu.memory_space<vmem_shared>>
    %dma_start3A_16 = arith.constant 0 : i32
    %dma_start3A_17 = tpu.memref_slice %arg10[%add3A_11, %dma_start3A_16] : memref<10240x128xf32, #tpu.memory_space<vmem_shared>> -> memref<80x128xf32, #tpu.memory_space<vmem_shared>>
    %dma_start3A_18 = arith.constant 0 : i32
    %dma_start3A_19 = arith.constant 0 : i32
    %dma_start3A_20 = tpu.memref_slice %arg9[%dma_start3A_18, %dma_start3A_19] : memref<125x128xf32, #tpu.memory_space<vmem>> -> memref<80x128xf32, #tpu.memory_space<vmem>>
    tpu.enqueue_dma source(%dma_start3A_20 : memref<80x128xf32, #tpu.memory_space<vmem>>) target(%dma_start3A_17 : memref<80x128xf32, #tpu.memory_space<vmem_shared>>) target_semaphore(%arg14 : memref<!tpu.dma_semaphore, #tpu.memory_space<semaphore_mem>>)
    %mul3A_21 = arith.constant 640 : i32
    %mul3A_22 = arith.muli %arg1, %mul3A_21 : i32
    %add3A_23 = arith.constant 80 : i32
    %add3A_24 = arith.addi %mul3A_22, %add3A_23 : i32
    %dma_start3A_25 = arith.constant 0 : i32
    %dma_start3A_26 = arith.constant 0 : i32
    %dma_start3A_27 = tpu.memref_slice %arg9[%dma_start3A_25, %dma_start3A_26] : memref<125x128xf32, #tpu.memory_space<vmem>> -> memref<80x128xf32, #tpu.memory_space<vmem>>
    %dma_start3A_28 = arith.constant 0 : i32
    %dma_start3A_29 = tpu.memref_slice %arg10[%add3A_24, %dma_start3A_28] : memref<10240x128xf32, #tpu.memory_space<vmem_shared>> -> memref<80x128xf32, #tpu.memory_space<vmem_shared>>
    %dma_start3A_30 = arith.constant 0 : i32
    %dma_start3A_31 = tpu.memref_slice %arg10[%add3A_24, %dma_start3A_30] : memref<10240x128xf32, #tpu.memory_space<vmem_shared>> -> memref<80x128xf32, #tpu.memory_space<vmem_shared>>
    %dma_start3A_32 = arith.constant 0 : i32
    %dma_start3A_33 = arith.constant 0 : i32
    %dma_start3A_34 = tpu.memref_slice %arg9[%dma_start3A_32, %dma_start3A_33] : memref<125x128xf32, #tpu.memory_space<vmem>> -> memref<80x128xf32, #tpu.memory_space<vmem>>
    tpu.enqueue_dma source(%dma_start3A_34 : memref<80x128xf32, #tpu.memory_space<vmem>>) target(%dma_start3A_31 : memref<80x128xf32, #tpu.memory_space<vmem_shared>>) target_semaphore(%arg14 : memref<!tpu.dma_semaphore, #tpu.memory_space<semaphore_mem>>)
    %mul3A_35 = arith.constant 640 : i32
    %mul3A_36 = arith.muli %arg1, %mul3A_35 : i32
    %add3A_37 = arith.constant 160 : i32
    %add3A_38 = arith.addi %mul3A_36, %add3A_37 : i32
    %dma_start3A_39 = arith.constant 0 : i32
    %dma_start3A_40 = arith.constant 0 : i32
    %dma_start3A_41 = tpu.memref_slice %arg9[%dma_start3A_39, %dma_start3A_40] : memref<125x128xf32, #tpu.memory_space<vmem>> -> memref<80x128xf32, #tpu.memory_space<vmem>>
    %dma_start3A_42 = arith.constant 0 : i32
    %dma_start3A_43 = tpu.memref_slice %arg10[%add3A_38, %dma_start3A_42] : memref<10240x128xf32, #tpu.memory_space<vmem_shared>> -> memref<80x128xf32, #tpu.memory_space<vmem_shared>>
    %dma_start3A_44 = arith.constant 0 : i32
    %dma_start3A_45 = tpu.memref_slice %arg10[%add3A_38, %dma_start3A_44] : memref<10240x128xf32, #tpu.memory_space<vmem_shared>> -> memref<80x128xf32, #tpu.memory_space<vmem_shared>>
    %dma_start3A_46 = arith.constant 0 : i32
    %dma_start3A_47 = arith.constant 0 : i32
    %dma_start3A_48 = tpu.memref_slice %arg9[%dma_start3A_46, %dma_start3A_47] : memref<125x128xf32, #tpu.memory_space<vmem>> -> memref<80x128xf32, #tpu.memory_space<vmem>>
    tpu.enqueue_dma source(%dma_start3A_48 : memref<80x128xf32, #tpu.memory_space<vmem>>) target(%dma_start3A_45 : memref<80x128xf32, #tpu.memory_space<vmem_shared>>) target_semaphore(%arg14 : memref<!tpu.dma_semaphore, #tpu.memory_space<semaphore_mem>>)
    %mul3A_49 = arith.constant 640 : i32
    %mul3A_50 = arith.muli %arg1, %mul3A_49 : i32
    %add3A_51 = arith.constant 240 : i32
    %add3A_52 = arith.addi %mul3A_50, %add3A_51 : i32
    %dma_start3A_53 = arith.constant 0 : i32
    %dma_start3A_54 = arith.constant 0 : i32
    %dma_start3A_55 = tpu.memref_slice %arg9[%dma_start3A_53, %dma_start3A_54] : memref<125x128xf32, #tpu.memory_space<vmem>> -> memref<80x128xf32, #tpu.memory_space<vmem>>
    %dma_start3A_56 = arith.constant 0 : i32
    %dma_start3A_57 = tpu.memref_slice %arg10[%add3A_52, %dma_start3A_56] : memref<10240x128xf32, #tpu.memory_space<vmem_shared>> -> memref<80x128xf32, #tpu.memory_space<vmem_shared>>
    %dma_start3A_58 = arith.constant 0 : i32
    %dma_start3A_59 = tpu.memref_slice %arg10[%add3A_52, %dma_start3A_58] : memref<10240x128xf32, #tpu.memory_space<vmem_shared>> -> memref<80x128xf32, #tpu.memory_space<vmem_shared>>
    %dma_start3A_60 = arith.constant 0 : i32
    %dma_start3A_61 = arith.constant 0 : i32
    %dma_start3A_62 = tpu.memref_slice %arg9[%dma_start3A_60, %dma_start3A_61] : memref<125x128xf32, #tpu.memory_space<vmem>> -> memref<80x128xf32, #tpu.memory_space<vmem>>
    tpu.enqueue_dma source(%dma_start3A_62 : memref<80x128xf32, #tpu.memory_space<vmem>>) target(%dma_start3A_59 : memref<80x128xf32, #tpu.memory_space<vmem_shared>>) target_semaphore(%arg14 : memref<!tpu.dma_semaphore, #tpu.memory_space<semaphore_mem>>)
    %mul3A_63 = arith.constant 640 : i32
    %mul3A_64 = arith.muli %arg1, %mul3A_63 : i32
    %add3A_65 = arith.constant 320 : i32
    %add3A_66 = arith.addi %mul3A_64, %add3A_65 : i32
    %dma_start3A_67 = arith.constant 0 : i32
    %dma_start3A_68 = arith.constant 0 : i32
    %dma_start3A_69 = tpu.memref_slice %arg9[%dma_start3A_67, %dma_start3A_68] : memref<125x128xf32, #tpu.memory_space<vmem>> -> memref<80x128xf32, #tpu.memory_space<vmem>>
    %dma_start3A_70 = arith.constant 0 : i32
    %dma_start3A_71 = tpu.memref_slice %arg10[%add3A_66, %dma_start3A_70] : memref<10240x128xf32, #tpu.memory_space<vmem_shared>> -> memref<80x128xf32, #tpu.memory_space<vmem_shared>>
    %dma_start3A_72 = arith.constant 0 : i32
    %dma_start3A_73 = tpu.memref_slice %arg10[%add3A_66, %dma_start3A_72] : memref<10240x128xf32, #tpu.memory_space<vmem_shared>> -> memref<80x128xf32, #tpu.memory_space<vmem_shared>>
    %dma_start3A_74 = arith.constant 0 : i32
    %dma_start3A_75 = arith.constant 0 : i32
    %dma_start3A_76 = tpu.memref_slice %arg9[%dma_start3A_74, %dma_start3A_75] : memref<125x128xf32, #tpu.memory_space<vmem>> -> memref<80x128xf32, #tpu.memory_space<vmem>>
    tpu.enqueue_dma source(%dma_start3A_76 : memref<80x128xf32, #tpu.memory_space<vmem>>) target(%dma_start3A_73 : memref<80x128xf32, #tpu.memory_space<vmem_shared>>) target_semaphore(%arg14 : memref<!tpu.dma_semaphore, #tpu.memory_space<semaphore_mem>>)
    %mul3A_77 = arith.constant 640 : i32
    %mul3A_78 = arith.muli %arg1, %mul3A_77 : i32
    %add3A_79 = arith.constant 400 : i32
    %add3A_80 = arith.addi %mul3A_78, %add3A_79 : i32
    %dma_start3A_81 = arith.constant 0 : i32
    %dma_start3A_82 = arith.constant 0 : i32
    %dma_start3A_83 = tpu.memref_slice %arg9[%dma_start3A_81, %dma_start3A_82] : memref<125x128xf32, #tpu.memory_space<vmem>> -> memref<80x128xf32, #tpu.memory_space<vmem>>
    %dma_start3A_84 = arith.constant 0 : i32
    %dma_start3A_85 = tpu.memref_slice %arg10[%add3A_80, %dma_start3A_84] : memref<10240x128xf32, #tpu.memory_space<vmem_shared>> -> memref<80x128xf32, #tpu.memory_space<vmem_shared>>
    %dma_start3A_86 = arith.constant 0 : i32
    %dma_start3A_87 = tpu.memref_slice %arg10[%add3A_80, %dma_start3A_86] : memref<10240x128xf32, #tpu.memory_space<vmem_shared>> -> memref<80x128xf32, #tpu.memory_space<vmem_shared>>
    %dma_start3A_88 = arith.constant 0 : i32
    %dma_start3A_89 = arith.constant 0 : i32
    %dma_start3A_90 = tpu.memref_slice %arg9[%dma_start3A_88, %dma_start3A_89] : memref<125x128xf32, #tpu.memory_space<vmem>> -> memref<80x128xf32, #tpu.memory_space<vmem>>
    tpu.enqueue_dma source(%dma_start3A_90 : memref<80x128xf32, #tpu.memory_space<vmem>>) target(%dma_start3A_87 : memref<80x128xf32, #tpu.memory_space<vmem_shared>>) target_semaphore(%arg14 : memref<!tpu.dma_semaphore, #tpu.memory_space<semaphore_mem>>)
    %mul3A_91 = arith.constant 640 : i32
    %mul3A_92 = arith.muli %arg1, %mul3A_91 : i32
    %add3A_93 = arith.constant 480 : i32
    %add3A_94 = arith.addi %mul3A_92, %add3A_93 : i32
    %dma_start3A_95 = arith.constant 0 : i32
    %dma_start3A_96 = arith.constant 0 : i32
    %dma_start3A_97 = tpu.memref_slice %arg9[%dma_start3A_95, %dma_start3A_96] : memref<125x128xf32, #tpu.memory_space<vmem>> -> memref<80x128xf32, #tpu.memory_space<vmem>>
    %dma_start3A_98 = arith.constant 0 : i32
    %dma_start3A_99 = tpu.memref_slice %arg10[%add3A_94, %dma_start3A_98] : memref<10240x128xf32, #tpu.memory_space<vmem_shared>> -> memref<80x128xf32, #tpu.memory_space<vmem_shared>>
    %dma_start3A_100 = arith.constant 0 : i32
    %dma_start3A_101 = tpu.memref_slice %arg10[%add3A_94, %dma_start3A_100] : memref<10240x128xf32, #tpu.memory_space<vmem_shared>> -> memref<80x128xf32, #tpu.memory_space<vmem_shared>>
    %dma_start3A_102 = arith.constant 0 : i32
    %dma_start3A_103 = arith.constant 0 : i32
    %dma_start3A_104 = tpu.memref_slice %arg9[%dma_start3A_102, %dma_start3A_103] : memref<125x128xf32, #tpu.memory_space<vmem>> -> memref<80x128xf32, #tpu.memory_space<vmem>>
    tpu.enqueue_dma source(%dma_start3A_104 : memref<80x128xf32, #tpu.memory_space<vmem>>) target(%dma_start3A_101 : memref<80x128xf32, #tpu.memory_space<vmem_shared>>) target_semaphore(%arg14 : memref<!tpu.dma_semaphore, #tpu.memory_space<semaphore_mem>>)
    %mul3A_105 = arith.constant 640 : i32
    %mul3A_106 = arith.muli %arg1, %mul3A_105 : i32
    %add3A_107 = arith.constant 560 : i32
    %add3A_108 = arith.addi %mul3A_106, %add3A_107 : i32
    %dma_start3A_109 = arith.constant 0 : i32
    %dma_start3A_110 = arith.constant 0 : i32
    %dma_start3A_111 = tpu.memref_slice %arg9[%dma_start3A_109, %dma_start3A_110] : memref<125x128xf32, #tpu.memory_space<vmem>> -> memref<80x128xf32, #tpu.memory_space<vmem>>
    %dma_start3A_112 = arith.constant 0 : i32
    %dma_start3A_113 = tpu.memref_slice %arg10[%add3A_108, %dma_start3A_112] : memref<10240x128xf32, #tpu.memory_space<vmem_shared>> -> memref<80x128xf32, #tpu.memory_space<vmem_shared>>
    %dma_start3A_114 = arith.constant 0 : i32
    %dma_start3A_115 = tpu.memref_slice %arg10[%add3A_108, %dma_start3A_114] : memref<10240x128xf32, #tpu.memory_space<vmem_shared>> -> memref<80x128xf32, #tpu.memory_space<vmem_shared>>
    %dma_start3A_116 = arith.constant 0 : i32
    %dma_start3A_117 = arith.constant 0 : i32
    %dma_start3A_118 = tpu.memref_slice %arg9[%dma_start3A_116, %dma_start3A_117] : memref<125x128xf32, #tpu.memory_space<vmem>> -> memref<80x128xf32, #tpu.memory_space<vmem>>
    tpu.enqueue_dma source(%dma_start3A_118 : memref<80x128xf32, #tpu.memory_space<vmem>>) target(%dma_start3A_115 : memref<80x128xf32, #tpu.memory_space<vmem_shared>>) target_semaphore(%arg14 : memref<!tpu.dma_semaphore, #tpu.memory_space<semaphore_mem>>)
    %add3A_119 = arith.constant 0 : i32
    %add3A_120 = arith.addi %mul3A_2, %add3A_119 : i32
    %add3A_121 = arith.constant 0 : i32
    %add3A_122 = arith.addi %mul3A_2, %add3A_121 : i32
    %dma_start3A_123 = arith.constant 0 : i32
    %dma_start3A_124 = tpu.memref_slice %arg3[%add3A_120, %dma_start3A_123] : memref<2560x125xi32, #tpu.memory_space<hbm>> -> memref<40x125xi32, #tpu.memory_space<hbm>>
    %dma_start3A_125 = arith.constant 0 : i32
    %dma_start3A_126 = tpu.memref_slice %arg3[%add3A_120, %dma_start3A_125] : memref<2560x125xi32, #tpu.memory_space<hbm>> -> memref<40x125xi32, #tpu.memory_space<hbm>>
    tpu.enqueue_dma source(%dma_start3A_126 : memref<40x125xi32, #tpu.memory_space<hbm>>) target(%arg6 : memref<40x125xi32, #tpu.memory_space<vmem>>) target_semaphore(%arg11 : memref<!tpu.dma_semaphore, #tpu.memory_space<semaphore_mem>>)
    %dma_start3A_127 = arith.constant 0 : i32
    %dma_start3A_128 = tpu.memref_slice %arg4[%add3A_122, %dma_start3A_127] : memref<2560x125xi32, #tpu.memory_space<hbm>> -> memref<40x125xi32, #tpu.memory_space<hbm>>
    %dma_start3A_129 = arith.constant 0 : i32
    %dma_start3A_130 = tpu.memref_slice %arg4[%add3A_122, %dma_start3A_129] : memref<2560x125xi32, #tpu.memory_space<hbm>> -> memref<40x125xi32, #tpu.memory_space<hbm>>
    tpu.enqueue_dma source(%dma_start3A_130 : memref<40x125xi32, #tpu.memory_space<hbm>>) target(%arg7 : memref<40x125xi32, #tpu.memory_space<vmem>>) target_semaphore(%arg12 : memref<!tpu.dma_semaphore, #tpu.memory_space<semaphore_mem>>)
    %dma_wait3A = arith.constant 0 : i32
    %dma_wait3A_131 = tpu.memref_slice %arg3[%add3A_120, %dma_wait3A] : memref<2560x125xi32, #tpu.memory_space<hbm>> -> memref<40x125xi32, #tpu.memory_space<hbm>>
    %dma_wait3A_132 = arith.constant 0 : i32
    %dma_wait3A_133 = tpu.memref_slice %arg3[%add3A_120, %dma_wait3A_132] : memref<2560x125xi32, #tpu.memory_space<hbm>> -> memref<40x125xi32, #tpu.memory_space<hbm>>
    tpu.wait_dma2 semaphore(%arg11 : memref<!tpu.dma_semaphore, #tpu.memory_space<semaphore_mem>>) src(%dma_wait3A_133 : memref<40x125xi32, #tpu.memory_space<hbm>>) dst(%arg6 : memref<40x125xi32, #tpu.memory_space<vmem>>)
    %dma_start3A_134 = arith.constant 0 : i32
    %dma_start3A_135 = arith.constant 0 : i32
    %dma_start3A_136 = tpu.memref_slice %arg6[%dma_start3A_134, %dma_start3A_135] : memref<40x125xi32, #tpu.memory_space<vmem>> -> memref<1x125xi32, #tpu.memory_space<vmem>>
    %dma_start3A_137 = tpu.memref_squeeze %dma_start3A_136 : memref<1x125xi32, #tpu.memory_space<vmem>> -> memref<125xi32, #tpu.memory_space<vmem>>
    %dma_start3A_138 = arith.constant 0 : i32
    %dma_start3A_139 = arith.constant 0 : i32
    %dma_start3A_140 = tpu.memref_slice %arg2[%dma_start3A_138, %dma_start3A_139] : memref<10000x128xf32, #tpu.memory_space<hbm>> -> memref<10000x128xf32, #tpu.memory_space<hbm>>
    tpu.enqueue_indirect_dma source(%dma_start3A_140 : memref<10000x128xf32, #tpu.memory_space<hbm>>) target(%arg8 : memref<125x128xf32, #tpu.memory_space<vmem>>) offsets(%dma_start3A_137 : memref<125xi32, #tpu.memory_space<vmem>>) semaphore(%arg11 : memref<!tpu.dma_semaphore, #tpu.memory_space<semaphore_mem>>)
    %dma_wait3A_141 = arith.constant 0 : i32
    %dma_wait3A_142 = tpu.memref_slice %arg4[%add3A_122, %dma_wait3A_141] : memref<2560x125xi32, #tpu.memory_space<hbm>> -> memref<40x125xi32, #tpu.memory_space<hbm>>
    %dma_wait3A_143 = arith.constant 0 : i32
    %dma_wait3A_144 = tpu.memref_slice %arg4[%add3A_122, %dma_wait3A_143] : memref<2560x125xi32, #tpu.memory_space<hbm>> -> memref<40x125xi32, #tpu.memory_space<hbm>>
    tpu.wait_dma2 semaphore(%arg12 : memref<!tpu.dma_semaphore, #tpu.memory_space<semaphore_mem>>) src(%dma_wait3A_144 : memref<40x125xi32, #tpu.memory_space<hbm>>) dst(%arg7 : memref<40x125xi32, #tpu.memory_space<vmem>>)
    %mul3A_145 = arith.constant 640 : i32
    %mul3A_146 = arith.muli %arg1, %mul3A_145 : i32
    %add3A_147 = arith.constant 0 : i32
    %add3A_148 = arith.addi %mul3A_146, %add3A_147 : i32
    %dma_wait3A_149 = arith.constant 0 : i32
    %dma_wait3A_150 = arith.constant 0 : i32
    %dma_wait3A_151 = tpu.memref_slice %arg9[%dma_wait3A_149, %dma_wait3A_150] : memref<125x128xf32, #tpu.memory_space<vmem>> -> memref<80x128xf32, #tpu.memory_space<vmem>>
    %dma_wait3A_152 = arith.constant 0 : i32
    %dma_wait3A_153 = tpu.memref_slice %arg10[%add3A_148, %dma_wait3A_152] : memref<10240x128xf32, #tpu.memory_space<vmem_shared>> -> memref<80x128xf32, #tpu.memory_space<vmem_shared>>
    %dma_wait3A_154 = arith.constant 0 : i32
    %dma_wait3A_155 = tpu.memref_slice %arg10[%add3A_148, %dma_wait3A_154] : memref<10240x128xf32, #tpu.memory_space<vmem_shared>> -> memref<80x128xf32, #tpu.memory_space<vmem_shared>>
    %dma_wait3A_156 = arith.constant 0 : i32
    %dma_wait3A_157 = arith.constant 0 : i32
    %dma_wait3A_158 = tpu.memref_slice %arg9[%dma_wait3A_156, %dma_wait3A_157] : memref<125x128xf32, #tpu.memory_space<vmem>> -> memref<80x128xf32, #tpu.memory_space<vmem>>
    tpu.wait_dma2 semaphore(%arg14 : memref<!tpu.dma_semaphore, #tpu.memory_space<semaphore_mem>>) src(%dma_wait3A_158 : memref<80x128xf32, #tpu.memory_space<vmem>>) dst(%dma_wait3A_155 : memref<80x128xf32, #tpu.memory_space<vmem_shared>>)
    %mul3A_159 = arith.constant 640 : i32
    %mul3A_160 = arith.muli %arg1, %mul3A_159 : i32
    %add3A_161 = arith.constant 80 : i32
    %add3A_162 = arith.addi %mul3A_160, %add3A_161 : i32
    %dma_wait3A_163 = arith.constant 0 : i32
    %dma_wait3A_164 = arith.constant 0 : i32
    %dma_wait3A_165 = tpu.memref_slice %arg9[%dma_wait3A_163, %dma_wait3A_164] : memref<125x128xf32, #tpu.memory_space<vmem>> -> memref<80x128xf32, #tpu.memory_space<vmem>>
    %dma_wait3A_166 = arith.constant 0 : i32
    %dma_wait3A_167 = tpu.memref_slice %arg10[%add3A_162, %dma_wait3A_166] : memref<10240x128xf32, #tpu.memory_space<vmem_shared>> -> memref<80x128xf32, #tpu.memory_space<vmem_shared>>
    %dma_wait3A_168 = arith.constant 0 : i32
    %dma_wait3A_169 = tpu.memref_slice %arg10[%add3A_162, %dma_wait3A_168] : memref<10240x128xf32, #tpu.memory_space<vmem_shared>> -> memref<80x128xf32, #tpu.memory_space<vmem_shared>>
    %dma_wait3A_170 = arith.constant 0 : i32
    %dma_wait3A_171 = arith.constant 0 : i32
    %dma_wait3A_172 = tpu.memref_slice %arg9[%dma_wait3A_170, %dma_wait3A_171] : memref<125x128xf32, #tpu.memory_space<vmem>> -> memref<80x128xf32, #tpu.memory_space<vmem>>
    tpu.wait_dma2 semaphore(%arg14 : memref<!tpu.dma_semaphore, #tpu.memory_space<semaphore_mem>>) src(%dma_wait3A_172 : memref<80x128xf32, #tpu.memory_space<vmem>>) dst(%dma_wait3A_169 : memref<80x128xf32, #tpu.memory_space<vmem_shared>>)
    %mul3A_173 = arith.constant 640 : i32
    %mul3A_174 = arith.muli %arg1, %mul3A_173 : i32
    %add3A_175 = arith.constant 160 : i32
    %add3A_176 = arith.addi %mul3A_174, %add3A_175 : i32
    %dma_wait3A_177 = arith.constant 0 : i32
    %dma_wait3A_178 = arith.constant 0 : i32
    %dma_wait3A_179 = tpu.memref_slice %arg9[%dma_wait3A_177, %dma_wait3A_178] : memref<125x128xf32, #tpu.memory_space<vmem>> -> memref<80x128xf32, #tpu.memory_space<vmem>>
    %dma_wait3A_180 = arith.constant 0 : i32
    %dma_wait3A_181 = tpu.memref_slice %arg10[%add3A_176, %dma_wait3A_180] : memref<10240x128xf32, #tpu.memory_space<vmem_shared>> -> memref<80x128xf32, #tpu.memory_space<vmem_shared>>
    %dma_wait3A_182 = arith.constant 0 : i32
    %dma_wait3A_183 = tpu.memref_slice %arg10[%add3A_176, %dma_wait3A_182] : memref<10240x128xf32, #tpu.memory_space<vmem_shared>> -> memref<80x128xf32, #tpu.memory_space<vmem_shared>>
    %dma_wait3A_184 = arith.constant 0 : i32
    %dma_wait3A_185 = arith.constant 0 : i32
    %dma_wait3A_186 = tpu.memref_slice %arg9[%dma_wait3A_184, %dma_wait3A_185] : memref<125x128xf32, #tpu.memory_space<vmem>> -> memref<80x128xf32, #tpu.memory_space<vmem>>
    tpu.wait_dma2 semaphore(%arg14 : memref<!tpu.dma_semaphore, #tpu.memory_space<semaphore_mem>>) src(%dma_wait3A_186 : memref<80x128xf32, #tpu.memory_space<vmem>>) dst(%dma_wait3A_183 : memref<80x128xf32, #tpu.memory_space<vmem_shared>>)
    %mul3A_187 = arith.constant 640 : i32
    %mul3A_188 = arith.muli %arg1, %mul3A_187 : i32
    %add3A_189 = arith.constant 240 : i32
    %add3A_190 = arith.addi %mul3A_188, %add3A_189 : i32
    %dma_wait3A_191 = arith.constant 0 : i32
    %dma_wait3A_192 = arith.constant 0 : i32
    %dma_wait3A_193 = tpu.memref_slice %arg9[%dma_wait3A_191, %dma_wait3A_192] : memref<125x128xf32, #tpu.memory_space<vmem>> -> memref<80x128xf32, #tpu.memory_space<vmem>>
    %dma_wait3A_194 = arith.constant 0 : i32
    %dma_wait3A_195 = tpu.memref_slice %arg10[%add3A_190, %dma_wait3A_194] : memref<10240x128xf32, #tpu.memory_space<vmem_shared>> -> memref<80x128xf32, #tpu.memory_space<vmem_shared>>
    %dma_wait3A_196 = arith.constant 0 : i32
    %dma_wait3A_197 = tpu.memref_slice %arg10[%add3A_190, %dma_wait3A_196] : memref<10240x128xf32, #tpu.memory_space<vmem_shared>> -> memref<80x128xf32, #tpu.memory_space<vmem_shared>>
    %dma_wait3A_198 = arith.constant 0 : i32
    %dma_wait3A_199 = arith.constant 0 : i32
    %dma_wait3A_200 = tpu.memref_slice %arg9[%dma_wait3A_198, %dma_wait3A_199] : memref<125x128xf32, #tpu.memory_space<vmem>> -> memref<80x128xf32, #tpu.memory_space<vmem>>
    tpu.wait_dma2 semaphore(%arg14 : memref<!tpu.dma_semaphore, #tpu.memory_space<semaphore_mem>>) src(%dma_wait3A_200 : memref<80x128xf32, #tpu.memory_space<vmem>>) dst(%dma_wait3A_197 : memref<80x128xf32, #tpu.memory_space<vmem_shared>>)
    %mul3A_201 = arith.constant 640 : i32
    %mul3A_202 = arith.muli %arg1, %mul3A_201 : i32
    %add3A_203 = arith.constant 320 : i32
    %add3A_204 = arith.addi %mul3A_202, %add3A_203 : i32
    %dma_wait3A_205 = arith.constant 0 : i32
    %dma_wait3A_206 = arith.constant 0 : i32
    %dma_wait3A_207 = tpu.memref_slice %arg9[%dma_wait3A_205, %dma_wait3A_206] : memref<125x128xf32, #tpu.memory_space<vmem>> -> memref<80x128xf32, #tpu.memory_space<vmem>>
    %dma_wait3A_208 = arith.constant 0 : i32
    %dma_wait3A_209 = tpu.memref_slice %arg10[%add3A_204, %dma_wait3A_208] : memref<10240x128xf32, #tpu.memory_space<vmem_shared>> -> memref<80x128xf32, #tpu.memory_space<vmem_shared>>
    %dma_wait3A_210 = arith.constant 0 : i32
    %dma_wait3A_211 = tpu.memref_slice %arg10[%add3A_204, %dma_wait3A_210] : memref<10240x128xf32, #tpu.memory_space<vmem_shared>> -> memref<80x128xf32, #tpu.memory_space<vmem_shared>>
    %dma_wait3A_212 = arith.constant 0 : i32
    %dma_wait3A_213 = arith.constant 0 : i32
    %dma_wait3A_214 = tpu.memref_slice %arg9[%dma_wait3A_212, %dma_wait3A_213] : memref<125x128xf32, #tpu.memory_space<vmem>> -> memref<80x128xf32, #tpu.memory_space<vmem>>
    tpu.wait_dma2 semaphore(%arg14 : memref<!tpu.dma_semaphore, #tpu.memory_space<semaphore_mem>>) src(%dma_wait3A_214 : memref<80x128xf32, #tpu.memory_space<vmem>>) dst(%dma_wait3A_211 : memref<80x128xf32, #tpu.memory_space<vmem_shared>>)
    %mul3A_215 = arith.constant 640 : i32
    %mul3A_216 = arith.muli %arg1, %mul3A_215 : i32
    %add3A_217 = arith.constant 400 : i32
    %add3A_218 = arith.addi %mul3A_216, %add3A_217 : i32
    %dma_wait3A_219 = arith.constant 0 : i32
    %dma_wait3A_220 = arith.constant 0 : i32
    %dma_wait3A_221 = tpu.memref_slice %arg9[%dma_wait3A_219, %dma_wait3A_220] : memref<125x128xf32, #tpu.memory_space<vmem>> -> memref<80x128xf32, #tpu.memory_space<vmem>>
    %dma_wait3A_222 = arith.constant 0 : i32
    %dma_wait3A_223 = tpu.memref_slice %arg10[%add3A_218, %dma_wait3A_222] : memref<10240x128xf32, #tpu.memory_space<vmem_shared>> -> memref<80x128xf32, #tpu.memory_space<vmem_shared>>
    %dma_wait3A_224 = arith.constant 0 : i32
    %dma_wait3A_225 = tpu.memref_slice %arg10[%add3A_218, %dma_wait3A_224] : memref<10240x128xf32, #tpu.memory_space<vmem_shared>> -> memref<80x128xf32, #tpu.memory_space<vmem_shared>>
    %dma_wait3A_226 = arith.constant 0 : i32
    %dma_wait3A_227 = arith.constant 0 : i32
    %dma_wait3A_228 = tpu.memref_slice %arg9[%dma_wait3A_226, %dma_wait3A_227] : memref<125x128xf32, #tpu.memory_space<vmem>> -> memref<80x128xf32, #tpu.memory_space<vmem>>
    tpu.wait_dma2 semaphore(%arg14 : memref<!tpu.dma_semaphore, #tpu.memory_space<semaphore_mem>>) src(%dma_wait3A_228 : memref<80x128xf32, #tpu.memory_space<vmem>>) dst(%dma_wait3A_225 : memref<80x128xf32, #tpu.memory_space<vmem_shared>>)
    %mul3A_229 = arith.constant 640 : i32
    %mul3A_230 = arith.muli %arg1, %mul3A_229 : i32
    %add3A_231 = arith.constant 480 : i32
    %add3A_232 = arith.addi %mul3A_230, %add3A_231 : i32
    %dma_wait3A_233 = arith.constant 0 : i32
    %dma_wait3A_234 = arith.constant 0 : i32
    %dma_wait3A_235 = tpu.memref_slice %arg9[%dma_wait3A_233, %dma_wait3A_234] : memref<125x128xf32, #tpu.memory_space<vmem>> -> memref<80x128xf32, #tpu.memory_space<vmem>>
    %dma_wait3A_236 = arith.constant 0 : i32
    %dma_wait3A_237 = tpu.memref_slice %arg10[%add3A_232, %dma_wait3A_236] : memref<10240x128xf32, #tpu.memory_space<vmem_shared>> -> memref<80x128xf32, #tpu.memory_space<vmem_shared>>
    %dma_wait3A_238 = arith.constant 0 : i32
    %dma_wait3A_239 = tpu.memref_slice %arg10[%add3A_232, %dma_wait3A_238] : memref<10240x128xf32, #tpu.memory_space<vmem_shared>> -> memref<80x128xf32, #tpu.memory_space<vmem_shared>>
    %dma_wait3A_240 = arith.constant 0 : i32
    %dma_wait3A_241 = arith.constant 0 : i32
    %dma_wait3A_242 = tpu.memref_slice %arg9[%dma_wait3A_240, %dma_wait3A_241] : memref<125x128xf32, #tpu.memory_space<vmem>> -> memref<80x128xf32, #tpu.memory_space<vmem>>
    tpu.wait_dma2 semaphore(%arg14 : memref<!tpu.dma_semaphore, #tpu.memory_space<semaphore_mem>>) src(%dma_wait3A_242 : memref<80x128xf32, #tpu.memory_space<vmem>>) dst(%dma_wait3A_239 : memref<80x128xf32, #tpu.memory_space<vmem_shared>>)
    %mul3A_243 = arith.constant 640 : i32
    %mul3A_244 = arith.muli %arg1, %mul3A_243 : i32
    %add3A_245 = arith.constant 560 : i32
    %add3A_246 = arith.addi %mul3A_244, %add3A_245 : i32
    %dma_wait3A_247 = arith.constant 0 : i32
    %dma_wait3A_248 = arith.constant 0 : i32
    %dma_wait3A_249 = tpu.memref_slice %arg9[%dma_wait3A_247, %dma_wait3A_248] : memref<125x128xf32, #tpu.memory_space<vmem>> -> memref<80x128xf32, #tpu.memory_space<vmem>>
    %dma_wait3A_250 = arith.constant 0 : i32
    %dma_wait3A_251 = tpu.memref_slice %arg10[%add3A_246, %dma_wait3A_250] : memref<10240x128xf32, #tpu.memory_space<vmem_shared>> -> memref<80x128xf32, #tpu.memory_space<vmem_shared>>
    %dma_wait3A_252 = arith.constant 0 : i32
    %dma_wait3A_253 = tpu.memref_slice %arg10[%add3A_246, %dma_wait3A_252] : memref<10240x128xf32, #tpu.memory_space<vmem_shared>> -> memref<80x128xf32, #tpu.memory_space<vmem_shared>>
    %dma_wait3A_254 = arith.constant 0 : i32
    %dma_wait3A_255 = arith.constant 0 : i32
    %dma_wait3A_256 = tpu.memref_slice %arg9[%dma_wait3A_254, %dma_wait3A_255] : memref<125x128xf32, #tpu.memory_space<vmem>> -> memref<80x128xf32, #tpu.memory_space<vmem>>
    tpu.wait_dma2 semaphore(%arg14 : memref<!tpu.dma_semaphore, #tpu.memory_space<semaphore_mem>>) src(%dma_wait3A_256 : memref<80x128xf32, #tpu.memory_space<vmem>>) dst(%dma_wait3A_253 : memref<80x128xf32, #tpu.memory_space<vmem_shared>>)
    %barrier3A = arith.constant 0 : index
    tpu.barrier barrier_id(%barrier3A)
    %scan3A_257 = arith.constant 0 : i32
    %scan3A_258 = arith.constant 0 : i32
    %scan3A_259 = arith.constant 20 : i32
    %scan3A_260 = arith.addi %scan3A_258, %scan3A_259 : i32
    %scan3A_261 = arith.constant 1 : i32
    scf.for %scan3A_301 = %scan3A_258 to %scan3A_260 step %scan3A_261  : i32 {
      %mul3A_302 = arith.constant 2 : i32
      %mul3A_303 = arith.muli %mul3A_302, %scan3A_301 : i32
      %dma_wait3A_304 = arith.constant 0 : i32
      %dma_wait3A_305 = tpu.memref_slice %arg6[%mul3A_303, %dma_wait3A_304] : memref<40x125xi32, #tpu.memory_space<vmem>> -> memref<1x125xi32, #tpu.memory_space<vmem>>
      %dma_wait3A_306 = tpu.memref_squeeze %dma_wait3A_305 : memref<1x125xi32, #tpu.memory_space<vmem>> -> memref<125xi32, #tpu.memory_space<vmem>>
      %dma_wait3A_307 = arith.constant 0 : i32
      %dma_wait3A_308 = arith.constant 0 : i32
      %dma_wait3A_309 = tpu.memref_slice %arg2[%dma_wait3A_307, %dma_wait3A_308] : memref<10000x128xf32, #tpu.memory_space<hbm>> -> memref<10000x128xf32, #tpu.memory_space<hbm>>
      tpu.wait_indirect_dma semaphore(%arg11 : memref<!tpu.dma_semaphore, #tpu.memory_space<semaphore_mem>>) src(%dma_wait3A_309 : memref<10000x128xf32, #tpu.memory_space<hbm>>) dst(%arg8 : memref<125x128xf32, #tpu.memory_space<vmem>>)
      %add3A_310 = arith.constant 1 : i32
      %add3A_311 = arith.addi %mul3A_303, %add3A_310 : i32
      %dma_start3A_312 = arith.constant 0 : i32
      %dma_start3A_313 = tpu.memref_slice %arg6[%add3A_311, %dma_start3A_312] : memref<40x125xi32, #tpu.memory_space<vmem>> -> memref<1x125xi32, #tpu.memory_space<vmem>>
      %dma_start3A_314 = tpu.memref_squeeze %dma_start3A_313 : memref<1x125xi32, #tpu.memory_space<vmem>> -> memref<125xi32, #tpu.memory_space<vmem>>
      %dma_start3A_315 = arith.constant 0 : i32
      %dma_start3A_316 = arith.constant 0 : i32
      %dma_start3A_317 = tpu.memref_slice %arg2[%dma_start3A_315, %dma_start3A_316] : memref<10000x128xf32, #tpu.memory_space<hbm>> -> memref<10000x128xf32, #tpu.memory_space<hbm>>
      tpu.enqueue_indirect_dma source(%dma_start3A_317 : memref<10000x128xf32, #tpu.memory_space<hbm>>) target(%arg9 : memref<125x128xf32, #tpu.memory_space<vmem>>) offsets(%dma_start3A_314 : memref<125xi32, #tpu.memory_space<vmem>>) semaphore(%arg12 : memref<!tpu.dma_semaphore, #tpu.memory_space<semaphore_mem>>)
      %dma_start3A_318 = arith.constant 0 : i32
      %dma_start3A_319 = tpu.memref_slice %arg7[%mul3A_303, %dma_start3A_318] : memref<40x125xi32, #tpu.memory_space<vmem>> -> memref<1x125xi32, #tpu.memory_space<vmem>>
      %dma_start3A_320 = tpu.memref_squeeze %dma_start3A_319 : memref<1x125xi32, #tpu.memory_space<vmem>> -> memref<125xi32, #tpu.memory_space<vmem>>
      %dma_start3A_321 = arith.constant 0 : i32
      %dma_start3A_322 = arith.constant 0 : i32
      %dma_start3A_323 = tpu.memref_slice %arg10[%dma_start3A_321, %dma_start3A_322] : memref<10240x128xf32, #tpu.memory_space<vmem_shared>> -> memref<10240x128xf32, #tpu.memory_space<vmem_shared>>
      tpu.enqueue_indirect_dma source(%arg8 : memref<125x128xf32, #tpu.memory_space<vmem>>) target(%dma_start3A_323 : memref<10240x128xf32, #tpu.memory_space<vmem_shared>>) offsets(%dma_start3A_320 : memref<125xi32, #tpu.memory_space<vmem>>) semaphore(%arg13 : memref<!tpu.dma_semaphore, #tpu.memory_space<semaphore_mem>>) {add = true}
      %add3A_324 = arith.constant 1 : i32
      %add3A_325 = arith.addi %mul3A_303, %add3A_324 : i32
      %dma_wait3A_326 = arith.constant 0 : i32
      %dma_wait3A_327 = tpu.memref_slice %arg6[%add3A_325, %dma_wait3A_326] : memref<40x125xi32, #tpu.memory_space<vmem>> -> memref<1x125xi32, #tpu.memory_space<vmem>>
      %dma_wait3A_328 = tpu.memref_squeeze %dma_wait3A_327 : memref<1x125xi32, #tpu.memory_space<vmem>> -> memref<125xi32, #tpu.memory_space<vmem>>
      %dma_wait3A_329 = arith.constant 0 : i32
      %dma_wait3A_330 = arith.constant 0 : i32
      %dma_wait3A_331 = tpu.memref_slice %arg2[%dma_wait3A_329, %dma_wait3A_330] : memref<10000x128xf32, #tpu.memory_space<hbm>> -> memref<10000x128xf32, #tpu.memory_space<hbm>>
      tpu.wait_indirect_dma semaphore(%arg12 : memref<!tpu.dma_semaphore, #tpu.memory_space<semaphore_mem>>) src(%dma_wait3A_331 : memref<10000x128xf32, #tpu.memory_space<hbm>>) dst(%arg9 : memref<125x128xf32, #tpu.memory_space<vmem>>)
      %add3A_332 = arith.constant 1 : i32
      %add3A_333 = arith.addi %mul3A_303, %add3A_332 : i32
      %dma_start3A_334 = arith.constant 0 : i32
      %dma_start3A_335 = tpu.memref_slice %arg7[%add3A_333, %dma_start3A_334] : memref<40x125xi32, #tpu.memory_space<vmem>> -> memref<1x125xi32, #tpu.memory_space<vmem>>
      %dma_start3A_336 = tpu.memref_squeeze %dma_start3A_335 : memref<1x125xi32, #tpu.memory_space<vmem>> -> memref<125xi32, #tpu.memory_space<vmem>>
      %dma_start3A_337 = arith.constant 0 : i32
      %dma_start3A_338 = arith.constant 0 : i32
      %dma_start3A_339 = tpu.memref_slice %arg10[%dma_start3A_337, %dma_start3A_338] : memref<10240x128xf32, #tpu.memory_space<vmem_shared>> -> memref<10240x128xf32, #tpu.memory_space<vmem_shared>>
      tpu.enqueue_indirect_dma source(%arg9 : memref<125x128xf32, #tpu.memory_space<vmem>>) target(%dma_start3A_339 : memref<10240x128xf32, #tpu.memory_space<vmem_shared>>) offsets(%dma_start3A_336 : memref<125xi32, #tpu.memory_space<vmem>>) semaphore(%arg14 : memref<!tpu.dma_semaphore, #tpu.memory_space<semaphore_mem>>) {add = true}
      %dma_wait3A_340 = arith.constant 0 : i32
      %dma_wait3A_341 = tpu.memref_slice %arg7[%mul3A_303, %dma_wait3A_340] : memref<40x125xi32, #tpu.memory_space<vmem>> -> memref<1x125xi32, #tpu.memory_space<vmem>>
      %dma_wait3A_342 = tpu.memref_squeeze %dma_wait3A_341 : memref<1x125xi32, #tpu.memory_space<vmem>> -> memref<125xi32, #tpu.memory_space<vmem>>
      %dma_wait3A_343 = arith.constant 0 : i32
      %dma_wait3A_344 = arith.constant 0 : i32
      %dma_wait3A_345 = tpu.memref_slice %arg10[%dma_wait3A_343, %dma_wait3A_344] : memref<10240x128xf32, #tpu.memory_space<vmem_shared>> -> memref<10240x128xf32, #tpu.memory_space<vmem_shared>>
      tpu.wait_indirect_dma semaphore(%arg13 : memref<!tpu.dma_semaphore, #tpu.memory_space<semaphore_mem>>) src(%arg8 : memref<125x128xf32, #tpu.memory_space<vmem>>) dst(%dma_wait3A_345 : memref<10240x128xf32, #tpu.memory_space<vmem_shared>>)
      %lt3A = arith.constant 19 : i32
      %lt3A_346 = arith.cmpi slt, %scan3A_301, %lt3A : i32
      %convert_element_type3A = arith.extui %lt3A_346 : i1 to i32
      %cond3A = arith.constant 0 : i32
      %cond3A_347 = arith.cmpi ne, %convert_element_type3A, %cond3A : i32
      scf.if %cond3A_347 {
        %add3A_356 = arith.constant 2 : i32
        %add3A_357 = arith.addi %mul3A_303, %add3A_356 : i32
        %dma_start3A_358 = arith.constant 0 : i32
        %dma_start3A_359 = tpu.memref_slice %arg6[%add3A_357, %dma_start3A_358] : memref<40x125xi32, #tpu.memory_space<vmem>> -> memref<1x125xi32, #tpu.memory_space<vmem>>
        %dma_start3A_360 = tpu.memref_squeeze %dma_start3A_359 : memref<1x125xi32, #tpu.memory_space<vmem>> -> memref<125xi32, #tpu.memory_space<vmem>>
        %dma_start3A_361 = arith.constant 0 : i32
        %dma_start3A_362 = arith.constant 0 : i32
        %dma_start3A_363 = tpu.memref_slice %arg2[%dma_start3A_361, %dma_start3A_362] : memref<10000x128xf32, #tpu.memory_space<hbm>> -> memref<10000x128xf32, #tpu.memory_space<hbm>>
        tpu.enqueue_indirect_dma source(%dma_start3A_363 : memref<10000x128xf32, #tpu.memory_space<hbm>>) target(%arg8 : memref<125x128xf32, #tpu.memory_space<vmem>>) offsets(%dma_start3A_360 : memref<125xi32, #tpu.memory_space<vmem>>) semaphore(%arg11 : memref<!tpu.dma_semaphore, #tpu.memory_space<semaphore_mem>>)
      } else {
      }
      %add3A_348 = arith.constant 1 : i32
      %add3A_349 = arith.addi %mul3A_303, %add3A_348 : i32
      %dma_wait3A_350 = arith.constant 0 : i32
      %dma_wait3A_351 = tpu.memref_slice %arg7[%add3A_349, %dma_wait3A_350] : memref<40x125xi32, #tpu.memory_space<vmem>> -> memref<1x125xi32, #tpu.memory_space<vmem>>
      %dma_wait3A_352 = tpu.memref_squeeze %dma_wait3A_351 : memref<1x125xi32, #tpu.memory_space<vmem>> -> memref<125xi32, #tpu.memory_space<vmem>>
      %dma_wait3A_353 = arith.constant 0 : i32
      %dma_wait3A_354 = arith.constant 0 : i32
      %dma_wait3A_355 = tpu.memref_slice %arg10[%dma_wait3A_353, %dma_wait3A_354] : memref<10240x128xf32, #tpu.memory_space<vmem_shared>> -> memref<10240x128xf32, #tpu.memory_space<vmem_shared>>
      tpu.wait_indirect_dma semaphore(%arg14 : memref<!tpu.dma_semaphore, #tpu.memory_space<semaphore_mem>>) src(%arg9 : memref<125x128xf32, #tpu.memory_space<vmem>>) dst(%dma_wait3A_355 : memref<10240x128xf32, #tpu.memory_space<vmem_shared>>)
    }
    %scan3A_262 = arith.constant 20 : i32
    %add3A_263 = arith.constant 40 : i32
    %add3A_264 = arith.addi %mul3A_2, %add3A_263 : i32
    %add3A_265 = arith.constant 40 : i32
    %add3A_266 = arith.addi %mul3A_2, %add3A_265 : i32
    %dma_start3A_267 = arith.constant 0 : i32
    %dma_start3A_268 = tpu.memref_slice %arg3[%add3A_264, %dma_start3A_267] : memref<2560x125xi32, #tpu.memory_space<hbm>> -> memref<40x125xi32, #tpu.memory_space<hbm>>
    %dma_start3A_269 = arith.constant 0 : i32
    %dma_start3A_270 = tpu.memref_slice %arg3[%add3A_264, %dma_start3A_269] : memref<2560x125xi32, #tpu.memory_space<hbm>> -> memref<40x125xi32, #tpu.memory_space<hbm>>
    tpu.enqueue_dma source(%dma_start3A_270 : memref<40x125xi32, #tpu.memory_space<hbm>>) target(%arg6 : memref<40x125xi32, #tpu.memory_space<vmem>>) target_semaphore(%arg11 : memref<!tpu.dma_semaphore, #tpu.memory_space<semaphore_mem>>)
    %dma_start3A_271 = arith.constant 0 : i32
    %dma_start3A_272 = tpu.memref_slice %arg4[%add3A_266, %dma_start3A_271] : memref<2560x125xi32, #tpu.memory_space<hbm>> -> memref<40x125xi32, #tpu.memory_space<hbm>>
    %dma_start3A_273 = arith.constant 0 : i32
    %dma_start3A_274 = tpu.memref_slice %arg4[%add3A_266, %dma_start3A_273] : memref<2560x125xi32, #tpu.memory_space<hbm>> -> memref<40x125xi32, #tpu.memory_space<hbm>>
    tpu.enqueue_dma source(%dma_start3A_274 : memref<40x125xi32, #tpu.memory_space<hbm>>) target(%arg7 : memref<40x125xi32, #tpu.memory_space<vmem>>) target_semaphore(%arg12 : memref<!tpu.dma_semaphore, #tpu.memory_space<semaphore_mem>>)
    %dma_wait3A_275 = arith.constant 0 : i32
    %dma_wait3A_276 = tpu.memref_slice %arg3[%add3A_264, %dma_wait3A_275] : memref<2560x125xi32, #tpu.memory_space<hbm>> -> memref<40x125xi32, #tpu.memory_space<hbm>>
    %dma_wait3A_277 = arith.constant 0 : i32
    %dma_wait3A_278 = tpu.memref_slice %arg3[%add3A_264, %dma_wait3A_277] : memref<2560x125xi32, #tpu.memory_space<hbm>> -> memref<40x125xi32, #tpu.memory_space<hbm>>
    tpu.wait_dma2 semaphore(%arg11 : memref<!tpu.dma_semaphore, #tpu.memory_space<semaphore_mem>>) src(%dma_wait3A_278 : memref<40x125xi32, #tpu.memory_space<hbm>>) dst(%arg6 : memref<40x125xi32, #tpu.memory_space<vmem>>)
    %dma_start3A_279 = arith.constant 0 : i32
    %dma_start3A_280 = arith.constant 0 : i32
    %dma_start3A_281 = tpu.memref_slice %arg6[%dma_start3A_279, %dma_start3A_280] : memref<40x125xi32, #tpu.memory_space<vmem>> -> memref<1x125xi32, #tpu.memory_space<vmem>>
    %dma_start3A_282 = tpu.memref_squeeze %dma_start3A_281 : memref<1x125xi32, #tpu.memory_space<vmem>> -> memref<125xi32, #tpu.memory_space<vmem>>
    %dma_start3A_283 = arith.constant 0 : i32
    %dma_start3A_284 = arith.constant 0 : i32
    %dma_start3A_285 = tpu.memref_slice %arg2[%dma_start3A_283, %dma_start3A_284] : memref<10000x128xf32, #tpu.memory_space<hbm>> -> memref<10000x128xf32, #tpu.memory_space<hbm>>
    tpu.enqueue_indirect_dma source(%dma_start3A_285 : memref<10000x128xf32, #tpu.memory_space<hbm>>) target(%arg8 : memref<125x128xf32, #tpu.memory_space<vmem>>) offsets(%dma_start3A_282 : memref<125xi32, #tpu.memory_space<vmem>>) semaphore(%arg11 : memref<!tpu.dma_semaphore, #tpu.memory_space<semaphore_mem>>)
    %dma_wait3A_286 = arith.constant 0 : i32
    %dma_wait3A_287 = tpu.memref_slice %arg4[%add3A_266, %dma_wait3A_286] : memref<2560x125xi32, #tpu.memory_space<hbm>> -> memref<40x125xi32, #tpu.memory_space<hbm>>
    %dma_wait3A_288 = arith.constant 0 : i32
    %dma_wait3A_289 = tpu.memref_slice %arg4[%add3A_266, %dma_wait3A_288] : memref<2560x125xi32, #tpu.memory_space<hbm>> -> memref<40x125xi32, #tpu.memory_space<hbm>>
    tpu.wait_dma2 semaphore(%arg12 : memref<!tpu.dma_semaphore, #tpu.memory_space<semaphore_mem>>) src(%dma_wait3A_289 : memref<40x125xi32, #tpu.memory_space<hbm>>) dst(%arg7 : memref<40x125xi32, #tpu.memory_space<vmem>>)
    %scan3A_290 = arith.constant 0 : i32
    %scan3A_291 = arith.constant 0 : i32
    %scan3A_292 = arith.constant 20 : i32
    %scan3A_293 = arith.addi %scan3A_291, %scan3A_292 : i32
    %scan3A_294 = arith.constant 1 : i32
    scf.for %scan3A_301 = %scan3A_291 to %scan3A_293 step %scan3A_294  : i32 {
      %mul3A_302 = arith.constant 2 : i32
      %mul3A_303 = arith.muli %mul3A_302, %scan3A_301 : i32
      %dma_wait3A_304 = arith.constant 0 : i32
      %dma_wait3A_305 = tpu.memref_slice %arg6[%mul3A_303, %dma_wait3A_304] : memref<40x125xi32, #tpu.memory_space<vmem>> -> memref<1x125xi32, #tpu.memory_space<vmem>>
      %dma_wait3A_306 = tpu.memref_squeeze %dma_wait3A_305 : memref<1x125xi32, #tpu.memory_space<vmem>> -> memref<125xi32, #tpu.memory_space<vmem>>
      %dma_wait3A_307 = arith.constant 0 : i32
      %dma_wait3A_308 = arith.constant 0 : i32
      %dma_wait3A_309 = tpu.memref_slice %arg2[%dma_wait3A_307, %dma_wait3A_308] : memref<10000x128xf32, #tpu.memory_space<hbm>> -> memref<10000x128xf32, #tpu.memory_space<hbm>>
      tpu.wait_indirect_dma semaphore(%arg11 : memref<!tpu.dma_semaphore, #tpu.memory_space<semaphore_mem>>) src(%dma_wait3A_309 : memref<10000x128xf32, #tpu.memory_space<hbm>>) dst(%arg8 : memref<125x128xf32, #tpu.memory_space<vmem>>)
      %add3A_310 = arith.constant 1 : i32
      %add3A_311 = arith.addi %mul3A_303, %add3A_310 : i32
      %dma_start3A_312 = arith.constant 0 : i32
      %dma_start3A_313 = tpu.memref_slice %arg6[%add3A_311, %dma_start3A_312] : memref<40x125xi32, #tpu.memory_space<vmem>> -> memref<1x125xi32, #tpu.memory_space<vmem>>
      %dma_start3A_314 = tpu.memref_squeeze %dma_start3A_313 : memref<1x125xi32, #tpu.memory_space<vmem>> -> memref<125xi32, #tpu.memory_space<vmem>>
      %dma_start3A_315 = arith.constant 0 : i32
      %dma_start3A_316 = arith.constant 0 : i32
      %dma_start3A_317 = tpu.memref_slice %arg2[%dma_start3A_315, %dma_start3A_316] : memref<10000x128xf32, #tpu.memory_space<hbm>> -> memref<10000x128xf32, #tpu.memory_space<hbm>>
      tpu.enqueue_indirect_dma source(%dma_start3A_317 : memref<10000x128xf32, #tpu.memory_space<hbm>>) target(%arg9 : memref<125x128xf32, #tpu.memory_space<vmem>>) offsets(%dma_start3A_314 : memref<125xi32, #tpu.memory_space<vmem>>) semaphore(%arg12 : memref<!tpu.dma_semaphore, #tpu.memory_space<semaphore_mem>>)
      %dma_start3A_318 = arith.constant 0 : i32
      %dma_start3A_319 = tpu.memref_slice %arg7[%mul3A_303, %dma_start3A_318] : memref<40x125xi32, #tpu.memory_space<vmem>> -> memref<1x125xi32, #tpu.memory_space<vmem>>
      %dma_start3A_320 = tpu.memref_squeeze %dma_start3A_319 : memref<1x125xi32, #tpu.memory_space<vmem>> -> memref<125xi32, #tpu.memory_space<vmem>>
      %dma_start3A_321 = arith.constant 0 : i32
      %dma_start3A_322 = arith.constant 0 : i32
      %dma_start3A_323 = tpu.memref_slice %arg10[%dma_start3A_321, %dma_start3A_322] : memref<10240x128xf32, #tpu.memory_space<vmem_shared>> -> memref<10240x128xf32, #tpu.memory_space<vmem_shared>>
      tpu.enqueue_indirect_dma source(%arg8 : memref<125x128xf32, #tpu.memory_space<vmem>>) target(%dma_start3A_323 : memref<10240x128xf32, #tpu.memory_space<vmem_shared>>) offsets(%dma_start3A_320 : memref<125xi32, #tpu.memory_space<vmem>>) semaphore(%arg13 : memref<!tpu.dma_semaphore, #tpu.memory_space<semaphore_mem>>) {add = true}
      %add3A_324 = arith.constant 1 : i32
      %add3A_325 = arith.addi %mul3A_303, %add3A_324 : i32
      %dma_wait3A_326 = arith.constant 0 : i32
      %dma_wait3A_327 = tpu.memref_slice %arg6[%add3A_325, %dma_wait3A_326] : memref<40x125xi32, #tpu.memory_space<vmem>> -> memref<1x125xi32, #tpu.memory_space<vmem>>
      %dma_wait3A_328 = tpu.memref_squeeze %dma_wait3A_327 : memref<1x125xi32, #tpu.memory_space<vmem>> -> memref<125xi32, #tpu.memory_space<vmem>>
      %dma_wait3A_329 = arith.constant 0 : i32
      %dma_wait3A_330 = arith.constant 0 : i32
      %dma_wait3A_331 = tpu.memref_slice %arg2[%dma_wait3A_329, %dma_wait3A_330] : memref<10000x128xf32, #tpu.memory_space<hbm>> -> memref<10000x128xf32, #tpu.memory_space<hbm>>
      tpu.wait_indirect_dma semaphore(%arg12 : memref<!tpu.dma_semaphore, #tpu.memory_space<semaphore_mem>>) src(%dma_wait3A_331 : memref<10000x128xf32, #tpu.memory_space<hbm>>) dst(%arg9 : memref<125x128xf32, #tpu.memory_space<vmem>>)
      %add3A_332 = arith.constant 1 : i32
      %add3A_333 = arith.addi %mul3A_303, %add3A_332 : i32
      %dma_start3A_334 = arith.constant 0 : i32
      %dma_start3A_335 = tpu.memref_slice %arg7[%add3A_333, %dma_start3A_334] : memref<40x125xi32, #tpu.memory_space<vmem>> -> memref<1x125xi32, #tpu.memory_space<vmem>>
      %dma_start3A_336 = tpu.memref_squeeze %dma_start3A_335 : memref<1x125xi32, #tpu.memory_space<vmem>> -> memref<125xi32, #tpu.memory_space<vmem>>
      %dma_start3A_337 = arith.constant 0 : i32
      %dma_start3A_338 = arith.constant 0 : i32
      %dma_start3A_339 = tpu.memref_slice %arg10[%dma_start3A_337, %dma_start3A_338] : memref<10240x128xf32, #tpu.memory_space<vmem_shared>> -> memref<10240x128xf32, #tpu.memory_space<vmem_shared>>
      tpu.enqueue_indirect_dma source(%arg9 : memref<125x128xf32, #tpu.memory_space<vmem>>) target(%dma_start3A_339 : memref<10240x128xf32, #tpu.memory_space<vmem_shared>>) offsets(%dma_start3A_336 : memref<125xi32, #tpu.memory_space<vmem>>) semaphore(%arg14 : memref<!tpu.dma_semaphore, #tpu.memory_space<semaphore_mem>>) {add = true}
      %dma_wait3A_340 = arith.constant 0 : i32
      %dma_wait3A_341 = tpu.memref_slice %arg7[%mul3A_303, %dma_wait3A_340] : memref<40x125xi32, #tpu.memory_space<vmem>> -> memref<1x125xi32, #tpu.memory_space<vmem>>
      %dma_wait3A_342 = tpu.memref_squeeze %dma_wait3A_341 : memref<1x125xi32, #tpu.memory_space<vmem>> -> memref<125xi32, #tpu.memory_space<vmem>>
      %dma_wait3A_343 = arith.constant 0 : i32
      %dma_wait3A_344 = arith.constant 0 : i32
      %dma_wait3A_345 = tpu.memref_slice %arg10[%dma_wait3A_343, %dma_wait3A_344] : memref<10240x128xf32, #tpu.memory_space<vmem_shared>> -> memref<10240x128xf32, #tpu.memory_space<vmem_shared>>
      tpu.wait_indirect_dma semaphore(%arg13 : memref<!tpu.dma_semaphore, #tpu.memory_space<semaphore_mem>>) src(%arg8 : memref<125x128xf32, #tpu.memory_space<vmem>>) dst(%dma_wait3A_345 : memref<10240x128xf32, #tpu.memory_space<vmem_shared>>)
      %lt3A = arith.constant 19 : i32
      %lt3A_346 = arith.cmpi slt, %scan3A_301, %lt3A : i32
      %convert_element_type3A = arith.extui %lt3A_346 : i1 to i32
      %cond3A = arith.constant 0 : i32
      %cond3A_347 = arith.cmpi ne, %convert_element_type3A, %cond3A : i32
      scf.if %cond3A_347 {
        %add3A_356 = arith.constant 2 : i32
        %add3A_357 = arith.addi %mul3A_303, %add3A_356 : i32
        %dma_start3A_358 = arith.constant 0 : i32
        %dma_start3A_359 = tpu.memref_slice %arg6[%add3A_357, %dma_start3A_358] : memref<40x125xi32, #tpu.memory_space<vmem>> -> memref<1x125xi32, #tpu.memory_space<vmem>>
        %dma_start3A_360 = tpu.memref_squeeze %dma_start3A_359 : memref<1x125xi32, #tpu.memory_space<vmem>> -> memref<125xi32, #tpu.memory_space<vmem>>
        %dma_start3A_361 = arith.constant 0 : i32
        %dma_start3A_362 = arith.constant 0 : i32
        %dma_start3A_363 = tpu.memref_slice %arg2[%dma_start3A_361, %dma_start3A_362] : memref<10000x128xf32, #tpu.memory_space<hbm>> -> memref<10000x128xf32, #tpu.memory_space<hbm>>
        tpu.enqueue_indirect_dma source(%dma_start3A_363 : memref<10000x128xf32, #tpu.memory_space<hbm>>) target(%arg8 : memref<125x128xf32, #tpu.memory_space<vmem>>) offsets(%dma_start3A_360 : memref<125xi32, #tpu.memory_space<vmem>>) semaphore(%arg11 : memref<!tpu.dma_semaphore, #tpu.memory_space<semaphore_mem>>)
      } else {
      }
      %add3A_348 = arith.constant 1 : i32
      %add3A_349 = arith.addi %mul3A_303, %add3A_348 : i32
      %dma_wait3A_350 = arith.constant 0 : i32
      %dma_wait3A_351 = tpu.memref_slice %arg7[%add3A_349, %dma_wait3A_350] : memref<40x125xi32, #tpu.memory_space<vmem>> -> memref<1x125xi32, #tpu.memory_space<vmem>>
      %dma_wait3A_352 = tpu.memref_squeeze %dma_wait3A_351 : memref<1x125xi32, #tpu.memory_space<vmem>> -> memref<125xi32, #tpu.memory_space<vmem>>
      %dma_wait3A_353 = arith.constant 0 : i32
      %dma_wait3A_354 = arith.constant 0 : i32
      %dma_wait3A_355 = tpu.memref_slice %arg10[%dma_wait3A_353, %dma_wait3A_354] : memref<10240x128xf32, #tpu.memory_space<vmem_shared>> -> memref<10240x128xf32, #tpu.memory_space<vmem_shared>>
      tpu.wait_indirect_dma semaphore(%arg14 : memref<!tpu.dma_semaphore, #tpu.memory_space<semaphore_mem>>) src(%arg9 : memref<125x128xf32, #tpu.memory_space<vmem>>) dst(%dma_wait3A_355 : memref<10240x128xf32, #tpu.memory_space<vmem_shared>>)
    }
    %scan3A_295 = arith.constant 20 : i32
    %barrier3A_296 = arith.constant 0 : index
    tpu.barrier barrier_id(%barrier3A_296)
    %mul3A_297 = arith.constant 640 : i32
    %mul3A_298 = arith.muli %arg1, %mul3A_297 : i32
    %mul3A_299 = arith.constant 640 : i32
    %mul3A_300 = arith.muli %arg1, %mul3A_299 : i32
    "tpu.region"() ({
      %run_scoped3A = tpu.sem_alloc : memref<!tpu.dma_semaphore, #tpu.memory_space<semaphore_mem>>
      %dma_start3A_301 = arith.constant 0 : i32
      %dma_start3A_302 = tpu.memref_slice %arg5[%arg0, %mul3A_300, %dma_start3A_301] : memref<2x10240x128xf32, #tpu.memory_space<hbm>> -> memref<1x640x128xf32, #tpu.memory_space<hbm>>
      %dma_start3A_303 = tpu.memref_squeeze %dma_start3A_302 : memref<1x640x128xf32, #tpu.memory_space<hbm>> -> memref<640x128xf32, #tpu.memory_space<hbm>>
      %dma_start3A_304 = arith.constant 0 : i32
      %dma_start3A_305 = tpu.memref_slice %arg10[%mul3A_298, %dma_start3A_304] : memref<10240x128xf32, #tpu.memory_space<vmem_shared>> -> memref<640x128xf32, #tpu.memory_space<vmem_shared>>
      tpu.enqueue_dma source(%dma_start3A_305 : memref<640x128xf32, #tpu.memory_space<vmem_shared>>) target(%dma_start3A_303 : memref<640x128xf32, #tpu.memory_space<hbm>>) target_semaphore(%run_scoped3A : memref<!tpu.dma_semaphore, #tpu.memory_space<semaphore_mem>>)
      %dma_wait3A_306 = arith.constant 0 : i32
      %dma_wait3A_307 = tpu.memref_slice %arg5[%arg0, %mul3A_300, %dma_wait3A_306] : memref<2x10240x128xf32, #tpu.memory_space<hbm>> -> memref<1x640x128xf32, #tpu.memory_space<hbm>>
      %dma_wait3A_308 = tpu.memref_squeeze %dma_wait3A_307 : memref<1x640x128xf32, #tpu.memory_space<hbm>> -> memref<640x128xf32, #tpu.memory_space<hbm>>
      %dma_wait3A_309 = arith.constant 0 : i32
      %dma_wait3A_310 = tpu.memref_slice %arg10[%mul3A_298, %dma_wait3A_309] : memref<10240x128xf32, #tpu.memory_space<vmem_shared>> -> memref<640x128xf32, #tpu.memory_space<vmem_shared>>
      tpu.wait_dma2 semaphore(%run_scoped3A : memref<!tpu.dma_semaphore, #tpu.memory_space<semaphore_mem>>) src(%dma_wait3A_310 : memref<640x128xf32, #tpu.memory_space<vmem_shared>>) dst(%dma_wait3A_308 : memref<640x128xf32, #tpu.memory_space<hbm>>)
      tpu.yield
    }) : () -> ()
    return
  }
}

#map = affine_map<(d0, d1) -> (0, 0)>
#map1 = affine_map<(d0, d1) -> (0, 0, 0)>
module attributes {stable_mosaic.version = 14 : i64} {
  func.func @seg(%arg0: i32, %arg1: i32, %arg2: memref<10000x128xf32, #tpu.memory_space<hbm>>, %arg3: memref<2560x125xi32, #tpu.memory_space<hbm>>, %arg4: memref<2560x125xi32, #tpu.memory_space<hbm>>, %arg5: memref<2x10240x128xf32, #tpu.memory_space<hbm>>, %arg6: memref<40x125xi32, #tpu.memory_space<vmem>>, %arg7: memref<40x125xi32, #tpu.memory_space<vmem>>, %arg8: memref<125x128xf32, #tpu.memory_space<vmem>>, %arg9: memref<125x128xf32, #tpu.memory_space<vmem>>, %arg10: memref<10240x128xf32, #tpu.memory_space<vmem_shared>>, %arg11: memref<!tpu.dma_semaphore, #tpu.memory_space<semaphore_mem>>, %arg12: memref<!tpu.dma_semaphore, #tpu.memory_space<semaphore_mem>>, %arg13: memref<!tpu.dma_semaphore, #tpu.memory_space<semaphore_mem>>, %arg14: memref<!tpu.dma_semaphore, #tpu.memory_space<semaphore_mem>>) attributes {dimension_semantics = [#tpu.dimension_semantics<core_parallel>, #tpu.dimension_semantics<subcore_parallel>], iteration_bounds = array<i64: 2, 16>, scalar_prefetch = 0 : i64, scratch_operands = 9 : i64, tpu.core_type = #tpu.core_type<sc_vector_subcore>, window_params = [{transform_indices = #map}, {transform_indices = #map}, {transform_indices = #map}, {transform_indices = #map1}]} {
    %mul3A = arith.constant 16 : i32
    %mul3A_0 = arith.muli %arg0, %mul3A : i32
    %add3A = arith.addi %mul3A_0, %arg1 : i32
    %mul3A_1 = arith.constant 80 : i32
    %mul3A_2 = arith.muli %add3A, %mul3A_1 : i32
    %scan3A = arith.constant 0 : i32
    %scan3A_3 = arith.constant 0 : i32
    %scan3A_4 = arith.constant 80 : i32
    %scan3A_5 = arith.addi %scan3A_3, %scan3A_4 : i32
    %scan3A_6 = arith.constant 1 : i32
    scf.for %scan3A_301 = %scan3A_3 to %scan3A_5 step %scan3A_6  : i32 {
      %broadcast_in_dim3A = arith.constant 0.000000e+00 : f32
      %broadcast_in_dim3A_302 = vector.broadcast %broadcast_in_dim3A : f32 to vector<16xf32>
      %swap3A = arith.index_cast %scan3A_301 : i32 to index
      %swap3A_303 = arith.constant 0 : index
      %swap3A_304 = tpu.vector_load %arg9[%swap3A, %swap3A_303] {strides = array<i32>} : memref<125x128xf32, #tpu.memory_space<vmem>>, vector<1x16xf32>,
      %swap3A_305 = vector.shape_cast %swap3A_304 : vector<1x16xf32> to vector<16xf32>
      %swap3A_306 = vector.shape_cast %broadcast_in_dim3A_302 : vector<16xf32> to vector<1x16xf32>
      tpu.vector_store %arg9[%swap3A, %swap3A_303], %swap3A_306 {strides = array<i32>} : memref<125x128xf32, #tpu.memory_space<vmem>>, vector<1x16xf32>,
      %broadcast_in_dim3A_307 = arith.constant 0.000000e+00 : f32
      %broadcast_in_dim3A_308 = vector.broadcast %broadcast_in_dim3A_307 : f32 to vector<16xf32>
      %swap3A_309 = arith.index_cast %scan3A_301 : i32 to index
      %swap3A_310 = arith.constant 16 : index
      %swap3A_311 = tpu.vector_load %arg9[%swap3A_309, %swap3A_310] {strides = array<i32>} : memref<125x128xf32, #tpu.memory_space<vmem>>, vector<1x16xf32>,
      %swap3A_312 = vector.shape_cast %swap3A_311 : vector<1x16xf32> to vector<16xf32>
      %swap3A_313 = vector.shape_cast %broadcast_in_dim3A_308 : vector<16xf32> to vector<1x16xf32>
      tpu.vector_store %arg9[%swap3A_309, %swap3A_310], %swap3A_313 {strides = array<i32>} : memref<125x128xf32, #tpu.memory_space<vmem>>, vector<1x16xf32>,
      %broadcast_in_dim3A_314 = arith.constant 0.000000e+00 : f32
      %broadcast_in_dim3A_315 = vector.broadcast %broadcast_in_dim3A_314 : f32 to vector<16xf32>
      %swap3A_316 = arith.index_cast %scan3A_301 : i32 to index
      %swap3A_317 = arith.constant 32 : index
      %swap3A_318 = tpu.vector_load %arg9[%swap3A_316, %swap3A_317] {strides = array<i32>} : memref<125x128xf32, #tpu.memory_space<vmem>>, vector<1x16xf32>,
      %swap3A_319 = vector.shape_cast %swap3A_318 : vector<1x16xf32> to vector<16xf32>
      %swap3A_320 = vector.shape_cast %broadcast_in_dim3A_315 : vector<16xf32> to vector<1x16xf32>
      tpu.vector_store %arg9[%swap3A_316, %swap3A_317], %swap3A_320 {strides = array<i32>} : memref<125x128xf32, #tpu.memory_space<vmem>>, vector<1x16xf32>,
      %broadcast_in_dim3A_321 = arith.constant 0.000000e+00 : f32
      %broadcast_in_dim3A_322 = vector.broadcast %broadcast_in_dim3A_321 : f32 to vector<16xf32>
      %swap3A_323 = arith.index_cast %scan3A_301 : i32 to index
      %swap3A_324 = arith.constant 48 : index
      %swap3A_325 = tpu.vector_load %arg9[%swap3A_323, %swap3A_324] {strides = array<i32>} : memref<125x128xf32, #tpu.memory_space<vmem>>, vector<1x16xf32>,
      %swap3A_326 = vector.shape_cast %swap3A_325 : vector<1x16xf32> to vector<16xf32>
      %swap3A_327 = vector.shape_cast %broadcast_in_dim3A_322 : vector<16xf32> to vector<1x16xf32>
      tpu.vector_store %arg9[%swap3A_323, %swap3A_324], %swap3A_327 {strides = array<i32>} : memref<125x128xf32, #tpu.memory_space<vmem>>, vector<1x16xf32>,
      %broadcast_in_dim3A_328 = arith.constant 0.000000e+00 : f32
      %broadcast_in_dim3A_329 = vector.broadcast %broadcast_in_dim3A_328 : f32 to vector<16xf32>
      %swap3A_330 = arith.index_cast %scan3A_301 : i32 to index
      %swap3A_331 = arith.constant 64 : index
      %swap3A_332 = tpu.vector_load %arg9[%swap3A_330, %swap3A_331] {strides = array<i32>} : memref<125x128xf32, #tpu.memory_space<vmem>>, vector<1x16xf32>,
      %swap3A_333 = vector.shape_cast %swap3A_332 : vector<1x16xf32> to vector<16xf32>
      %swap3A_334 = vector.shape_cast %broadcast_in_dim3A_329 : vector<16xf32> to vector<1x16xf32>
      tpu.vector_store %arg9[%swap3A_330, %swap3A_331], %swap3A_334 {strides = array<i32>} : memref<125x128xf32, #tpu.memory_space<vmem>>, vector<1x16xf32>,
      %broadcast_in_dim3A_335 = arith.constant 0.000000e+00 : f32
      %broadcast_in_dim3A_336 = vector.broadcast %broadcast_in_dim3A_335 : f32 to vector<16xf32>
      %swap3A_337 = arith.index_cast %scan3A_301 : i32 to index
      %swap3A_338 = arith.constant 80 : index
      %swap3A_339 = tpu.vector_load %arg9[%swap3A_337, %swap3A_338] {strides = array<i32>} : memref<125x128xf32, #tpu.memory_space<vmem>>, vector<1x16xf32>,
      %swap3A_340 = vector.shape_cast %swap3A_339 : vector<1x16xf32> to vector<16xf32>
      %swap3A_341 = vector.shape_cast %broadcast_in_dim3A_336 : vector<16xf32> to vector<1x16xf32>
      tpu.vector_store %arg9[%swap3A_337, %swap3A_338], %swap3A_341 {strides = array<i32>} : memref<125x128xf32, #tpu.memory_space<vmem>>, vector<1x16xf32>,
      %broadcast_in_dim3A_342 = arith.constant 0.000000e+00 : f32
      %broadcast_in_dim3A_343 = vector.broadcast %broadcast_in_dim3A_342 : f32 to vector<16xf32>
      %swap3A_344 = arith.index_cast %scan3A_301 : i32 to index
      %swap3A_345 = arith.constant 96 : index
      %swap3A_346 = tpu.vector_load %arg9[%swap3A_344, %swap3A_345] {strides = array<i32>} : memref<125x128xf32, #tpu.memory_space<vmem>>, vector<1x16xf32>,
      %swap3A_347 = vector.shape_cast %swap3A_346 : vector<1x16xf32> to vector<16xf32>
      %swap3A_348 = vector.shape_cast %broadcast_in_dim3A_343 : vector<16xf32> to vector<1x16xf32>
      tpu.vector_store %arg9[%swap3A_344, %swap3A_345], %swap3A_348 {strides = array<i32>} : memref<125x128xf32, #tpu.memory_space<vmem>>, vector<1x16xf32>,
      %broadcast_in_dim3A_349 = arith.constant 0.000000e+00 : f32
      %broadcast_in_dim3A_350 = vector.broadcast %broadcast_in_dim3A_349 : f32 to vector<16xf32>
      %swap3A_351 = arith.index_cast %scan3A_301 : i32 to index
      %swap3A_352 = arith.constant 112 : index
      %swap3A_353 = tpu.vector_load %arg9[%swap3A_351, %swap3A_352] {strides = array<i32>} : memref<125x128xf32, #tpu.memory_space<vmem>>, vector<1x16xf32>,
      %swap3A_354 = vector.shape_cast %swap3A_353 : vector<1x16xf32> to vector<16xf32>
      %swap3A_355 = vector.shape_cast %broadcast_in_dim3A_350 : vector<16xf32> to vector<1x16xf32>
      tpu.vector_store %arg9[%swap3A_351, %swap3A_352], %swap3A_355 {strides = array<i32>} : memref<125x128xf32, #tpu.memory_space<vmem>>, vector<1x16xf32>,
    }
    %scan3A_7 = arith.constant 80 : i32
    %mul3A_8 = arith.constant 640 : i32
    %mul3A_9 = arith.muli %arg1, %mul3A_8 : i32
    %add3A_10 = arith.constant 0 : i32
    %add3A_11 = arith.addi %mul3A_9, %add3A_10 : i32
    %dma_start3A = arith.constant 0 : i32
    %dma_start3A_12 = arith.constant 0 : i32
    %dma_start3A_13 = tpu.memref_slice %arg9[%dma_start3A, %dma_start3A_12] : memref<125x128xf32, #tpu.memory_space<vmem>> -> memref<80x128xf32, #tpu.memory_space<vmem>>
    %dma_start3A_14 = arith.constant 0 : i32
    %dma_start3A_15 = tpu.memref_slice %arg10[%add3A_11, %dma_start3A_14] : memref<10240x128xf32, #tpu.memory_space<vmem_shared>> -> memref<80x128xf32, #tpu.memory_space<vmem_shared>>
    %dma_start3A_16 = arith.constant 0 : i32
    %dma_start3A_17 = tpu.memref_slice %arg10[%add3A_11, %dma_start3A_16] : memref<10240x128xf32, #tpu.memory_space<vmem_shared>> -> memref<80x128xf32, #tpu.memory_space<vmem_shared>>
    %dma_start3A_18 = arith.constant 0 : i32
    %dma_start3A_19 = arith.constant 0 : i32
    %dma_start3A_20 = tpu.memref_slice %arg9[%dma_start3A_18, %dma_start3A_19] : memref<125x128xf32, #tpu.memory_space<vmem>> -> memref<80x128xf32, #tpu.memory_space<vmem>>
    tpu.enqueue_dma source(%dma_start3A_20 : memref<80x128xf32, #tpu.memory_space<vmem>>) target(%dma_start3A_17 : memref<80x128xf32, #tpu.memory_space<vmem_shared>>) target_semaphore(%arg14 : memref<!tpu.dma_semaphore, #tpu.memory_space<semaphore_mem>>)
    %mul3A_21 = arith.constant 640 : i32
    %mul3A_22 = arith.muli %arg1, %mul3A_21 : i32
    %add3A_23 = arith.constant 80 : i32
    %add3A_24 = arith.addi %mul3A_22, %add3A_23 : i32
    %dma_start3A_25 = arith.constant 0 : i32
    %dma_start3A_26 = arith.constant 0 : i32
    %dma_start3A_27 = tpu.memref_slice %arg9[%dma_start3A_25, %dma_start3A_26] : memref<125x128xf32, #tpu.memory_space<vmem>> -> memref<80x128xf32, #tpu.memory_space<vmem>>
    %dma_start3A_28 = arith.constant 0 : i32
    %dma_start3A_29 = tpu.memref_slice %arg10[%add3A_24, %dma_start3A_28] : memref<10240x128xf32, #tpu.memory_space<vmem_shared>> -> memref<80x128xf32, #tpu.memory_space<vmem_shared>>
    %dma_start3A_30 = arith.constant 0 : i32
    %dma_start3A_31 = tpu.memref_slice %arg10[%add3A_24, %dma_start3A_30] : memref<10240x128xf32, #tpu.memory_space<vmem_shared>> -> memref<80x128xf32, #tpu.memory_space<vmem_shared>>
    %dma_start3A_32 = arith.constant 0 : i32
    %dma_start3A_33 = arith.constant 0 : i32
    %dma_start3A_34 = tpu.memref_slice %arg9[%dma_start3A_32, %dma_start3A_33] : memref<125x128xf32, #tpu.memory_space<vmem>> -> memref<80x128xf32, #tpu.memory_space<vmem>>
    tpu.enqueue_dma source(%dma_start3A_34 : memref<80x128xf32, #tpu.memory_space<vmem>>) target(%dma_start3A_31 : memref<80x128xf32, #tpu.memory_space<vmem_shared>>) target_semaphore(%arg14 : memref<!tpu.dma_semaphore, #tpu.memory_space<semaphore_mem>>)
    %mul3A_35 = arith.constant 640 : i32
    %mul3A_36 = arith.muli %arg1, %mul3A_35 : i32
    %add3A_37 = arith.constant 160 : i32
    %add3A_38 = arith.addi %mul3A_36, %add3A_37 : i32
    %dma_start3A_39 = arith.constant 0 : i32
    %dma_start3A_40 = arith.constant 0 : i32
    %dma_start3A_41 = tpu.memref_slice %arg9[%dma_start3A_39, %dma_start3A_40] : memref<125x128xf32, #tpu.memory_space<vmem>> -> memref<80x128xf32, #tpu.memory_space<vmem>>
    %dma_start3A_42 = arith.constant 0 : i32
    %dma_start3A_43 = tpu.memref_slice %arg10[%add3A_38, %dma_start3A_42] : memref<10240x128xf32, #tpu.memory_space<vmem_shared>> -> memref<80x128xf32, #tpu.memory_space<vmem_shared>>
    %dma_start3A_44 = arith.constant 0 : i32
    %dma_start3A_45 = tpu.memref_slice %arg10[%add3A_38, %dma_start3A_44] : memref<10240x128xf32, #tpu.memory_space<vmem_shared>> -> memref<80x128xf32, #tpu.memory_space<vmem_shared>>
    %dma_start3A_46 = arith.constant 0 : i32
    %dma_start3A_47 = arith.constant 0 : i32
    %dma_start3A_48 = tpu.memref_slice %arg9[%dma_start3A_46, %dma_start3A_47] : memref<125x128xf32, #tpu.memory_space<vmem>> -> memref<80x128xf32, #tpu.memory_space<vmem>>
    tpu.enqueue_dma source(%dma_start3A_48 : memref<80x128xf32, #tpu.memory_space<vmem>>) target(%dma_start3A_45 : memref<80x128xf32, #tpu.memory_space<vmem_shared>>) target_semaphore(%arg14 : memref<!tpu.dma_semaphore, #tpu.memory_space<semaphore_mem>>)
    %mul3A_49 = arith.constant 640 : i32
    %mul3A_50 = arith.muli %arg1, %mul3A_49 : i32
    %add3A_51 = arith.constant 240 : i32
    %add3A_52 = arith.addi %mul3A_50, %add3A_51 : i32
    %dma_start3A_53 = arith.constant 0 : i32
    %dma_start3A_54 = arith.constant 0 : i32
    %dma_start3A_55 = tpu.memref_slice %arg9[%dma_start3A_53, %dma_start3A_54] : memref<125x128xf32, #tpu.memory_space<vmem>> -> memref<80x128xf32, #tpu.memory_space<vmem>>
    %dma_start3A_56 = arith.constant 0 : i32
    %dma_start3A_57 = tpu.memref_slice %arg10[%add3A_52, %dma_start3A_56] : memref<10240x128xf32, #tpu.memory_space<vmem_shared>> -> memref<80x128xf32, #tpu.memory_space<vmem_shared>>
    %dma_start3A_58 = arith.constant 0 : i32
    %dma_start3A_59 = tpu.memref_slice %arg10[%add3A_52, %dma_start3A_58] : memref<10240x128xf32, #tpu.memory_space<vmem_shared>> -> memref<80x128xf32, #tpu.memory_space<vmem_shared>>
    %dma_start3A_60 = arith.constant 0 : i32
    %dma_start3A_61 = arith.constant 0 : i32
    %dma_start3A_62 = tpu.memref_slice %arg9[%dma_start3A_60, %dma_start3A_61] : memref<125x128xf32, #tpu.memory_space<vmem>> -> memref<80x128xf32, #tpu.memory_space<vmem>>
    tpu.enqueue_dma source(%dma_start3A_62 : memref<80x128xf32, #tpu.memory_space<vmem>>) target(%dma_start3A_59 : memref<80x128xf32, #tpu.memory_space<vmem_shared>>) target_semaphore(%arg14 : memref<!tpu.dma_semaphore, #tpu.memory_space<semaphore_mem>>)
    %mul3A_63 = arith.constant 640 : i32
    %mul3A_64 = arith.muli %arg1, %mul3A_63 : i32
    %add3A_65 = arith.constant 320 : i32
    %add3A_66 = arith.addi %mul3A_64, %add3A_65 : i32
    %dma_start3A_67 = arith.constant 0 : i32
    %dma_start3A_68 = arith.constant 0 : i32
    %dma_start3A_69 = tpu.memref_slice %arg9[%dma_start3A_67, %dma_start3A_68] : memref<125x128xf32, #tpu.memory_space<vmem>> -> memref<80x128xf32, #tpu.memory_space<vmem>>
    %dma_start3A_70 = arith.constant 0 : i32
    %dma_start3A_71 = tpu.memref_slice %arg10[%add3A_66, %dma_start3A_70] : memref<10240x128xf32, #tpu.memory_space<vmem_shared>> -> memref<80x128xf32, #tpu.memory_space<vmem_shared>>
    %dma_start3A_72 = arith.constant 0 : i32
    %dma_start3A_73 = tpu.memref_slice %arg10[%add3A_66, %dma_start3A_72] : memref<10240x128xf32, #tpu.memory_space<vmem_shared>> -> memref<80x128xf32, #tpu.memory_space<vmem_shared>>
    %dma_start3A_74 = arith.constant 0 : i32
    %dma_start3A_75 = arith.constant 0 : i32
    %dma_start3A_76 = tpu.memref_slice %arg9[%dma_start3A_74, %dma_start3A_75] : memref<125x128xf32, #tpu.memory_space<vmem>> -> memref<80x128xf32, #tpu.memory_space<vmem>>
    tpu.enqueue_dma source(%dma_start3A_76 : memref<80x128xf32, #tpu.memory_space<vmem>>) target(%dma_start3A_73 : memref<80x128xf32, #tpu.memory_space<vmem_shared>>) target_semaphore(%arg14 : memref<!tpu.dma_semaphore, #tpu.memory_space<semaphore_mem>>)
    %mul3A_77 = arith.constant 640 : i32
    %mul3A_78 = arith.muli %arg1, %mul3A_77 : i32
    %add3A_79 = arith.constant 400 : i32
    %add3A_80 = arith.addi %mul3A_78, %add3A_79 : i32
    %dma_start3A_81 = arith.constant 0 : i32
    %dma_start3A_82 = arith.constant 0 : i32
    %dma_start3A_83 = tpu.memref_slice %arg9[%dma_start3A_81, %dma_start3A_82] : memref<125x128xf32, #tpu.memory_space<vmem>> -> memref<80x128xf32, #tpu.memory_space<vmem>>
    %dma_start3A_84 = arith.constant 0 : i32
    %dma_start3A_85 = tpu.memref_slice %arg10[%add3A_80, %dma_start3A_84] : memref<10240x128xf32, #tpu.memory_space<vmem_shared>> -> memref<80x128xf32, #tpu.memory_space<vmem_shared>>
    %dma_start3A_86 = arith.constant 0 : i32
    %dma_start3A_87 = tpu.memref_slice %arg10[%add3A_80, %dma_start3A_86] : memref<10240x128xf32, #tpu.memory_space<vmem_shared>> -> memref<80x128xf32, #tpu.memory_space<vmem_shared>>
    %dma_start3A_88 = arith.constant 0 : i32
    %dma_start3A_89 = arith.constant 0 : i32
    %dma_start3A_90 = tpu.memref_slice %arg9[%dma_start3A_88, %dma_start3A_89] : memref<125x128xf32, #tpu.memory_space<vmem>> -> memref<80x128xf32, #tpu.memory_space<vmem>>
    tpu.enqueue_dma source(%dma_start3A_90 : memref<80x128xf32, #tpu.memory_space<vmem>>) target(%dma_start3A_87 : memref<80x128xf32, #tpu.memory_space<vmem_shared>>) target_semaphore(%arg14 : memref<!tpu.dma_semaphore, #tpu.memory_space<semaphore_mem>>)
    %mul3A_91 = arith.constant 640 : i32
    %mul3A_92 = arith.muli %arg1, %mul3A_91 : i32
    %add3A_93 = arith.constant 480 : i32
    %add3A_94 = arith.addi %mul3A_92, %add3A_93 : i32
    %dma_start3A_95 = arith.constant 0 : i32
    %dma_start3A_96 = arith.constant 0 : i32
    %dma_start3A_97 = tpu.memref_slice %arg9[%dma_start3A_95, %dma_start3A_96] : memref<125x128xf32, #tpu.memory_space<vmem>> -> memref<80x128xf32, #tpu.memory_space<vmem>>
    %dma_start3A_98 = arith.constant 0 : i32
    %dma_start3A_99 = tpu.memref_slice %arg10[%add3A_94, %dma_start3A_98] : memref<10240x128xf32, #tpu.memory_space<vmem_shared>> -> memref<80x128xf32, #tpu.memory_space<vmem_shared>>
    %dma_start3A_100 = arith.constant 0 : i32
    %dma_start3A_101 = tpu.memref_slice %arg10[%add3A_94, %dma_start3A_100] : memref<10240x128xf32, #tpu.memory_space<vmem_shared>> -> memref<80x128xf32, #tpu.memory_space<vmem_shared>>
    %dma_start3A_102 = arith.constant 0 : i32
    %dma_start3A_103 = arith.constant 0 : i32
    %dma_start3A_104 = tpu.memref_slice %arg9[%dma_start3A_102, %dma_start3A_103] : memref<125x128xf32, #tpu.memory_space<vmem>> -> memref<80x128xf32, #tpu.memory_space<vmem>>
    tpu.enqueue_dma source(%dma_start3A_104 : memref<80x128xf32, #tpu.memory_space<vmem>>) target(%dma_start3A_101 : memref<80x128xf32, #tpu.memory_space<vmem_shared>>) target_semaphore(%arg14 : memref<!tpu.dma_semaphore, #tpu.memory_space<semaphore_mem>>)
    %mul3A_105 = arith.constant 640 : i32
    %mul3A_106 = arith.muli %arg1, %mul3A_105 : i32
    %add3A_107 = arith.constant 560 : i32
    %add3A_108 = arith.addi %mul3A_106, %add3A_107 : i32
    %dma_start3A_109 = arith.constant 0 : i32
    %dma_start3A_110 = arith.constant 0 : i32
    %dma_start3A_111 = tpu.memref_slice %arg9[%dma_start3A_109, %dma_start3A_110] : memref<125x128xf32, #tpu.memory_space<vmem>> -> memref<80x128xf32, #tpu.memory_space<vmem>>
    %dma_start3A_112 = arith.constant 0 : i32
    %dma_start3A_113 = tpu.memref_slice %arg10[%add3A_108, %dma_start3A_112] : memref<10240x128xf32, #tpu.memory_space<vmem_shared>> -> memref<80x128xf32, #tpu.memory_space<vmem_shared>>
    %dma_start3A_114 = arith.constant 0 : i32
    %dma_start3A_115 = tpu.memref_slice %arg10[%add3A_108, %dma_start3A_114] : memref<10240x128xf32, #tpu.memory_space<vmem_shared>> -> memref<80x128xf32, #tpu.memory_space<vmem_shared>>
    %dma_start3A_116 = arith.constant 0 : i32
    %dma_start3A_117 = arith.constant 0 : i32
    %dma_start3A_118 = tpu.memref_slice %arg9[%dma_start3A_116, %dma_start3A_117] : memref<125x128xf32, #tpu.memory_space<vmem>> -> memref<80x128xf32, #tpu.memory_space<vmem>>
    tpu.enqueue_dma source(%dma_start3A_118 : memref<80x128xf32, #tpu.memory_space<vmem>>) target(%dma_start3A_115 : memref<80x128xf32, #tpu.memory_space<vmem_shared>>) target_semaphore(%arg14 : memref<!tpu.dma_semaphore, #tpu.memory_space<semaphore_mem>>)
    %add3A_119 = arith.constant 0 : i32
    %add3A_120 = arith.addi %mul3A_2, %add3A_119 : i32
    %add3A_121 = arith.constant 0 : i32
    %add3A_122 = arith.addi %mul3A_2, %add3A_121 : i32
    %dma_start3A_123 = arith.constant 0 : i32
    %dma_start3A_124 = tpu.memref_slice %arg3[%add3A_120, %dma_start3A_123] : memref<2560x125xi32, #tpu.memory_space<hbm>> -> memref<40x125xi32, #tpu.memory_space<hbm>>
    %dma_start3A_125 = arith.constant 0 : i32
    %dma_start3A_126 = tpu.memref_slice %arg3[%add3A_120, %dma_start3A_125] : memref<2560x125xi32, #tpu.memory_space<hbm>> -> memref<40x125xi32, #tpu.memory_space<hbm>>
    tpu.enqueue_dma source(%dma_start3A_126 : memref<40x125xi32, #tpu.memory_space<hbm>>) target(%arg6 : memref<40x125xi32, #tpu.memory_space<vmem>>) target_semaphore(%arg11 : memref<!tpu.dma_semaphore, #tpu.memory_space<semaphore_mem>>)
    %dma_start3A_127 = arith.constant 0 : i32
    %dma_start3A_128 = tpu.memref_slice %arg4[%add3A_122, %dma_start3A_127] : memref<2560x125xi32, #tpu.memory_space<hbm>> -> memref<40x125xi32, #tpu.memory_space<hbm>>
    %dma_start3A_129 = arith.constant 0 : i32
    %dma_start3A_130 = tpu.memref_slice %arg4[%add3A_122, %dma_start3A_129] : memref<2560x125xi32, #tpu.memory_space<hbm>> -> memref<40x125xi32, #tpu.memory_space<hbm>>
    tpu.enqueue_dma source(%dma_start3A_130 : memref<40x125xi32, #tpu.memory_space<hbm>>) target(%arg7 : memref<40x125xi32, #tpu.memory_space<vmem>>) target_semaphore(%arg12 : memref<!tpu.dma_semaphore, #tpu.memory_space<semaphore_mem>>)
    %dma_wait3A = arith.constant 0 : i32
    %dma_wait3A_131 = tpu.memref_slice %arg3[%add3A_120, %dma_wait3A] : memref<2560x125xi32, #tpu.memory_space<hbm>> -> memref<40x125xi32, #tpu.memory_space<hbm>>
    %dma_wait3A_132 = arith.constant 0 : i32
    %dma_wait3A_133 = tpu.memref_slice %arg3[%add3A_120, %dma_wait3A_132] : memref<2560x125xi32, #tpu.memory_space<hbm>> -> memref<40x125xi32, #tpu.memory_space<hbm>>
    tpu.wait_dma2 semaphore(%arg11 : memref<!tpu.dma_semaphore, #tpu.memory_space<semaphore_mem>>) src(%dma_wait3A_133 : memref<40x125xi32, #tpu.memory_space<hbm>>) dst(%arg6 : memref<40x125xi32, #tpu.memory_space<vmem>>)
    %dma_start3A_134 = arith.constant 0 : i32
    %dma_start3A_135 = arith.constant 0 : i32
    %dma_start3A_136 = tpu.memref_slice %arg6[%dma_start3A_134, %dma_start3A_135] : memref<40x125xi32, #tpu.memory_space<vmem>> -> memref<1x125xi32, #tpu.memory_space<vmem>>
    %dma_start3A_137 = tpu.memref_squeeze %dma_start3A_136 : memref<1x125xi32, #tpu.memory_space<vmem>> -> memref<125xi32, #tpu.memory_space<vmem>>
    %dma_start3A_138 = arith.constant 0 : i32
    %dma_start3A_139 = arith.constant 0 : i32
    %dma_start3A_140 = tpu.memref_slice %arg2[%dma_start3A_138, %dma_start3A_139] : memref<10000x128xf32, #tpu.memory_space<hbm>> -> memref<10000x128xf32, #tpu.memory_space<hbm>>
    tpu.enqueue_indirect_dma source(%dma_start3A_140 : memref<10000x128xf32, #tpu.memory_space<hbm>>) target(%arg8 : memref<125x128xf32, #tpu.memory_space<vmem>>) offsets(%dma_start3A_137 : memref<125xi32, #tpu.memory_space<vmem>>) semaphore(%arg11 : memref<!tpu.dma_semaphore, #tpu.memory_space<semaphore_mem>>)
    %dma_wait3A_141 = arith.constant 0 : i32
    %dma_wait3A_142 = tpu.memref_slice %arg4[%add3A_122, %dma_wait3A_141] : memref<2560x125xi32, #tpu.memory_space<hbm>> -> memref<40x125xi32, #tpu.memory_space<hbm>>
    %dma_wait3A_143 = arith.constant 0 : i32
    %dma_wait3A_144 = tpu.memref_slice %arg4[%add3A_122, %dma_wait3A_143] : memref<2560x125xi32, #tpu.memory_space<hbm>> -> memref<40x125xi32, #tpu.memory_space<hbm>>
    tpu.wait_dma2 semaphore(%arg12 : memref<!tpu.dma_semaphore, #tpu.memory_space<semaphore_mem>>) src(%dma_wait3A_144 : memref<40x125xi32, #tpu.memory_space<hbm>>) dst(%arg7 : memref<40x125xi32, #tpu.memory_space<vmem>>)
    %mul3A_145 = arith.constant 640 : i32
    %mul3A_146 = arith.muli %arg1, %mul3A_145 : i32
    %add3A_147 = arith.constant 0 : i32
    %add3A_148 = arith.addi %mul3A_146, %add3A_147 : i32
    %dma_wait3A_149 = arith.constant 0 : i32
    %dma_wait3A_150 = arith.constant 0 : i32
    %dma_wait3A_151 = tpu.memref_slice %arg9[%dma_wait3A_149, %dma_wait3A_150] : memref<125x128xf32, #tpu.memory_space<vmem>> -> memref<80x128xf32, #tpu.memory_space<vmem>>
    %dma_wait3A_152 = arith.constant 0 : i32
    %dma_wait3A_153 = tpu.memref_slice %arg10[%add3A_148, %dma_wait3A_152] : memref<10240x128xf32, #tpu.memory_space<vmem_shared>> -> memref<80x128xf32, #tpu.memory_space<vmem_shared>>
    %dma_wait3A_154 = arith.constant 0 : i32
    %dma_wait3A_155 = tpu.memref_slice %arg10[%add3A_148, %dma_wait3A_154] : memref<10240x128xf32, #tpu.memory_space<vmem_shared>> -> memref<80x128xf32, #tpu.memory_space<vmem_shared>>
    %dma_wait3A_156 = arith.constant 0 : i32
    %dma_wait3A_157 = arith.constant 0 : i32
    %dma_wait3A_158 = tpu.memref_slice %arg9[%dma_wait3A_156, %dma_wait3A_157] : memref<125x128xf32, #tpu.memory_space<vmem>> -> memref<80x128xf32, #tpu.memory_space<vmem>>
    tpu.wait_dma2 semaphore(%arg14 : memref<!tpu.dma_semaphore, #tpu.memory_space<semaphore_mem>>) src(%dma_wait3A_158 : memref<80x128xf32, #tpu.memory_space<vmem>>) dst(%dma_wait3A_155 : memref<80x128xf32, #tpu.memory_space<vmem_shared>>)
    %mul3A_159 = arith.constant 640 : i32
    %mul3A_160 = arith.muli %arg1, %mul3A_159 : i32
    %add3A_161 = arith.constant 80 : i32
    %add3A_162 = arith.addi %mul3A_160, %add3A_161 : i32
    %dma_wait3A_163 = arith.constant 0 : i32
    %dma_wait3A_164 = arith.constant 0 : i32
    %dma_wait3A_165 = tpu.memref_slice %arg9[%dma_wait3A_163, %dma_wait3A_164] : memref<125x128xf32, #tpu.memory_space<vmem>> -> memref<80x128xf32, #tpu.memory_space<vmem>>
    %dma_wait3A_166 = arith.constant 0 : i32
    %dma_wait3A_167 = tpu.memref_slice %arg10[%add3A_162, %dma_wait3A_166] : memref<10240x128xf32, #tpu.memory_space<vmem_shared>> -> memref<80x128xf32, #tpu.memory_space<vmem_shared>>
    %dma_wait3A_168 = arith.constant 0 : i32
    %dma_wait3A_169 = tpu.memref_slice %arg10[%add3A_162, %dma_wait3A_168] : memref<10240x128xf32, #tpu.memory_space<vmem_shared>> -> memref<80x128xf32, #tpu.memory_space<vmem_shared>>
    %dma_wait3A_170 = arith.constant 0 : i32
    %dma_wait3A_171 = arith.constant 0 : i32
    %dma_wait3A_172 = tpu.memref_slice %arg9[%dma_wait3A_170, %dma_wait3A_171] : memref<125x128xf32, #tpu.memory_space<vmem>> -> memref<80x128xf32, #tpu.memory_space<vmem>>
    tpu.wait_dma2 semaphore(%arg14 : memref<!tpu.dma_semaphore, #tpu.memory_space<semaphore_mem>>) src(%dma_wait3A_172 : memref<80x128xf32, #tpu.memory_space<vmem>>) dst(%dma_wait3A_169 : memref<80x128xf32, #tpu.memory_space<vmem_shared>>)
    %mul3A_173 = arith.constant 640 : i32
    %mul3A_174 = arith.muli %arg1, %mul3A_173 : i32
    %add3A_175 = arith.constant 160 : i32
    %add3A_176 = arith.addi %mul3A_174, %add3A_175 : i32
    %dma_wait3A_177 = arith.constant 0 : i32
    %dma_wait3A_178 = arith.constant 0 : i32
    %dma_wait3A_179 = tpu.memref_slice %arg9[%dma_wait3A_177, %dma_wait3A_178] : memref<125x128xf32, #tpu.memory_space<vmem>> -> memref<80x128xf32, #tpu.memory_space<vmem>>
    %dma_wait3A_180 = arith.constant 0 : i32
    %dma_wait3A_181 = tpu.memref_slice %arg10[%add3A_176, %dma_wait3A_180] : memref<10240x128xf32, #tpu.memory_space<vmem_shared>> -> memref<80x128xf32, #tpu.memory_space<vmem_shared>>
    %dma_wait3A_182 = arith.constant 0 : i32
    %dma_wait3A_183 = tpu.memref_slice %arg10[%add3A_176, %dma_wait3A_182] : memref<10240x128xf32, #tpu.memory_space<vmem_shared>> -> memref<80x128xf32, #tpu.memory_space<vmem_shared>>
    %dma_wait3A_184 = arith.constant 0 : i32
    %dma_wait3A_185 = arith.constant 0 : i32
    %dma_wait3A_186 = tpu.memref_slice %arg9[%dma_wait3A_184, %dma_wait3A_185] : memref<125x128xf32, #tpu.memory_space<vmem>> -> memref<80x128xf32, #tpu.memory_space<vmem>>
    tpu.wait_dma2 semaphore(%arg14 : memref<!tpu.dma_semaphore, #tpu.memory_space<semaphore_mem>>) src(%dma_wait3A_186 : memref<80x128xf32, #tpu.memory_space<vmem>>) dst(%dma_wait3A_183 : memref<80x128xf32, #tpu.memory_space<vmem_shared>>)
    %mul3A_187 = arith.constant 640 : i32
    %mul3A_188 = arith.muli %arg1, %mul3A_187 : i32
    %add3A_189 = arith.constant 240 : i32
    %add3A_190 = arith.addi %mul3A_188, %add3A_189 : i32
    %dma_wait3A_191 = arith.constant 0 : i32
    %dma_wait3A_192 = arith.constant 0 : i32
    %dma_wait3A_193 = tpu.memref_slice %arg9[%dma_wait3A_191, %dma_wait3A_192] : memref<125x128xf32, #tpu.memory_space<vmem>> -> memref<80x128xf32, #tpu.memory_space<vmem>>
    %dma_wait3A_194 = arith.constant 0 : i32
    %dma_wait3A_195 = tpu.memref_slice %arg10[%add3A_190, %dma_wait3A_194] : memref<10240x128xf32, #tpu.memory_space<vmem_shared>> -> memref<80x128xf32, #tpu.memory_space<vmem_shared>>
    %dma_wait3A_196 = arith.constant 0 : i32
    %dma_wait3A_197 = tpu.memref_slice %arg10[%add3A_190, %dma_wait3A_196] : memref<10240x128xf32, #tpu.memory_space<vmem_shared>> -> memref<80x128xf32, #tpu.memory_space<vmem_shared>>
    %dma_wait3A_198 = arith.constant 0 : i32
    %dma_wait3A_199 = arith.constant 0 : i32
    %dma_wait3A_200 = tpu.memref_slice %arg9[%dma_wait3A_198, %dma_wait3A_199] : memref<125x128xf32, #tpu.memory_space<vmem>> -> memref<80x128xf32, #tpu.memory_space<vmem>>
    tpu.wait_dma2 semaphore(%arg14 : memref<!tpu.dma_semaphore, #tpu.memory_space<semaphore_mem>>) src(%dma_wait3A_200 : memref<80x128xf32, #tpu.memory_space<vmem>>) dst(%dma_wait3A_197 : memref<80x128xf32, #tpu.memory_space<vmem_shared>>)
    %mul3A_201 = arith.constant 640 : i32
    %mul3A_202 = arith.muli %arg1, %mul3A_201 : i32
    %add3A_203 = arith.constant 320 : i32
    %add3A_204 = arith.addi %mul3A_202, %add3A_203 : i32
    %dma_wait3A_205 = arith.constant 0 : i32
    %dma_wait3A_206 = arith.constant 0 : i32
    %dma_wait3A_207 = tpu.memref_slice %arg9[%dma_wait3A_205, %dma_wait3A_206] : memref<125x128xf32, #tpu.memory_space<vmem>> -> memref<80x128xf32, #tpu.memory_space<vmem>>
    %dma_wait3A_208 = arith.constant 0 : i32
    %dma_wait3A_209 = tpu.memref_slice %arg10[%add3A_204, %dma_wait3A_208] : memref<10240x128xf32, #tpu.memory_space<vmem_shared>> -> memref<80x128xf32, #tpu.memory_space<vmem_shared>>
    %dma_wait3A_210 = arith.constant 0 : i32
    %dma_wait3A_211 = tpu.memref_slice %arg10[%add3A_204, %dma_wait3A_210] : memref<10240x128xf32, #tpu.memory_space<vmem_shared>> -> memref<80x128xf32, #tpu.memory_space<vmem_shared>>
    %dma_wait3A_212 = arith.constant 0 : i32
    %dma_wait3A_213 = arith.constant 0 : i32
    %dma_wait3A_214 = tpu.memref_slice %arg9[%dma_wait3A_212, %dma_wait3A_213] : memref<125x128xf32, #tpu.memory_space<vmem>> -> memref<80x128xf32, #tpu.memory_space<vmem>>
    tpu.wait_dma2 semaphore(%arg14 : memref<!tpu.dma_semaphore, #tpu.memory_space<semaphore_mem>>) src(%dma_wait3A_214 : memref<80x128xf32, #tpu.memory_space<vmem>>) dst(%dma_wait3A_211 : memref<80x128xf32, #tpu.memory_space<vmem_shared>>)
    %mul3A_215 = arith.constant 640 : i32
    %mul3A_216 = arith.muli %arg1, %mul3A_215 : i32
    %add3A_217 = arith.constant 400 : i32
    %add3A_218 = arith.addi %mul3A_216, %add3A_217 : i32
    %dma_wait3A_219 = arith.constant 0 : i32
    %dma_wait3A_220 = arith.constant 0 : i32
    %dma_wait3A_221 = tpu.memref_slice %arg9[%dma_wait3A_219, %dma_wait3A_220] : memref<125x128xf32, #tpu.memory_space<vmem>> -> memref<80x128xf32, #tpu.memory_space<vmem>>
    %dma_wait3A_222 = arith.constant 0 : i32
    %dma_wait3A_223 = tpu.memref_slice %arg10[%add3A_218, %dma_wait3A_222] : memref<10240x128xf32, #tpu.memory_space<vmem_shared>> -> memref<80x128xf32, #tpu.memory_space<vmem_shared>>
    %dma_wait3A_224 = arith.constant 0 : i32
    %dma_wait3A_225 = tpu.memref_slice %arg10[%add3A_218, %dma_wait3A_224] : memref<10240x128xf32, #tpu.memory_space<vmem_shared>> -> memref<80x128xf32, #tpu.memory_space<vmem_shared>>
    %dma_wait3A_226 = arith.constant 0 : i32
    %dma_wait3A_227 = arith.constant 0 : i32
    %dma_wait3A_228 = tpu.memref_slice %arg9[%dma_wait3A_226, %dma_wait3A_227] : memref<125x128xf32, #tpu.memory_space<vmem>> -> memref<80x128xf32, #tpu.memory_space<vmem>>
    tpu.wait_dma2 semaphore(%arg14 : memref<!tpu.dma_semaphore, #tpu.memory_space<semaphore_mem>>) src(%dma_wait3A_228 : memref<80x128xf32, #tpu.memory_space<vmem>>) dst(%dma_wait3A_225 : memref<80x128xf32, #tpu.memory_space<vmem_shared>>)
    %mul3A_229 = arith.constant 640 : i32
    %mul3A_230 = arith.muli %arg1, %mul3A_229 : i32
    %add3A_231 = arith.constant 480 : i32
    %add3A_232 = arith.addi %mul3A_230, %add3A_231 : i32
    %dma_wait3A_233 = arith.constant 0 : i32
    %dma_wait3A_234 = arith.constant 0 : i32
    %dma_wait3A_235 = tpu.memref_slice %arg9[%dma_wait3A_233, %dma_wait3A_234] : memref<125x128xf32, #tpu.memory_space<vmem>> -> memref<80x128xf32, #tpu.memory_space<vmem>>
    %dma_wait3A_236 = arith.constant 0 : i32
    %dma_wait3A_237 = tpu.memref_slice %arg10[%add3A_232, %dma_wait3A_236] : memref<10240x128xf32, #tpu.memory_space<vmem_shared>> -> memref<80x128xf32, #tpu.memory_space<vmem_shared>>
    %dma_wait3A_238 = arith.constant 0 : i32
    %dma_wait3A_239 = tpu.memref_slice %arg10[%add3A_232, %dma_wait3A_238] : memref<10240x128xf32, #tpu.memory_space<vmem_shared>> -> memref<80x128xf32, #tpu.memory_space<vmem_shared>>
    %dma_wait3A_240 = arith.constant 0 : i32
    %dma_wait3A_241 = arith.constant 0 : i32
    %dma_wait3A_242 = tpu.memref_slice %arg9[%dma_wait3A_240, %dma_wait3A_241] : memref<125x128xf32, #tpu.memory_space<vmem>> -> memref<80x128xf32, #tpu.memory_space<vmem>>
    tpu.wait_dma2 semaphore(%arg14 : memref<!tpu.dma_semaphore, #tpu.memory_space<semaphore_mem>>) src(%dma_wait3A_242 : memref<80x128xf32, #tpu.memory_space<vmem>>) dst(%dma_wait3A_239 : memref<80x128xf32, #tpu.memory_space<vmem_shared>>)
    %mul3A_243 = arith.constant 640 : i32
    %mul3A_244 = arith.muli %arg1, %mul3A_243 : i32
    %add3A_245 = arith.constant 560 : i32
    %add3A_246 = arith.addi %mul3A_244, %add3A_245 : i32
    %dma_wait3A_247 = arith.constant 0 : i32
    %dma_wait3A_248 = arith.constant 0 : i32
    %dma_wait3A_249 = tpu.memref_slice %arg9[%dma_wait3A_247, %dma_wait3A_248] : memref<125x128xf32, #tpu.memory_space<vmem>> -> memref<80x128xf32, #tpu.memory_space<vmem>>
    %dma_wait3A_250 = arith.constant 0 : i32
    %dma_wait3A_251 = tpu.memref_slice %arg10[%add3A_246, %dma_wait3A_250] : memref<10240x128xf32, #tpu.memory_space<vmem_shared>> -> memref<80x128xf32, #tpu.memory_space<vmem_shared>>
    %dma_wait3A_252 = arith.constant 0 : i32
    %dma_wait3A_253 = tpu.memref_slice %arg10[%add3A_246, %dma_wait3A_252] : memref<10240x128xf32, #tpu.memory_space<vmem_shared>> -> memref<80x128xf32, #tpu.memory_space<vmem_shared>>
    %dma_wait3A_254 = arith.constant 0 : i32
    %dma_wait3A_255 = arith.constant 0 : i32
    %dma_wait3A_256 = tpu.memref_slice %arg9[%dma_wait3A_254, %dma_wait3A_255] : memref<125x128xf32, #tpu.memory_space<vmem>> -> memref<80x128xf32, #tpu.memory_space<vmem>>
    tpu.wait_dma2 semaphore(%arg14 : memref<!tpu.dma_semaphore, #tpu.memory_space<semaphore_mem>>) src(%dma_wait3A_256 : memref<80x128xf32, #tpu.memory_space<vmem>>) dst(%dma_wait3A_253 : memref<80x128xf32, #tpu.memory_space<vmem_shared>>)
    %barrier3A = arith.constant 0 : index
    tpu.barrier barrier_id(%barrier3A)
    %scan3A_257 = arith.constant 0 : i32
    %scan3A_258 = arith.constant 0 : i32
    %scan3A_259 = arith.constant 20 : i32
    %scan3A_260 = arith.addi %scan3A_258, %scan3A_259 : i32
    %scan3A_261 = arith.constant 1 : i32
    scf.for %scan3A_301 = %scan3A_258 to %scan3A_260 step %scan3A_261  : i32 {
      %mul3A_302 = arith.constant 2 : i32
      %mul3A_303 = arith.muli %mul3A_302, %scan3A_301 : i32
      %dma_wait3A_304 = arith.constant 0 : i32
      %dma_wait3A_305 = tpu.memref_slice %arg6[%mul3A_303, %dma_wait3A_304] : memref<40x125xi32, #tpu.memory_space<vmem>> -> memref<1x125xi32, #tpu.memory_space<vmem>>
      %dma_wait3A_306 = tpu.memref_squeeze %dma_wait3A_305 : memref<1x125xi32, #tpu.memory_space<vmem>> -> memref<125xi32, #tpu.memory_space<vmem>>
      %dma_wait3A_307 = arith.constant 0 : i32
      %dma_wait3A_308 = arith.constant 0 : i32
      %dma_wait3A_309 = tpu.memref_slice %arg2[%dma_wait3A_307, %dma_wait3A_308] : memref<10000x128xf32, #tpu.memory_space<hbm>> -> memref<10000x128xf32, #tpu.memory_space<hbm>>
      tpu.wait_indirect_dma semaphore(%arg11 : memref<!tpu.dma_semaphore, #tpu.memory_space<semaphore_mem>>) src(%dma_wait3A_309 : memref<10000x128xf32, #tpu.memory_space<hbm>>) dst(%arg8 : memref<125x128xf32, #tpu.memory_space<vmem>>)
      %add3A_310 = arith.constant 1 : i32
      %add3A_311 = arith.addi %mul3A_303, %add3A_310 : i32
      %dma_start3A_312 = arith.constant 0 : i32
      %dma_start3A_313 = tpu.memref_slice %arg6[%add3A_311, %dma_start3A_312] : memref<40x125xi32, #tpu.memory_space<vmem>> -> memref<1x125xi32, #tpu.memory_space<vmem>>
      %dma_start3A_314 = tpu.memref_squeeze %dma_start3A_313 : memref<1x125xi32, #tpu.memory_space<vmem>> -> memref<125xi32, #tpu.memory_space<vmem>>
      %dma_start3A_315 = arith.constant 0 : i32
      %dma_start3A_316 = arith.constant 0 : i32
      %dma_start3A_317 = tpu.memref_slice %arg2[%dma_start3A_315, %dma_start3A_316] : memref<10000x128xf32, #tpu.memory_space<hbm>> -> memref<10000x128xf32, #tpu.memory_space<hbm>>
      tpu.enqueue_indirect_dma source(%dma_start3A_317 : memref<10000x128xf32, #tpu.memory_space<hbm>>) target(%arg9 : memref<125x128xf32, #tpu.memory_space<vmem>>) offsets(%dma_start3A_314 : memref<125xi32, #tpu.memory_space<vmem>>) semaphore(%arg12 : memref<!tpu.dma_semaphore, #tpu.memory_space<semaphore_mem>>)
      %dma_start3A_318 = arith.constant 0 : i32
      %dma_start3A_319 = tpu.memref_slice %arg7[%mul3A_303, %dma_start3A_318] : memref<40x125xi32, #tpu.memory_space<vmem>> -> memref<1x125xi32, #tpu.memory_space<vmem>>
      %dma_start3A_320 = tpu.memref_squeeze %dma_start3A_319 : memref<1x125xi32, #tpu.memory_space<vmem>> -> memref<125xi32, #tpu.memory_space<vmem>>
      %dma_start3A_321 = arith.constant 0 : i32
      %dma_start3A_322 = arith.constant 0 : i32
      %dma_start3A_323 = tpu.memref_slice %arg10[%dma_start3A_321, %dma_start3A_322] : memref<10240x128xf32, #tpu.memory_space<vmem_shared>> -> memref<10240x128xf32, #tpu.memory_space<vmem_shared>>
      tpu.enqueue_indirect_dma source(%arg8 : memref<125x128xf32, #tpu.memory_space<vmem>>) target(%dma_start3A_323 : memref<10240x128xf32, #tpu.memory_space<vmem_shared>>) offsets(%dma_start3A_320 : memref<125xi32, #tpu.memory_space<vmem>>) semaphore(%arg13 : memref<!tpu.dma_semaphore, #tpu.memory_space<semaphore_mem>>) {add = true}
      %add3A_324 = arith.constant 1 : i32
      %add3A_325 = arith.addi %mul3A_303, %add3A_324 : i32
      %dma_wait3A_326 = arith.constant 0 : i32
      %dma_wait3A_327 = tpu.memref_slice %arg6[%add3A_325, %dma_wait3A_326] : memref<40x125xi32, #tpu.memory_space<vmem>> -> memref<1x125xi32, #tpu.memory_space<vmem>>
      %dma_wait3A_328 = tpu.memref_squeeze %dma_wait3A_327 : memref<1x125xi32, #tpu.memory_space<vmem>> -> memref<125xi32, #tpu.memory_space<vmem>>
      %dma_wait3A_329 = arith.constant 0 : i32
      %dma_wait3A_330 = arith.constant 0 : i32
      %dma_wait3A_331 = tpu.memref_slice %arg2[%dma_wait3A_329, %dma_wait3A_330] : memref<10000x128xf32, #tpu.memory_space<hbm>> -> memref<10000x128xf32, #tpu.memory_space<hbm>>
      tpu.wait_indirect_dma semaphore(%arg12 : memref<!tpu.dma_semaphore, #tpu.memory_space<semaphore_mem>>) src(%dma_wait3A_331 : memref<10000x128xf32, #tpu.memory_space<hbm>>) dst(%arg9 : memref<125x128xf32, #tpu.memory_space<vmem>>)
      %add3A_332 = arith.constant 1 : i32
      %add3A_333 = arith.addi %mul3A_303, %add3A_332 : i32
      %dma_start3A_334 = arith.constant 0 : i32
      %dma_start3A_335 = tpu.memref_slice %arg7[%add3A_333, %dma_start3A_334] : memref<40x125xi32, #tpu.memory_space<vmem>> -> memref<1x125xi32, #tpu.memory_space<vmem>>
      %dma_start3A_336 = tpu.memref_squeeze %dma_start3A_335 : memref<1x125xi32, #tpu.memory_space<vmem>> -> memref<125xi32, #tpu.memory_space<vmem>>
      %dma_start3A_337 = arith.constant 0 : i32
      %dma_start3A_338 = arith.constant 0 : i32
      %dma_start3A_339 = tpu.memref_slice %arg10[%dma_start3A_337, %dma_start3A_338] : memref<10240x128xf32, #tpu.memory_space<vmem_shared>> -> memref<10240x128xf32, #tpu.memory_space<vmem_shared>>
      tpu.enqueue_indirect_dma source(%arg9 : memref<125x128xf32, #tpu.memory_space<vmem>>) target(%dma_start3A_339 : memref<10240x128xf32, #tpu.memory_space<vmem_shared>>) offsets(%dma_start3A_336 : memref<125xi32, #tpu.memory_space<vmem>>) semaphore(%arg14 : memref<!tpu.dma_semaphore, #tpu.memory_space<semaphore_mem>>) {add = true}
      %dma_wait3A_340 = arith.constant 0 : i32
      %dma_wait3A_341 = tpu.memref_slice %arg7[%mul3A_303, %dma_wait3A_340] : memref<40x125xi32, #tpu.memory_space<vmem>> -> memref<1x125xi32, #tpu.memory_space<vmem>>
      %dma_wait3A_342 = tpu.memref_squeeze %dma_wait3A_341 : memref<1x125xi32, #tpu.memory_space<vmem>> -> memref<125xi32, #tpu.memory_space<vmem>>
      %dma_wait3A_343 = arith.constant 0 : i32
      %dma_wait3A_344 = arith.constant 0 : i32
      %dma_wait3A_345 = tpu.memref_slice %arg10[%dma_wait3A_343, %dma_wait3A_344] : memref<10240x128xf32, #tpu.memory_space<vmem_shared>> -> memref<10240x128xf32, #tpu.memory_space<vmem_shared>>
      tpu.wait_indirect_dma semaphore(%arg13 : memref<!tpu.dma_semaphore, #tpu.memory_space<semaphore_mem>>) src(%arg8 : memref<125x128xf32, #tpu.memory_space<vmem>>) dst(%dma_wait3A_345 : memref<10240x128xf32, #tpu.memory_space<vmem_shared>>)
      %lt3A = arith.constant 19 : i32
      %lt3A_346 = arith.cmpi slt, %scan3A_301, %lt3A : i32
      %convert_element_type3A = arith.extui %lt3A_346 : i1 to i32
      %cond3A = arith.constant 0 : i32
      %cond3A_347 = arith.cmpi ne, %convert_element_type3A, %cond3A : i32
      scf.if %cond3A_347 {
        %add3A_356 = arith.constant 2 : i32
        %add3A_357 = arith.addi %mul3A_303, %add3A_356 : i32
        %dma_start3A_358 = arith.constant 0 : i32
        %dma_start3A_359 = tpu.memref_slice %arg6[%add3A_357, %dma_start3A_358] : memref<40x125xi32, #tpu.memory_space<vmem>> -> memref<1x125xi32, #tpu.memory_space<vmem>>
        %dma_start3A_360 = tpu.memref_squeeze %dma_start3A_359 : memref<1x125xi32, #tpu.memory_space<vmem>> -> memref<125xi32, #tpu.memory_space<vmem>>
        %dma_start3A_361 = arith.constant 0 : i32
        %dma_start3A_362 = arith.constant 0 : i32
        %dma_start3A_363 = tpu.memref_slice %arg2[%dma_start3A_361, %dma_start3A_362] : memref<10000x128xf32, #tpu.memory_space<hbm>> -> memref<10000x128xf32, #tpu.memory_space<hbm>>
        tpu.enqueue_indirect_dma source(%dma_start3A_363 : memref<10000x128xf32, #tpu.memory_space<hbm>>) target(%arg8 : memref<125x128xf32, #tpu.memory_space<vmem>>) offsets(%dma_start3A_360 : memref<125xi32, #tpu.memory_space<vmem>>) semaphore(%arg11 : memref<!tpu.dma_semaphore, #tpu.memory_space<semaphore_mem>>)
      } else {
      }
      %add3A_348 = arith.constant 1 : i32
      %add3A_349 = arith.addi %mul3A_303, %add3A_348 : i32
      %dma_wait3A_350 = arith.constant 0 : i32
      %dma_wait3A_351 = tpu.memref_slice %arg7[%add3A_349, %dma_wait3A_350] : memref<40x125xi32, #tpu.memory_space<vmem>> -> memref<1x125xi32, #tpu.memory_space<vmem>>
      %dma_wait3A_352 = tpu.memref_squeeze %dma_wait3A_351 : memref<1x125xi32, #tpu.memory_space<vmem>> -> memref<125xi32, #tpu.memory_space<vmem>>
      %dma_wait3A_353 = arith.constant 0 : i32
      %dma_wait3A_354 = arith.constant 0 : i32
      %dma_wait3A_355 = tpu.memref_slice %arg10[%dma_wait3A_353, %dma_wait3A_354] : memref<10240x128xf32, #tpu.memory_space<vmem_shared>> -> memref<10240x128xf32, #tpu.memory_space<vmem_shared>>
      tpu.wait_indirect_dma semaphore(%arg14 : memref<!tpu.dma_semaphore, #tpu.memory_space<semaphore_mem>>) src(%arg9 : memref<125x128xf32, #tpu.memory_space<vmem>>) dst(%dma_wait3A_355 : memref<10240x128xf32, #tpu.memory_space<vmem_shared>>)
    }
    %scan3A_262 = arith.constant 20 : i32
    %add3A_263 = arith.constant 40 : i32
    %add3A_264 = arith.addi %mul3A_2, %add3A_263 : i32
    %add3A_265 = arith.constant 40 : i32
    %add3A_266 = arith.addi %mul3A_2, %add3A_265 : i32
    %dma_start3A_267 = arith.constant 0 : i32
    %dma_start3A_268 = tpu.memref_slice %arg3[%add3A_264, %dma_start3A_267] : memref<2560x125xi32, #tpu.memory_space<hbm>> -> memref<40x125xi32, #tpu.memory_space<hbm>>
    %dma_start3A_269 = arith.constant 0 : i32
    %dma_start3A_270 = tpu.memref_slice %arg3[%add3A_264, %dma_start3A_269] : memref<2560x125xi32, #tpu.memory_space<hbm>> -> memref<40x125xi32, #tpu.memory_space<hbm>>
    tpu.enqueue_dma source(%dma_start3A_270 : memref<40x125xi32, #tpu.memory_space<hbm>>) target(%arg6 : memref<40x125xi32, #tpu.memory_space<vmem>>) target_semaphore(%arg11 : memref<!tpu.dma_semaphore, #tpu.memory_space<semaphore_mem>>)
    %dma_start3A_271 = arith.constant 0 : i32
    %dma_start3A_272 = tpu.memref_slice %arg4[%add3A_266, %dma_start3A_271] : memref<2560x125xi32, #tpu.memory_space<hbm>> -> memref<40x125xi32, #tpu.memory_space<hbm>>
    %dma_start3A_273 = arith.constant 0 : i32
    %dma_start3A_274 = tpu.memref_slice %arg4[%add3A_266, %dma_start3A_273] : memref<2560x125xi32, #tpu.memory_space<hbm>> -> memref<40x125xi32, #tpu.memory_space<hbm>>
    tpu.enqueue_dma source(%dma_start3A_274 : memref<40x125xi32, #tpu.memory_space<hbm>>) target(%arg7 : memref<40x125xi32, #tpu.memory_space<vmem>>) target_semaphore(%arg12 : memref<!tpu.dma_semaphore, #tpu.memory_space<semaphore_mem>>)
    %dma_wait3A_275 = arith.constant 0 : i32
    %dma_wait3A_276 = tpu.memref_slice %arg3[%add3A_264, %dma_wait3A_275] : memref<2560x125xi32, #tpu.memory_space<hbm>> -> memref<40x125xi32, #tpu.memory_space<hbm>>
    %dma_wait3A_277 = arith.constant 0 : i32
    %dma_wait3A_278 = tpu.memref_slice %arg3[%add3A_264, %dma_wait3A_277] : memref<2560x125xi32, #tpu.memory_space<hbm>> -> memref<40x125xi32, #tpu.memory_space<hbm>>
    tpu.wait_dma2 semaphore(%arg11 : memref<!tpu.dma_semaphore, #tpu.memory_space<semaphore_mem>>) src(%dma_wait3A_278 : memref<40x125xi32, #tpu.memory_space<hbm>>) dst(%arg6 : memref<40x125xi32, #tpu.memory_space<vmem>>)
    %dma_start3A_279 = arith.constant 0 : i32
    %dma_start3A_280 = arith.constant 0 : i32
    %dma_start3A_281 = tpu.memref_slice %arg6[%dma_start3A_279, %dma_start3A_280] : memref<40x125xi32, #tpu.memory_space<vmem>> -> memref<1x125xi32, #tpu.memory_space<vmem>>
    %dma_start3A_282 = tpu.memref_squeeze %dma_start3A_281 : memref<1x125xi32, #tpu.memory_space<vmem>> -> memref<125xi32, #tpu.memory_space<vmem>>
    %dma_start3A_283 = arith.constant 0 : i32
    %dma_start3A_284 = arith.constant 0 : i32
    %dma_start3A_285 = tpu.memref_slice %arg2[%dma_start3A_283, %dma_start3A_284] : memref<10000x128xf32, #tpu.memory_space<hbm>> -> memref<10000x128xf32, #tpu.memory_space<hbm>>
    tpu.enqueue_indirect_dma source(%dma_start3A_285 : memref<10000x128xf32, #tpu.memory_space<hbm>>) target(%arg8 : memref<125x128xf32, #tpu.memory_space<vmem>>) offsets(%dma_start3A_282 : memref<125xi32, #tpu.memory_space<vmem>>) semaphore(%arg11 : memref<!tpu.dma_semaphore, #tpu.memory_space<semaphore_mem>>)
    %dma_wait3A_286 = arith.constant 0 : i32
    %dma_wait3A_287 = tpu.memref_slice %arg4[%add3A_266, %dma_wait3A_286] : memref<2560x125xi32, #tpu.memory_space<hbm>> -> memref<40x125xi32, #tpu.memory_space<hbm>>
    %dma_wait3A_288 = arith.constant 0 : i32
    %dma_wait3A_289 = tpu.memref_slice %arg4[%add3A_266, %dma_wait3A_288] : memref<2560x125xi32, #tpu.memory_space<hbm>> -> memref<40x125xi32, #tpu.memory_space<hbm>>
    tpu.wait_dma2 semaphore(%arg12 : memref<!tpu.dma_semaphore, #tpu.memory_space<semaphore_mem>>) src(%dma_wait3A_289 : memref<40x125xi32, #tpu.memory_space<hbm>>) dst(%arg7 : memref<40x125xi32, #tpu.memory_space<vmem>>)
    %scan3A_290 = arith.constant 0 : i32
    %scan3A_291 = arith.constant 0 : i32
    %scan3A_292 = arith.constant 20 : i32
    %scan3A_293 = arith.addi %scan3A_291, %scan3A_292 : i32
    %scan3A_294 = arith.constant 1 : i32
    scf.for %scan3A_301 = %scan3A_291 to %scan3A_293 step %scan3A_294  : i32 {
      %mul3A_302 = arith.constant 2 : i32
      %mul3A_303 = arith.muli %mul3A_302, %scan3A_301 : i32
      %dma_wait3A_304 = arith.constant 0 : i32
      %dma_wait3A_305 = tpu.memref_slice %arg6[%mul3A_303, %dma_wait3A_304] : memref<40x125xi32, #tpu.memory_space<vmem>> -> memref<1x125xi32, #tpu.memory_space<vmem>>
      %dma_wait3A_306 = tpu.memref_squeeze %dma_wait3A_305 : memref<1x125xi32, #tpu.memory_space<vmem>> -> memref<125xi32, #tpu.memory_space<vmem>>
      %dma_wait3A_307 = arith.constant 0 : i32
      %dma_wait3A_308 = arith.constant 0 : i32
      %dma_wait3A_309 = tpu.memref_slice %arg2[%dma_wait3A_307, %dma_wait3A_308] : memref<10000x128xf32, #tpu.memory_space<hbm>> -> memref<10000x128xf32, #tpu.memory_space<hbm>>
      tpu.wait_indirect_dma semaphore(%arg11 : memref<!tpu.dma_semaphore, #tpu.memory_space<semaphore_mem>>) src(%dma_wait3A_309 : memref<10000x128xf32, #tpu.memory_space<hbm>>) dst(%arg8 : memref<125x128xf32, #tpu.memory_space<vmem>>)
      %add3A_310 = arith.constant 1 : i32
      %add3A_311 = arith.addi %mul3A_303, %add3A_310 : i32
      %dma_start3A_312 = arith.constant 0 : i32
      %dma_start3A_313 = tpu.memref_slice %arg6[%add3A_311, %dma_start3A_312] : memref<40x125xi32, #tpu.memory_space<vmem>> -> memref<1x125xi32, #tpu.memory_space<vmem>>
      %dma_start3A_314 = tpu.memref_squeeze %dma_start3A_313 : memref<1x125xi32, #tpu.memory_space<vmem>> -> memref<125xi32, #tpu.memory_space<vmem>>
      %dma_start3A_315 = arith.constant 0 : i32
      %dma_start3A_316 = arith.constant 0 : i32
      %dma_start3A_317 = tpu.memref_slice %arg2[%dma_start3A_315, %dma_start3A_316] : memref<10000x128xf32, #tpu.memory_space<hbm>> -> memref<10000x128xf32, #tpu.memory_space<hbm>>
      tpu.enqueue_indirect_dma source(%dma_start3A_317 : memref<10000x128xf32, #tpu.memory_space<hbm>>) target(%arg9 : memref<125x128xf32, #tpu.memory_space<vmem>>) offsets(%dma_start3A_314 : memref<125xi32, #tpu.memory_space<vmem>>) semaphore(%arg12 : memref<!tpu.dma_semaphore, #tpu.memory_space<semaphore_mem>>)
      %dma_start3A_318 = arith.constant 0 : i32
      %dma_start3A_319 = tpu.memref_slice %arg7[%mul3A_303, %dma_start3A_318] : memref<40x125xi32, #tpu.memory_space<vmem>> -> memref<1x125xi32, #tpu.memory_space<vmem>>
      %dma_start3A_320 = tpu.memref_squeeze %dma_start3A_319 : memref<1x125xi32, #tpu.memory_space<vmem>> -> memref<125xi32, #tpu.memory_space<vmem>>
      %dma_start3A_321 = arith.constant 0 : i32
      %dma_start3A_322 = arith.constant 0 : i32
      %dma_start3A_323 = tpu.memref_slice %arg10[%dma_start3A_321, %dma_start3A_322] : memref<10240x128xf32, #tpu.memory_space<vmem_shared>> -> memref<10240x128xf32, #tpu.memory_space<vmem_shared>>
      tpu.enqueue_indirect_dma source(%arg8 : memref<125x128xf32, #tpu.memory_space<vmem>>) target(%dma_start3A_323 : memref<10240x128xf32, #tpu.memory_space<vmem_shared>>) offsets(%dma_start3A_320 : memref<125xi32, #tpu.memory_space<vmem>>) semaphore(%arg13 : memref<!tpu.dma_semaphore, #tpu.memory_space<semaphore_mem>>) {add = true}
      %add3A_324 = arith.constant 1 : i32
      %add3A_325 = arith.addi %mul3A_303, %add3A_324 : i32
      %dma_wait3A_326 = arith.constant 0 : i32
      %dma_wait3A_327 = tpu.memref_slice %arg6[%add3A_325, %dma_wait3A_326] : memref<40x125xi32, #tpu.memory_space<vmem>> -> memref<1x125xi32, #tpu.memory_space<vmem>>
      %dma_wait3A_328 = tpu.memref_squeeze %dma_wait3A_327 : memref<1x125xi32, #tpu.memory_space<vmem>> -> memref<125xi32, #tpu.memory_space<vmem>>
      %dma_wait3A_329 = arith.constant 0 : i32
      %dma_wait3A_330 = arith.constant 0 : i32
      %dma_wait3A_331 = tpu.memref_slice %arg2[%dma_wait3A_329, %dma_wait3A_330] : memref<10000x128xf32, #tpu.memory_space<hbm>> -> memref<10000x128xf32, #tpu.memory_space<hbm>>
      tpu.wait_indirect_dma semaphore(%arg12 : memref<!tpu.dma_semaphore, #tpu.memory_space<semaphore_mem>>) src(%dma_wait3A_331 : memref<10000x128xf32, #tpu.memory_space<hbm>>) dst(%arg9 : memref<125x128xf32, #tpu.memory_space<vmem>>)
      %add3A_332 = arith.constant 1 : i32
      %add3A_333 = arith.addi %mul3A_303, %add3A_332 : i32
      %dma_start3A_334 = arith.constant 0 : i32
      %dma_start3A_335 = tpu.memref_slice %arg7[%add3A_333, %dma_start3A_334] : memref<40x125xi32, #tpu.memory_space<vmem>> -> memref<1x125xi32, #tpu.memory_space<vmem>>
      %dma_start3A_336 = tpu.memref_squeeze %dma_start3A_335 : memref<1x125xi32, #tpu.memory_space<vmem>> -> memref<125xi32, #tpu.memory_space<vmem>>
      %dma_start3A_337 = arith.constant 0 : i32
      %dma_start3A_338 = arith.constant 0 : i32
      %dma_start3A_339 = tpu.memref_slice %arg10[%dma_start3A_337, %dma_start3A_338] : memref<10240x128xf32, #tpu.memory_space<vmem_shared>> -> memref<10240x128xf32, #tpu.memory_space<vmem_shared>>
      tpu.enqueue_indirect_dma source(%arg9 : memref<125x128xf32, #tpu.memory_space<vmem>>) target(%dma_start3A_339 : memref<10240x128xf32, #tpu.memory_space<vmem_shared>>) offsets(%dma_start3A_336 : memref<125xi32, #tpu.memory_space<vmem>>) semaphore(%arg14 : memref<!tpu.dma_semaphore, #tpu.memory_space<semaphore_mem>>) {add = true}
      %dma_wait3A_340 = arith.constant 0 : i32
      %dma_wait3A_341 = tpu.memref_slice %arg7[%mul3A_303, %dma_wait3A_340] : memref<40x125xi32, #tpu.memory_space<vmem>> -> memref<1x125xi32, #tpu.memory_space<vmem>>
      %dma_wait3A_342 = tpu.memref_squeeze %dma_wait3A_341 : memref<1x125xi32, #tpu.memory_space<vmem>> -> memref<125xi32, #tpu.memory_space<vmem>>
      %dma_wait3A_343 = arith.constant 0 : i32
      %dma_wait3A_344 = arith.constant 0 : i32
      %dma_wait3A_345 = tpu.memref_slice %arg10[%dma_wait3A_343, %dma_wait3A_344] : memref<10240x128xf32, #tpu.memory_space<vmem_shared>> -> memref<10240x128xf32, #tpu.memory_space<vmem_shared>>
      tpu.wait_indirect_dma semaphore(%arg13 : memref<!tpu.dma_semaphore, #tpu.memory_space<semaphore_mem>>) src(%arg8 : memref<125x128xf32, #tpu.memory_space<vmem>>) dst(%dma_wait3A_345 : memref<10240x128xf32, #tpu.memory_space<vmem_shared>>)
      %lt3A = arith.constant 19 : i32
      %lt3A_346 = arith.cmpi slt, %scan3A_301, %lt3A : i32
      %convert_element_type3A = arith.extui %lt3A_346 : i1 to i32
      %cond3A = arith.constant 0 : i32
      %cond3A_347 = arith.cmpi ne, %convert_element_type3A, %cond3A : i32
      scf.if %cond3A_347 {
        %add3A_356 = arith.constant 2 : i32
        %add3A_357 = arith.addi %mul3A_303, %add3A_356 : i32
        %dma_start3A_358 = arith.constant 0 : i32
        %dma_start3A_359 = tpu.memref_slice %arg6[%add3A_357, %dma_start3A_358] : memref<40x125xi32, #tpu.memory_space<vmem>> -> memref<1x125xi32, #tpu.memory_space<vmem>>
        %dma_start3A_360 = tpu.memref_squeeze %dma_start3A_359 : memref<1x125xi32, #tpu.memory_space<vmem>> -> memref<125xi32, #tpu.memory_space<vmem>>
        %dma_start3A_361 = arith.constant 0 : i32
        %dma_start3A_362 = arith.constant 0 : i32
        %dma_start3A_363 = tpu.memref_slice %arg2[%dma_start3A_361, %dma_start3A_362] : memref<10000x128xf32, #tpu.memory_space<hbm>> -> memref<10000x128xf32, #tpu.memory_space<hbm>>
        tpu.enqueue_indirect_dma source(%dma_start3A_363 : memref<10000x128xf32, #tpu.memory_space<hbm>>) target(%arg8 : memref<125x128xf32, #tpu.memory_space<vmem>>) offsets(%dma_start3A_360 : memref<125xi32, #tpu.memory_space<vmem>>) semaphore(%arg11 : memref<!tpu.dma_semaphore, #tpu.memory_space<semaphore_mem>>)
      } else {
      }
      %add3A_348 = arith.constant 1 : i32
      %add3A_349 = arith.addi %mul3A_303, %add3A_348 : i32
      %dma_wait3A_350 = arith.constant 0 : i32
      %dma_wait3A_351 = tpu.memref_slice %arg7[%add3A_349, %dma_wait3A_350] : memref<40x125xi32, #tpu.memory_space<vmem>> -> memref<1x125xi32, #tpu.memory_space<vmem>>
      %dma_wait3A_352 = tpu.memref_squeeze %dma_wait3A_351 : memref<1x125xi32, #tpu.memory_space<vmem>> -> memref<125xi32, #tpu.memory_space<vmem>>
      %dma_wait3A_353 = arith.constant 0 : i32
      %dma_wait3A_354 = arith.constant 0 : i32
      %dma_wait3A_355 = tpu.memref_slice %arg10[%dma_wait3A_353, %dma_wait3A_354] : memref<10240x128xf32, #tpu.memory_space<vmem_shared>> -> memref<10240x128xf32, #tpu.memory_space<vmem_shared>>
      tpu.wait_indirect_dma semaphore(%arg14 : memref<!tpu.dma_semaphore, #tpu.memory_space<semaphore_mem>>) src(%arg9 : memref<125x128xf32, #tpu.memory_space<vmem>>) dst(%dma_wait3A_355 : memref<10240x128xf32, #tpu.memory_space<vmem_shared>>)
    }
    %scan3A_295 = arith.constant 20 : i32
    %barrier3A_296 = arith.constant 0 : index
    tpu.barrier barrier_id(%barrier3A_296)
    %mul3A_297 = arith.constant 640 : i32
    %mul3A_298 = arith.muli %arg1, %mul3A_297 : i32
    %mul3A_299 = arith.constant 640 : i32
    %mul3A_300 = arith.muli %arg1, %mul3A_299 : i32
    "tpu.region"() ({
      %run_scoped3A = tpu.sem_alloc : memref<!tpu.dma_semaphore, #tpu.memory_space<semaphore_mem>>
      %dma_start3A_301 = arith.constant 0 : i32
      %dma_start3A_302 = tpu.memref_slice %arg5[%arg0, %mul3A_300, %dma_start3A_301] : memref<2x10240x128xf32, #tpu.memory_space<hbm>> -> memref<1x640x128xf32, #tpu.memory_space<hbm>>
      %dma_start3A_303 = tpu.memref_squeeze %dma_start3A_302 : memref<1x640x128xf32, #tpu.memory_space<hbm>> -> memref<640x128xf32, #tpu.memory_space<hbm>>
      %dma_start3A_304 = arith.constant 0 : i32
      %dma_start3A_305 = tpu.memref_slice %arg10[%mul3A_298, %dma_start3A_304] : memref<10240x128xf32, #tpu.memory_space<vmem_shared>> -> memref<640x128xf32, #tpu.memory_space<vmem_shared>>
      tpu.enqueue_dma source(%dma_start3A_305 : memref<640x128xf32, #tpu.memory_space<vmem_shared>>) target(%dma_start3A_303 : memref<640x128xf32, #tpu.memory_space<hbm>>) target_semaphore(%run_scoped3A : memref<!tpu.dma_semaphore, #tpu.memory_space<semaphore_mem>>)
      %dma_wait3A_306 = arith.constant 0 : i32
      %dma_wait3A_307 = tpu.memref_slice %arg5[%arg0, %mul3A_300, %dma_wait3A_306] : memref<2x10240x128xf32, #tpu.memory_space<hbm>> -> memref<1x640x128xf32, #tpu.memory_space<hbm>>
      %dma_wait3A_308 = tpu.memref_squeeze %dma_wait3A_307 : memref<1x640x128xf32, #tpu.memory_space<hbm>> -> memref<640x128xf32, #tpu.memory_space<hbm>>
      %dma_wait3A_309 = arith.constant 0 : i32
      %dma_wait3A_310 = tpu.memref_slice %arg10[%mul3A_298, %dma_wait3A_309] : memref<10240x128xf32, #tpu.memory_space<vmem_shared>> -> memref<640x128xf32, #tpu.memory_space<vmem_shared>>
      tpu.wait_dma2 semaphore(%run_scoped3A : memref<!tpu.dma_semaphore, #tpu.memory_space<semaphore_mem>>) src(%dma_wait3A_310 : memref<640x128xf32, #tpu.memory_space<vmem_shared>>) dst(%dma_wait3A_308 : memref<640x128xf32, #tpu.memory_space<hbm>>)
      tpu.yield
    }) : () -> ()
    return
  }
}

module attributes {stable_mosaic.version = 14 : i64} {
  func.func @_k1_body(%arg0: i32, %arg1: memref<5000x128xf32, #tpu.memory_space<vmem>>, %arg2: memref<128x128xf32, #tpu.memory_space<vmem>>, %arg3: memref<5000x2xf32, #tpu.memory_space<vmem>>, %arg4: memref<5000x128xf32, #tpu.memory_space<vmem>>) attributes {dimension_semantics = [#tpu.dimension_semantics<arbitrary>], iteration_bounds = array<i64: 2>, scalar_prefetch = 0 : i64, scratch_operands = 0 : i64, tpu.core_type = #tpu.core_type<tc>, window_params = [{transform_indices = @transform_0, window_bounds = array<i64: 5000, 128>}, {pipeline_mode = #tpu.pipeline_mode<synchronous>, transform_indices = @transform_1, window_bounds = array<i64: 128, 128>}, {transform_indices = @transform_2, window_bounds = array<i64: 5000, 2>}, {transform_indices = @transform_3, window_bounds = array<i64: 5000, 128>}]} {
    %get3A = arith.constant 0 : index
    %get3A_0 = arith.constant 0 : index
    %get3A_1 = vector.load %arg3[%get3A, %get3A_0] : memref<5000x2xf32, #tpu.memory_space<vmem>>, vector<5000x1xf32>
    %get3A_2 = vector.shape_cast %get3A_1 : vector<5000x1xf32> to vector<5000xf32>
    %get3A_3 = arith.constant 0 : index
    %get3A_4 = arith.constant 1 : index
    %get3A_5 = vector.load %arg3[%get3A_3, %get3A_4] : memref<5000x2xf32, #tpu.memory_space<vmem>>, vector<5000x1xf32>
    %get3A_6 = vector.shape_cast %get3A_5 : vector<5000x1xf32> to vector<5000xf32>
    %add3A = arith.addf %get3A_2, %get3A_6 : vector<5000xf32>
    %max3A = arith.constant 1.000000e+00 : f32
    %max3A_7 = vector.broadcast %max3A : f32 to vector<5000xf32>
    %max3A_8 = arith.maximumf %add3A, %max3A_7 : vector<5000xf32>
    %rsqrt3A = math.rsqrt %max3A_8 : vector<5000xf32>
    %get3A_9 = arith.constant 0 : index
    %get3A_10 = arith.constant 0 : index
    %get3A_11 = vector.load %arg1[%get3A_9, %get3A_10] : memref<5000x128xf32, #tpu.memory_space<vmem>>, vector<5000x128xf32>
    %get3A_12 = arith.constant 0 : index
    %get3A_13 = arith.constant 0 : index
    %get3A_14 = vector.load %arg2[%get3A_12, %get3A_13] : memref<128x128xf32, #tpu.memory_space<vmem>>, vector<128x128xf32>
    %dot_general3A = arith.constant dense<0.000000e+00> : vector<5000x128xf32>
    %dot_general3A_15 = tpu.matmul %get3A_11, %get3A_14, %dot_general3A {dimension_numbers = #tpu.dot_dimension_numbers<[1], [0], [0], [1], [0, 0, 1, 1], [], []>, transpose_lhs_hint = false} : vector<5000x128xf32>, vector<128x128xf32>, vector<5000x128xf32> -> vector<5000x128xf32>
    %broadcast_in_dim3A = vector.shape_cast %rsqrt3A : vector<5000xf32> to vector<5000x1xf32>
    %mul3A = vector.broadcast %broadcast_in_dim3A : vector<5000x1xf32> to vector<5000x128xf32>
    %mul3A_16 = arith.mulf %dot_general3A_15, %mul3A : vector<5000x128xf32>
    %swap3A = arith.constant 0 : index
    %swap3A_17 = arith.constant 0 : index
    %swap3A_18 = vector.load %arg4[%swap3A, %swap3A_17] : memref<5000x128xf32, #tpu.memory_space<vmem>>, vector<5000x128xf32>
    tpu.vector_store %arg4[%swap3A, %swap3A_17], %mul3A_16 {strides = array<i32>} : memref<5000x128xf32, #tpu.memory_space<vmem>>, vector<5000x128xf32>,
    return
  }
  func.func @transform_0(%arg0: i32) -> (i32, i32) {
    %c0_i32 = arith.constant 0 : i32
    %c0_i32_0 = arith.constant 0 : i32
    return %arg0, %c0_i32 : i32, i32
  }
  func.func @transform_1(%arg0: i32) -> (i32, i32) {
    %c0_i32 = arith.constant 0 : i32
    %c0_i32_0 = arith.constant 0 : i32
    %c0_i32_1 = arith.constant 0 : i32
    return %c0_i32, %c0_i32_0 : i32, i32
  }
  func.func @transform_2(%arg0: i32) -> (i32, i32) {
    %c0_i32 = arith.constant 0 : i32
    %c0_i32_0 = arith.constant 0 : i32
    return %arg0, %c0_i32 : i32, i32
  }
  func.func @transform_3(%arg0: i32) -> (i32, i32) {
    %c0_i32 = arith.constant 0 : i32
    %c0_i32_0 = arith.constant 0 : i32
    return %arg0, %c0_i32 : i32, i32
  }
}

module attributes {stable_mosaic.version = 14 : i64} {
  func.func @_k2_body(%arg0: i32, %arg1: memref<2x5000x128xf32, #tpu.memory_space<vmem>>, %arg2: memref<5000x2xf32, #tpu.memory_space<vmem>>, %arg3: memref<1x128xf32, #tpu.memory_space<vmem>>, %arg4: memref<128x128xf32, #tpu.memory_space<vmem>>, %arg5: memref<5000x128xf32, #tpu.memory_space<vmem>>) attributes {dimension_semantics = [#tpu.dimension_semantics<arbitrary>], iteration_bounds = array<i64: 2>, scalar_prefetch = 0 : i64, scratch_operands = 0 : i64, tpu.core_type = #tpu.core_type<tc>, window_params = [{transform_indices = @transform_0, window_bounds = array<i64: 2, 5000, 128>}, {transform_indices = @transform_1, window_bounds = array<i64: 5000, 2>}, {pipeline_mode = #tpu.pipeline_mode<synchronous>, transform_indices = @transform_2, window_bounds = array<i64: 1, 128>}, {pipeline_mode = #tpu.pipeline_mode<synchronous>, transform_indices = @transform_3, window_bounds = array<i64: 128, 128>}, {transform_indices = @transform_4, window_bounds = array<i64: 5000, 128>}]} {
    %get3A = arith.constant 0 : index
    %get3A_0 = arith.constant 0 : index
    %get3A_1 = vector.load %arg2[%get3A, %get3A_0] : memref<5000x2xf32, #tpu.memory_space<vmem>>, vector<5000x1xf32>
    %get3A_2 = vector.shape_cast %get3A_1 : vector<5000x1xf32> to vector<5000xf32>
    %get3A_3 = arith.constant 0 : index
    %get3A_4 = arith.constant 1 : index
    %get3A_5 = vector.load %arg2[%get3A_3, %get3A_4] : memref<5000x2xf32, #tpu.memory_space<vmem>>, vector<5000x1xf32>
    %get3A_6 = vector.shape_cast %get3A_5 : vector<5000x1xf32> to vector<5000xf32>
    %add3A = arith.addf %get3A_2, %get3A_6 : vector<5000xf32>
    %max3A = arith.constant 1.000000e+00 : f32
    %max3A_7 = vector.broadcast %max3A : f32 to vector<5000xf32>
    %max3A_8 = arith.maximumf %add3A, %max3A_7 : vector<5000xf32>
    %rsqrt3A = math.rsqrt %max3A_8 : vector<5000xf32>
    %get3A_9 = arith.constant 0 : index
    %get3A_10 = arith.constant 0 : index
    %get3A_11 = arith.constant 0 : index
    %get3A_12 = vector.load %arg1[%get3A_9, %get3A_10, %get3A_11] : memref<2x5000x128xf32, #tpu.memory_space<vmem>>, vector<1x5000x128xf32>
    %get3A_13 = vector.shape_cast %get3A_12 : vector<1x5000x128xf32> to vector<5000x128xf32>
    %get3A_14 = arith.constant 1 : index
    %get3A_15 = arith.constant 0 : index
    %get3A_16 = arith.constant 0 : index
    %get3A_17 = vector.load %arg1[%get3A_14, %get3A_15, %get3A_16] : memref<2x5000x128xf32, #tpu.memory_space<vmem>>, vector<1x5000x128xf32>
    %get3A_18 = vector.shape_cast %get3A_17 : vector<1x5000x128xf32> to vector<5000x128xf32>
    %add3A_19 = arith.addf %get3A_13, %get3A_18 : vector<5000x128xf32>
    %broadcast_in_dim3A = vector.shape_cast %rsqrt3A : vector<5000xf32> to vector<5000x1xf32>
    %mul3A = vector.broadcast %broadcast_in_dim3A : vector<5000x1xf32> to vector<5000x128xf32>
    %mul3A_20 = arith.mulf %add3A_19, %mul3A : vector<5000x128xf32>
    %get3A_21 = arith.constant 0 : index
    %get3A_22 = arith.constant 0 : index
    %get3A_23 = vector.load %arg3[%get3A_21, %get3A_22] : memref<1x128xf32, #tpu.memory_space<vmem>>, vector<1x128xf32>
    %add3A_24 = vector.broadcast %get3A_23 : vector<1x128xf32> to vector<5000x128xf32>
    %add3A_25 = arith.addf %mul3A_20, %add3A_24 : vector<5000x128xf32>
    %max3A_26 = arith.constant 0.000000e+00 : f32
    %max3A_27 = vector.broadcast %max3A_26 : f32 to vector<5000x128xf32>
    %max3A_28 = arith.maximumf %add3A_25, %max3A_27 : vector<5000x128xf32>
    %get3A_29 = arith.constant 0 : index
    %get3A_30 = arith.constant 0 : index
    %get3A_31 = vector.load %arg4[%get3A_29, %get3A_30] : memref<128x128xf32, #tpu.memory_space<vmem>>, vector<128x128xf32>
    %dot_general3A = arith.constant dense<0.000000e+00> : vector<5000x128xf32>
    %dot_general3A_32 = tpu.matmul %max3A_28, %get3A_31, %dot_general3A {dimension_numbers = #tpu.dot_dimension_numbers<[1], [0], [0], [1], [0, 0, 1, 1], [], []>, transpose_lhs_hint = false} : vector<5000x128xf32>, vector<128x128xf32>, vector<5000x128xf32> -> vector<5000x128xf32>
    %broadcast_in_dim3A_33 = vector.shape_cast %rsqrt3A : vector<5000xf32> to vector<5000x1xf32>
    %mul3A_34 = vector.broadcast %broadcast_in_dim3A_33 : vector<5000x1xf32> to vector<5000x128xf32>
    %mul3A_35 = arith.mulf %dot_general3A_32, %mul3A_34 : vector<5000x128xf32>
    %swap3A = arith.constant 0 : index
    %swap3A_36 = arith.constant 0 : index
    %swap3A_37 = vector.load %arg5[%swap3A, %swap3A_36] : memref<5000x128xf32, #tpu.memory_space<vmem>>, vector<5000x128xf32>
    tpu.vector_store %arg5[%swap3A, %swap3A_36], %mul3A_35 {strides = array<i32>} : memref<5000x128xf32, #tpu.memory_space<vmem>>, vector<5000x128xf32>,
    return
  }
  func.func @transform_0(%arg0: i32) -> (i32, i32, i32) {
    %c0_i32 = arith.constant 0 : i32
    %c0_i32_0 = arith.constant 0 : i32
    %c0_i32_1 = arith.constant 0 : i32
    return %c0_i32, %arg0, %c0_i32_0 : i32, i32, i32
  }
  func.func @transform_1(%arg0: i32) -> (i32, i32) {
    %c0_i32 = arith.constant 0 : i32
    %c0_i32_0 = arith.constant 0 : i32
    return %arg0, %c0_i32 : i32, i32
  }
  func.func @transform_2(%arg0: i32) -> (i32, i32) {
    %c0_i32 = arith.constant 0 : i32
    %c0_i32_0 = arith.constant 0 : i32
    %c0_i32_1 = arith.constant 0 : i32
    return %c0_i32, %c0_i32_0 : i32, i32
  }
  func.func @transform_3(%arg0: i32) -> (i32, i32) {
    %c0_i32 = arith.constant 0 : i32
    %c0_i32_0 = arith.constant 0 : i32
    %c0_i32_1 = arith.constant 0 : i32
    return %c0_i32, %c0_i32_0 : i32, i32
  }
  func.func @transform_4(%arg0: i32) -> (i32, i32) {
    %c0_i32 = arith.constant 0 : i32
    %c0_i32_0 = arith.constant 0 : i32
    return %arg0, %c0_i32 : i32, i32
  }
}

module attributes {stable_mosaic.version = 14 : i64} {
  func.func @_k4_body(%arg0: i32, %arg1: memref<2x5000x128xf32, #tpu.memory_space<vmem>>, %arg2: memref<5000x2xf32, #tpu.memory_space<vmem>>, %arg3: memref<1x64xf32, #tpu.memory_space<vmem>>, %arg4: memref<5000x64xf32, #tpu.memory_space<vmem>>) attributes {dimension_semantics = [#tpu.dimension_semantics<arbitrary>], iteration_bounds = array<i64: 2>, scalar_prefetch = 0 : i64, scratch_operands = 0 : i64, tpu.core_type = #tpu.core_type<tc>, window_params = [{transform_indices = @transform_0, window_bounds = array<i64: 2, 5000, 128>}, {transform_indices = @transform_1, window_bounds = array<i64: 5000, 2>}, {pipeline_mode = #tpu.pipeline_mode<synchronous>, transform_indices = @transform_2, window_bounds = array<i64: 1, 64>}, {transform_indices = @transform_3, window_bounds = array<i64: 5000, 64>}]} {
    %get3A = arith.constant 0 : index
    %get3A_0 = arith.constant 0 : index
    %get3A_1 = vector.load %arg2[%get3A, %get3A_0] : memref<5000x2xf32, #tpu.memory_space<vmem>>, vector<5000x1xf32>
    %get3A_2 = vector.shape_cast %get3A_1 : vector<5000x1xf32> to vector<5000xf32>
    %get3A_3 = arith.constant 0 : index
    %get3A_4 = arith.constant 1 : index
    %get3A_5 = vector.load %arg2[%get3A_3, %get3A_4] : memref<5000x2xf32, #tpu.memory_space<vmem>>, vector<5000x1xf32>
    %get3A_6 = vector.shape_cast %get3A_5 : vector<5000x1xf32> to vector<5000xf32>
    %add3A = arith.addf %get3A_2, %get3A_6 : vector<5000xf32>
    %max3A = arith.constant 1.000000e+00 : f32
    %max3A_7 = vector.broadcast %max3A : f32 to vector<5000xf32>
    %max3A_8 = arith.maximumf %add3A, %max3A_7 : vector<5000xf32>
    %rsqrt3A = math.rsqrt %max3A_8 : vector<5000xf32>
    %get3A_9 = arith.constant 0 : index
    %get3A_10 = arith.constant 0 : index
    %get3A_11 = arith.constant 0 : index
    %get3A_12 = vector.load %arg1[%get3A_9, %get3A_10, %get3A_11] : memref<2x5000x128xf32, #tpu.memory_space<vmem>>, vector<1x5000x64xf32>
    %get3A_13 = vector.shape_cast %get3A_12 : vector<1x5000x64xf32> to vector<5000x64xf32>
    %get3A_14 = arith.constant 1 : index
    %get3A_15 = arith.constant 0 : index
    %get3A_16 = arith.constant 0 : index
    %get3A_17 = vector.load %arg1[%get3A_14, %get3A_15, %get3A_16] : memref<2x5000x128xf32, #tpu.memory_space<vmem>>, vector<1x5000x64xf32>
    %get3A_18 = vector.shape_cast %get3A_17 : vector<1x5000x64xf32> to vector<5000x64xf32>
    %add3A_19 = arith.addf %get3A_13, %get3A_18 : vector<5000x64xf32>
    %broadcast_in_dim3A = vector.shape_cast %rsqrt3A : vector<5000xf32> to vector<5000x1xf32>
    %mul3A = vector.broadcast %broadcast_in_dim3A : vector<5000x1xf32> to vector<5000x64xf32>
    %mul3A_20 = arith.mulf %add3A_19, %mul3A : vector<5000x64xf32>
    %get3A_21 = arith.constant 0 : index
    %get3A_22 = arith.constant 0 : index
    %get3A_23 = vector.load %arg3[%get3A_21, %get3A_22] : memref<1x64xf32, #tpu.memory_space<vmem>>, vector<1x64xf32>
    %add3A_24 = vector.broadcast %get3A_23 : vector<1x64xf32> to vector<5000x64xf32>
    %add3A_25 = arith.addf %mul3A_20, %add3A_24 : vector<5000x64xf32>
    %reduce_max3A = arith.constant dense<0xFF800000> : vector<5000xf32>
    %reduce_max3A_26 = vector.multi_reduction <maximumf>, %add3A_25, %reduce_max3A [1] : vector<5000x64xf32> to vector<5000xf32>
    %broadcast_in_dim3A_27 = vector.shape_cast %reduce_max3A_26 : vector<5000xf32> to vector<5000x1xf32>
    %sub3A = vector.broadcast %broadcast_in_dim3A_27 : vector<5000x1xf32> to vector<5000x64xf32>
    %sub3A_28 = arith.subf %add3A_25, %sub3A : vector<5000x64xf32>
    %exp3A = math.exp %sub3A_28 : vector<5000x64xf32>
    %reduce_sum3A = arith.constant dense<0.000000e+00> : vector<5000xf32>
    %reduce_sum3A_29 = vector.multi_reduction <add>, %exp3A, %reduce_sum3A [1] : vector<5000x64xf32> to vector<5000xf32>
    %broadcast_in_dim3A_30 = vector.shape_cast %reduce_sum3A_29 : vector<5000xf32> to vector<5000x1xf32>
    %log3A = math.log %broadcast_in_dim3A_30 : vector<5000x1xf32>
    %add3A_31 = arith.addf %log3A, %broadcast_in_dim3A_27 : vector<5000x1xf32>
    %sub3A_32 = vector.broadcast %add3A_31 : vector<5000x1xf32> to vector<5000x64xf32>
    %sub3A_33 = arith.subf %add3A_25, %sub3A_32 : vector<5000x64xf32>
    %swap3A = arith.constant 0 : index
    %swap3A_34 = arith.constant 0 : index
    %swap3A_35 = vector.load %arg4[%swap3A, %swap3A_34] : memref<5000x64xf32, #tpu.memory_space<vmem>>, vector<5000x64xf32>
    tpu.vector_store %arg4[%swap3A, %swap3A_34], %sub3A_33 {strides = array<i32>} : memref<5000x64xf32, #tpu.memory_space<vmem>>, vector<5000x64xf32>,
    return
  }
  func.func @transform_0(%arg0: i32) -> (i32, i32, i32) {
    %c0_i32 = arith.constant 0 : i32
    %c0_i32_0 = arith.constant 0 : i32
    %c0_i32_1 = arith.constant 0 : i32
    return %c0_i32, %arg0, %c0_i32_0 : i32, i32, i32
  }
  func.func @transform_1(%arg0: i32) -> (i32, i32) {
    %c0_i32 = arith.constant 0 : i32
    %c0_i32_0 = arith.constant 0 : i32
    return %arg0, %c0_i32 : i32, i32
  }
  func.func @transform_2(%arg0: i32) -> (i32, i32) {
    %c0_i32 = arith.constant 0 : i32
    %c0_i32_0 = arith.constant 0 : i32
    %c0_i32_1 = arith.constant 0 : i32
    return %c0_i32, %c0_i32_0 : i32, i32
  }
  func.func @transform_3(%arg0: i32) -> (i32, i32) {
    %c0_i32 = arith.constant 0 : i32
    %c0_i32_0 = arith.constant 0 : i32
    return %arg0, %c0_i32 : i32, i32
  }
}

</mosaic_0001>

<sc_bundles>
// kernel: kernel.10.cloned.1.call-start
scs
__scs_entry_jumppad:
0x0: {  	(pc) =	sbr.rel $0x88, $3  }
0x1: {  	(tag) =	ssettag $0x0;
	lr =	simm.s32 $0x1  }
0x2: {  	[smem:$0x3F99] =	sst lr;
	_ =	strace $0xD0000000  }
0x3: {  	_ = 	snop  }
0x4: {  	_ = 	snop  }
0x5: {  	_ = 	snop  }
0x6: {  	_ = 	snop  }
0x7: {  	_ = 	snop  }
__scs_overlays_trampoline_lowered:
0x8: {  	[smem:$0x3FA8] =	sst s0  }
0x9: {  	[smem:$0x3FA9] =	sst s1  }
0xa: {  	[smem:$0x3FAA] =	sst s2  }
0xb: {  	[smem:$0x3FAB] =	sst s3  }
0xc: {  	[smem:$0x3FAC] =	sst s4  }
0xd: {  	[smem:$0x3FAD] =	sst s5  }
0xe: {  	[smem:$0x3FAE] =	sst s6  }
0xf: {  	[smem:$0x3FAF] =	sst s7  }
0x10: {  	[smem:$0x3FB0] =	sst s8  }
0x11: {  	[smem:$0x3FB1] =	sst s9;
	s0 =	simm.s32 @!p0 $0x0  }
0x12: {  	s1 =	sld [smem:$0x3F97];
	s0 =	simm.s32 @p0 $0x1  }
0x13: {  	[smem:$0x3FB2] =	sst s0;
	s0 =	simm.s32 @!p1 $0x0  }
0x14: {  	s2 =	sld [smem:$0x3F96];
	s0 =	simm.s32 @p1 $0x1  }
0x15: {  	[smem:$0x3FB3] =	sst s0;
	s0 =	simm.s32 @!p2 $0x0  }
0x16: {  	s3 =	sld [smem:$0x3FDB];
	s0 =	simm.s32 @p2 $0x1  }
0x17: {  	s4 =	simm.s32 $0x1BF5;
	[smem:$0x3FB5] =	sst s0  }
0x18: {  	s0 =	sld [smem:$0x3F98];
	_ =	swait.ge [sflag:s4], $0x0  }
0x19: {  	s7 =	sld [smem:$0x3F99]  }
0x1a: {  	s8 =	sadd.s32 $0xFFFFE003, lr  }
0x1b: {  	s9 =	sadd.s32 $0xFFFFFEF7, lr;
	s5 =	simm.s32 $0xFFFFFFFF;
	p2 =	slt.u32 s8, $0xFFFFF086  }
0x1c: {  	p1 =	slt.u32 s9, $0xF7A;
	s5 =	simm.s32 @!p2 $0x0  }
0x1d: {  	s5 =	simm.s32 @p1 $0x1;
	p0 =	seq.s32 s7, s2  }
0x1e: {  	s7 =	smul.u32 @!p0 $0xF7A, s2;
	p2 =	seq.s32 @!p0 s5, $0x0  }
0x1f: {  	s9 =	smul.u32 $0xF7A, s1;
	s8 =	simm.s32 @!p0 $0x1BF5;
	p2 =	por !p2, p0  }
0x20: {  	[sflag:s8] =	ssyncset.s32 @!p0 $0xFFFFF086;
	s6 =	sadd.s32 @!p0 s3, s7;
	s7 =	simm.s32 @!p0 $0x108  }
0x21: {  	s3 =	sadd.s32 s3, s9;
	s6 =	sadd.s32 @!p0 $0x88, s6;
	s7 =	simm.s32 @p2 $0x1082  }
0x22: {  	[simem:s7], [sflag:s8] =	dma.local @!p0 [hbm:s6], $0xF7A  }
0x23: {  	s9 =	sor.u32 $0xD0000000, s2;
	s6 =	simm.s32 $0x108;
	_ =	swait.ge @!p0 [sflag:s8], $0x0  }
0x24: {  	s3 =	sadd.s32 $0x88, s3;
	s6 =	simm.s32 @!p1 $0x1082;
	[sflag:s4] =	ssyncset.s32 $0xFFFFF086  }
0x25: {  	[simem:s6], [sflag:s4] =	dma.local [hbm:s3], $0xF7A  }
0x26: {  	[smem:$0x3F99] =	sst s1;
	(tag) =	ssettag s2;
	_ =	strace s9  }
0x27: {  	s1 =	sld [smem:$0x3FA9]  }
0x28: {  	s2 =	sld [smem:$0x3FAA]  }
0x29: {  	s4 =	sld [smem:$0x3FAC]  }
0x2a: {  	p0 =	seq.s32 s5, $0x0;
	s5 =	sld [smem:$0x3FAD]  }
0x2b: {  	s6 =	sld [smem:$0x3FAE]  }
0x2c: {  	s7 =	sld [smem:$0x3FAF]  }
0x2d: {  	s3 =	simm.s32 $0x108;
	s8 =	sld [smem:$0x3FB0]  }
0x2e: {  	s3 =	simm.s32 @!p0 $0x1082;
	s9 =	sld [smem:$0x3FB1]  }
0x2f: {  	lr =	sadd.s32 s0, s3;
	s0 =	sld [smem:$0x3FA8]  }
0x30: {  	s3 =	sld [smem:$0x3FAB]  }
0x31: {  	[smem:$0x3FB4] =	sst s10  }
0x32: {  	s10 =	sld [smem:$0x3FB2];
	_ =	sdelay $0x3  }
0x33: {  	p0 =	seq.s32 s10, $0x1;
	s10 =	sld [smem:$0x3FB4];
	_ =	sdelay $0x3  }
0x34: {  	[smem:$0x3FB4] =	sst s10  }
0x35: {  	s10 =	sld [smem:$0x3FB3];
	_ =	sdelay $0x3  }
0x36: {  	p1 =	seq.s32 s10, $0x1;
	s10 =	sld [smem:$0x3FB4];
	_ =	sdelay $0x3  }
0x37: {  	[smem:$0x3FB4] =	sst s10  }
0x38: {  	s10 =	sld [smem:$0x3FB5]  }
0x39: {  	_ = 	snop;
	(pc) =	sbr.ind lr, $3  }
0x3a: {  	_ = 	snop  }
0x3b: {  	_ = 	snop  }
0x3c: {  	p2 =	seq.s32 s10, $0x1;
	s10 =	sld [smem:$0x3FB4]  }
0x3d: {  	_ =	shalt  }
0x3e: {  	_ =	shalt  }
0x3f: {  	_ =	shalt  }
0x40: {  	_ =	shalt  }
0x41: {  	_ =	shalt  }
0x42: {  	_ =	shalt  }
0x43: {  	_ =	shalt  }
0x44: {  	_ =	shalt  }
0x45: {  	_ =	shalt  }
0x46: {  	_ =	shalt  }
0x47: {  	_ =	shalt  }
0x48: {  	_ =	shalt  }
0x49: {  	_ =	shalt  }
0x4a: {  	_ =	shalt  }
0x4b: {  	_ =	shalt  }
0x4c: {  	_ =	shalt  }
0x4d: {  	_ =	shalt  }
0x4e: {  	_ =	shalt  }
0x4f: {  	_ =	shalt  }
0x50: {  	_ =	shalt  }
0x51: {  	_ =	shalt  }
0x52: {  	_ =	shalt  }
0x53: {  	_ =	shalt  }
0x54: {  	_ =	shalt  }
0x55: {  	_ =	shalt  }
0x56: {  	_ =	shalt  }
0x57: {  	_ =	shalt  }
0x58: {  	_ =	shalt  }
0x59: {  	_ =	shalt  }
0x5a: {  	_ =	shalt  }
0x5b: {  	_ =	shalt  }
0x5c: {  	_ =	shalt  }
0x5d: {  	_ =	shalt  }
0x5e: {  	_ =	shalt  }
0x5f: {  	_ =	shalt  }
0x60: {  	_ =	shalt  }
0x61: {  	_ =	shalt  }
0x62: {  	_ =	shalt  }
0x63: {  	_ =	shalt  }
0x64: {  	_ =	shalt  }
0x65: {  	_ =	shalt  }
0x66: {  	_ =	shalt  }
0x67: {  	_ =	shalt  }
0x68: {  	_ =	shalt  }
0x69: {  	_ =	shalt  }
0x6a: {  	_ =	shalt  }
0x6b: {  	_ =	shalt  }
0x6c: {  	_ =	shalt  }
0x6d: {  	_ =	shalt  }
0x6e: {  	_ =	shalt  }
0x6f: {  	_ =	shalt  }
0x70: {  	_ =	shalt  }
0x71: {  	_ =	shalt  }
0x72: {  	_ =	shalt  }
0x73: {  	_ =	shalt  }
0x74: {  	_ =	shalt  }
0x75: {  	_ =	shalt  }
0x76: {  	_ =	shalt  }
0x77: {  	_ =	shalt  }
0x78: {  	_ =	shalt  }
0x79: {  	_ =	shalt  }
0x7a: {  	_ =	shalt  }
0x7b: {  	_ =	shalt  }
0x7c: {  	_ =	shalt  }
0x7d: {  	_ =	shalt  }
0x7e: {  	_ =	shalt  }
0x7f: {  	_ =	shalt  }
0x80: {  	_ =	shalt  }
0x81: {  	_ =	shalt  }
0x82: {  	_ =	shalt  }
0x83: {  	_ =	shalt  }
0x84: {  	_ =	shalt  }
0x85: {  	_ =	shalt  }
0x86: {  	_ =	shalt  }
0x87: {  	_ =	shalt  }
.Lfunc_end0:
.L_simem_size_0:
called_computation_lowered:
.L_overlay_start_0:
0x88: {  	s2 =	sld [smem:$0x3FD9]  }
0x89: {  	s3 =	sld [smem:$0x3FFE];
	_ =	sdelay $0x1  }
0x8a: {  	s1 =	srdreg.scid  }
0x8b: {  	s0 =	sand.u32 $0x1, s1  }
0x8c: {  	s17 =	sshll.u32 s0, $0xA;
	s2 =	sadd.s32 s3, s2  }
0x8d: {  	s2 =	sadd.s32 s2, s17  }
0x8e: {  	[smem:$0x3FC0] =	sst s2  }
0x8f: {  	_ = 	snop  }
0x90: {  	s2 =	sld [smem:$0x3FD0];
	(tm) =	ssettm $0x1  }
0x91: {  	s18 =	sld [smem:$0x3FFB];
	_ =	sdelay $0x3  }
0x92: {  	_ =	strace s18  }
0x93: {  	s3 =	sld [smem:$0x3FFC];
	_ =	sdelay $0x3  }
0x94: {  	_ =	strace s3  }
0x95: {  	s3 =	sld [smem:$0x3FFD];
	_ =	sdelay $0x3  }
0x96: {  	_ =	strace s3  }
0x97: {  	_ =	strace $0x8FFFFFFF  }
0x98: {  	s19 =	sld [smem:$0x3FDB];
	_ =	sdelay $0x1  }
0x99: {  	s4 =	simm.s32 $_scs_section_size  }
0x9a: {  	s5 =	simm.s32 $_size__tile_overlayer_lowered;
	s6 =	simm.s32 $_tile_overlayer_lowered  }
0x9b: {  	s22 =	simm.s32 $0x1BFF;
	s21 =	sshll.u32 s6, $0x1;
	s3 =	sadd.s32 s4, s19  }
0x9c: {  	s7 =	simm.s32 $0x0;
	s20 =	sshll.u32 s5, $0x1;
	s5 =	sadd.s32 s21, s3  }
0x9d: {  	[timem:s7], [sflag:s22] =	dma.local [hbm:s5], s20  }
0x9e: {  	_ =	swait.ge [sflag:s22], s20  }
0x9f: {  	s4 =	ssub.s32 $0x0, s20;
	[sflag:s22] =	ssyncset.done $0x0  }
0xa0: {  	[sflag:s22] =	ssyncadd.s32 s4;
	_ =	sdelay $0x1  }
0xa1: {  	s23 =	simm.s32 $0x1B8B  }
0xa2: {  	_ =	swait.ge [sflag:s23], $0x1  }
0xa3: {  	[sflag:s23] =	ssyncset.done $0x0  }
0xa4: {  	s25 =	simm.s32 $0x1B8E;
	s24 =	sld [smem:$0x3FFE];
	[sflag:s23] =	ssyncadd.s32 $0xFFFFFFFF  }
0xa5: {  	s26 =	simm.s32 $execute0_lowered;
	[smem:$0x3FD2] =	sst s25  }
0xa6: {  	s5 =	sshll.u32 s26, $0x1;
	_ =	strace $0x80000046;
	[dreg:$0x1] =	wrdreg $0xFFFFFFFF  }
0xa7: {  	s28 =	simm.s32 $_size_execute0_lowered;
	s3 =	sadd.s32 s3, s5;
	[dreg:$0x0] =	wrdreg $0x0  }
0xa8: {  	s5 =	sshll.u32 s28, $0x1;
	[dreg:$0x2] =	wrdreg s3  }
0xa9: {  	[dreg:$0x3] =	wrdreg s5  }
0xaa: {  	[dreg:$0x4] =	wrdreg $0xC0  }
0xab: {  	_ =	task [dreg:s7], $0x5FFFF  }
0xac: {  	[dreg:$0x1] =	wrdreg $0xFFFFFFFF  }
0xad: {  	[dreg:$0x0] =	wrdreg $0x60  }
0xae: {  	[dreg:$0x2] =	wrdreg s2  }
0xaf: {  	[dreg:$0x3] =	wrdreg s24  }
0xb0: {  	[dreg:$0x4] =	wrdreg $0x2B000  }
0xb1: {  	[dreg:$0x5] =	wrdreg $0x9  }
0xb2: {  	_ =	task.clear_ibuf [dreg:s7], $0x6FFFF;
	_ =	strace $0x90000046  }
0xb3: {  	s29 =	simm.s32 $0x9;
	_ =	strace $0x80000048  }
0xb4: {  	_ =	swait.ge [sflag:s29], $0x1  }
0xb5: {  	[sflag:s29] =	ssyncadd.s32 $0xFFFFFFFF  }
0xb6: {  	_ =	strace $0x90000048  }
0xb7: {  	_ =	sfence  }
0xb8: {  	s30 =	sld [smem:$0x0];
	_ =	sdelay $0x2  }
0xb9: {  	s31 =	sshll.u32 s1, $0xD;
	s1 =	sshrl.u32 s1, $0x2  }
0xba: {  	s3 =	sand.u32 $0x4000, s31;
	s1 =	sadd.s32 s1, s30  }
0xbb: {  	s0 =	sor.u32 s3, s0;
	s1 =	sshll.u32 s1, $0x11  }
0xbc: {  	s0 =	sor.u32 s1, s0  }
0xbd: {  	s0 =	sadd.s32 $0x8F2B, s0  }
0xbe: {  	[sflag:s0] =	ssyncadd.remote.s32 $0x1  }
0xbf: {  	_ =	sfence.sel $0xFFFF  }
0xc0: {  	[dreg:$0x0] =	wrdreg $0xFFFFFFFF;
	(pc) =	sbr.abs _section_cstart, $3  }
0xc1: {  	[dreg:$0x1] =	wrdreg $0xFFFFFFFF  }
0xc2: {  	_ =	task.clear_ibuf [dreg:s7], $0x2FFFF;
	_ =	strace $0x9FFFFFFF  }
0xc3: {  	(tm) =	ssettm $0x7FFFFFFF  }
tec
execute0_lowered:
.L_overlay_start_1:
0x0: {  	(tag) =	ssettag $0x1  }
0x1: {  	s4 =	rddreg [dreg:$0x0]  }
0x2: {  	s5 =	rddreg [dreg:$0x1]  }
0x3: {  	s2 =	rddreg [dreg:$0x2]  }
0x4: {  	s0 =	rddreg [dreg:$0x3];
	s6 =	srdreg.scid  }
0x5: {  	s1 =	stileid.u32;
	s3 =	simm.s32 $0x0;
	s11 =	simm.s32 $0x2800  }
0x6: {  	s12 =	simm.s32 $0x1;
	s15 =	simm.s32 $0x20;
	s16 =	simm.s32 $0x10  }
0x7: {  	s17 =	simm.s32 $0x0;
	s6 =	sand.u32 $0x1, s6;
	s7 =	smul.u32 $0x500, s1  }
0x8: {  	[smem:$0x7FF] =	sst s3;
	s9 =	smul.u32 $0xA00, s1;
	s13 =	sshll.u32 s1, $0x6  }
0x9: {  	s8 =	sshll.u32 s6, $0x7;
	_ =	strace $0x80000047;
	s30 =	sshll.u32 s6, $0x4  }
0xa: {  	s6 =	ssub.s32 $0x2, s6;
	s13 =	sor.u32 $0x1C02, s13;
	s7 =	sor.u32 s8, s7  }
0xb: {  	s8 =	sor.u32 s1, s30;
	s10 =	sshrl.u32 s6, $0x1;
	s31 =	sshrl.u32 s9, $0x2  }
0xc: {  	s9 =	simm.s32 $0x2880;
	s7 =	sshrl.u32 s7, $0x3;
	s8 =	smul.u32 $0x500, s8  }
0xd: {  	s10 =	ssub.s32 s6, s10;
	s7 =	sadd.s32 s7, s5;
	s5 =	sadd.s32 s31, s2  }
0xe: {  	s4 =	sadd.s32 s4, s8;
	s6 =	sadd.s32 $0x2800, s7;
	s7 =	smax.u32 s10, $0x1  }
0xf: {  	v0 =	vimm.f32 $1.000000000e+00;
	v1 =	vimm.f32 $0.0e+00;
	s8 =	simm.s32 $0x2;
	s10 =	simm.s32 $0x7D;
	s14 =	sshrl.u32 s5, $0x3  }
.LBB2_1:
0x10: {  	[tilespmem:s3], [sflag:$0x2] =	stream.linear.gather [hbm4b:s4+s3], $0x2800, $0x38;
	[tilespmem:$0x2D80] =	vst v63  }
0x11: {  	_ =	swait.ge [sflag:s8], $0x2800  }
0x12: {  	[sflag:s8] =	ssyncset.done $0x0  }
0x13: {  	[sflag:s8] =	ssyncadd.s32 $0xFFFFD800  }
0x14: {  	[tilespmem:$0x2800] =	vst v0  }
0x15: {  	[tilespmem:$0x2810] =	vst v0  }
0x16: {  	[tilespmem:$0x2820] =	vst v0  }
0x17: {  	[tilespmem:$0x2830] =	vst v0  }
0x18: {  	[tilespmem:$0x2840] =	vst v0  }
0x19: {  	[tilespmem:$0x2850] =	vst v0  }
0x1a: {  	[tilespmem:$0x2860] =	vst v0  }
0x1b: {  	[tilespmem:$0x2870] =	vst v0  }
0x1c: {  	[tilespmem:$0x2880] =	vst v1  }
0x1d: {  	[tilespmem:$0x2890] =	vst v1  }
0x1e: {  	[tilespmem:$0x28A0] =	vst v1  }
0x1f: {  	[tilespmem:$0x28B0] =	vst v1  }
0x20: {  	[tilespmem:$0x28C0] =	vst v1  }
0x21: {  	[tilespmem:$0x28D0] =	vst v1  }
0x22: {  	[tilespmem:$0x28E0] =	vst v1  }
0x23: {  	[tilespmem:$0x28F0] =	vst v1  }
0x24: {  	[tilespmem:$0x2900] =	vst v1  }
0x25: {  	[tilespmem:$0x2910] =	vst v1  }
0x26: {  	[tilespmem:$0x2920] =	vst v1  }
0x27: {  	[tilespmem:$0x2930] =	vst v1  }
0x28: {  	[tilespmem:$0x2940] =	vst v1  }
0x29: {  	[tilespmem:$0x2950] =	vst v1  }
0x2a: {  	[tilespmem:$0x2960] =	vst v1  }
0x2b: {  	[tilespmem:$0x2970] =	vst v1  }
0x2c: {  	[tilespmem:$0x2980] =	vst v1  }
0x2d: {  	[tilespmem:$0x2990] =	vst v1  }
0x2e: {  	[tilespmem:$0x29A0] =	vst v1  }
0x2f: {  	[tilespmem:$0x29B0] =	vst v1  }
0x30: {  	[tilespmem:$0x29C0] =	vst v1  }
0x31: {  	[tilespmem:$0x29D0] =	vst v1  }
0x32: {  	[tilespmem:$0x29E0] =	vst v1  }
0x33: {  	[tilespmem:$0x29F0] =	vst v1  }
0x34: {  	[tilespmem:$0x2A00] =	vst v1  }
0x35: {  	[tilespmem:$0x2A10] =	vst v1  }
0x36: {  	[tilespmem:$0x2A20] =	vst v1  }
0x37: {  	[tilespmem:$0x2A30] =	vst v1  }
0x38: {  	[tilespmem:$0x2A40] =	vst v1  }
0x39: {  	[tilespmem:$0x2A50] =	vst v1  }
0x3a: {  	[tilespmem:$0x2A60] =	vst v1  }
0x3b: {  	[tilespmem:$0x2A70] =	vst v1  }
0x3c: {  	[tilespmem:$0x2A80] =	vst v1  }
0x3d: {  	[tilespmem:$0x2A90] =	vst v1  }
0x3e: {  	[tilespmem:$0x2AA0] =	vst v1  }
0x3f: {  	[tilespmem:$0x2AB0] =	vst v1  }
0x40: {  	[tilespmem:$0x2AC0] =	vst v1  }
0x41: {  	[tilespmem:$0x2AD0] =	vst v1  }
0x42: {  	[tilespmem:$0x2AE0] =	vst v1  }
0x43: {  	[tilespmem:$0x2AF0] =	vst v1  }
0x44: {  	[spmem:s5] =	stream.linear.scatter [tilespmem:s9], [sflag:$0x2], $0x280, $0x38;
	[tilespmem:$0x2D80] =	vst v63  }
0x45: {  	_ =	swait.ge [sflag:s8], $0x280  }
0x46: {  	[sflag:s8] =	ssyncset.done $0x0  }
0x47: {  	[sflag:s8] =	ssyncadd.s32 $0xFFFFFD80  }
0x48: {  	s18 =	simm.s32 $0x0;
	[bflag:$0x0] =	sbarrier.arrive $0xFFFF  }
.LBB2_2:
0x49: {  	p0 =	sne.s32 s18, $0x9E00  }
.Ltmp0:
0x4a: {  	_ = 	snop;
	(pc) =	sbr.rel @p0 .LBB2_2-.Ltmp0, $3  }
0x4b: {  	_ =	sdelay $0x1  }
0x4c: {  	s19 =	sshra.s32 s18, $0x2;
	s18 =	sadd.s32 $0x200, s18  }
0x4d: {  	[spmem:s2] =	stream.indirect.scatter.add.f32 [tilespmem:s11], [sflag:$0x1], $0x1, s19, s10, $0xb8;
	[tilespmem:$0x2D80] =	vst v63  }
0x4e: {  	_ =	swait.ge [sflag:s12], $0x7D  }
0x4f: {  	s18 =	simm.s32 $0x4F;
	[sflag:s12] =	ssyncset.done $0x0  }
.LBB2_4:
0x50: {  	p0 =	sne.s32 s18, $0x1;
	s18 =	sadd.s32 $0xFFFFFFFF, s18;
	[sflag:s12] =	ssyncadd.s32 $0xFFFFFF83  }
.Ltmp1:
0x51: {  	(pc) =	sbr.rel @p0 .LBB2_4-.Ltmp1, $3  }
0x52: {  	_ =	sdelay $0x1  }
0x53: {  	_ =	swait.ge [sflag:s12], $0x7D  }
0x54: {  	[sflag:s12] =	ssyncset.done $0x0  }
0x55: {  	s17 =	sadd.s32 $0x1, s17  }
0x56: {  	[sflag:s12] =	ssyncadd.s32 $0xFFFFFF83;
	p0 =	sne.s32 s17, s7  }
.Ltmp2:
0x57: {  	[bflag:$0x0] =	sbarrier.arrive $0xFFFF;
	(pc) =	sbr.rel @p0 .LBB2_1-.Ltmp2, $4  }
0x58: {  	[hbm:s6@s15], [sflag:s13] =	dma.strided [spmem:s14@s16], $0x50, s12, $0x10   }
0x59: {  	_ =	swait.ge [sflag:s8], $0x50  }
0x5a: {  	[sflag:s8] =	ssyncset.done $0x0  }
0x5b: {  	[sflag:s8] =	ssyncadd.s32 $0xFFFFFFB0  }
0x5c: {  	_ =	sfence.sel $0x180000  }
0x5d: {  	[bflag:$0x0] =	sbarrier.arrive $0xFFFF  }
0x5e: {  	p0 =	sne.s32 s1, $0x0;
	_ =	strace $0x90000047  }
0x5f: {  	s0 =	sadd.s32 @!p0 $0x100000, s0;
	[bflag:$0x2] =	sbarrier.arrive $0xFFFF  }
0x60: {  	[sflag:s0] =	ssyncadd.tile.s32 @!p0 $0x1;
	_ =	shalt  }
.Lfunc_end2:
_tile_overlayer_lowered:
.L_overlay_start_2:
0x61: {  	(tag) =	ssettag $0x2  }
0x62: {  	s0 =	rddreg [dreg:$0x0];
	s2 =	stileid.u32  }
0x63: {  	s1 =	rddreg [dreg:$0x1];
	p0 =	sne.s32 s2, $0x0  }
0x64: {  	s3 =	rddreg [dreg:$0x2];
	[bflag:$0x3] =	sbarrier.arrive $0xFFFF;
	s2 =	simm.s32 @!p0 $0x1C02  }
0x65: {  	[timem:s3], [sflag:s2] =	dma.local @!p0 [hbm:s0], s1  }
0x66: {  	s0 =	simm.s32 @!p0 $0x2  }
0x67: {  	_ =	swait.ge @!p0 [sflag:s0], s1  }
0x68: {  	s1 =	ssub.s32 @!p0 $0x0, s1;
	[sflag:s0] =	ssyncset.done @!p0 $0x0  }
0x69: {  	[sflag:s0] =	ssyncadd.s32 @!p0 s1  }
0x6a: {  	[bflag:$0x3] =	sbarrier.arrive $0xFFFF  }
0x6b: {  	_ =	shalt  }

// kernel: kernel.13.cloned.1.call-start
scs
__scs_entry_jumppad:
0x0: {  	(pc) =	sbr.rel $0x88, $3  }
0x1: {  	(tag) =	ssettag $0x0;
	lr =	simm.s32 $0x1  }
0x2: {  	[smem:$0x3F99] =	sst lr;
	_ =	strace $0xD0000000  }
0x3: {  	_ = 	snop  }
0x4: {  	_ = 	snop  }
0x5: {  	_ = 	snop  }
0x6: {  	_ = 	snop  }
0x7: {  	_ = 	snop  }
__scs_overlays_trampoline_lowered:
0x8: {  	[smem:$0x3FA8] =	sst s0  }
0x9: {  	[smem:$0x3FA9] =	sst s1  }
0xa: {  	[smem:$0x3FAA] =	sst s2  }
0xb: {  	[smem:$0x3FAB] =	sst s3  }
0xc: {  	[smem:$0x3FAC] =	sst s4  }
0xd: {  	[smem:$0x3FAD] =	sst s5  }
0xe: {  	[smem:$0x3FAE] =	sst s6  }
0xf: {  	[smem:$0x3FAF] =	sst s7  }
0x10: {  	[smem:$0x3FB0] =	sst s8  }
0x11: {  	[smem:$0x3FB1] =	sst s9;
	s0 =	simm.s32 @!p0 $0x0  }
0x12: {  	s1 =	sld [smem:$0x3F97];
	s0 =	simm.s32 @p0 $0x1  }
0x13: {  	[smem:$0x3FB2] =	sst s0;
	s0 =	simm.s32 @!p1 $0x0  }
0x14: {  	s2 =	sld [smem:$0x3F96];
	s0 =	simm.s32 @p1 $0x1  }
0x15: {  	[smem:$0x3FB3] =	sst s0;
	s0 =	simm.s32 @!p2 $0x0  }
0x16: {  	s3 =	sld [smem:$0x3FDB];
	s0 =	simm.s32 @p2 $0x1  }
0x17: {  	s4 =	simm.s32 $0x1BF5;
	[smem:$0x3FB5] =	sst s0  }
0x18: {  	s0 =	sld [smem:$0x3F98];
	_ =	swait.ge [sflag:s4], $0x0  }
0x19: {  	s7 =	sld [smem:$0x3F99]  }
0x1a: {  	s8 =	sadd.s32 $0xFFFFE003, lr  }
0x1b: {  	s9 =	sadd.s32 $0xFFFFFEF7, lr;
	s5 =	simm.s32 $0xFFFFFFFF;
	p2 =	slt.u32 s8, $0xFFFFF086  }
0x1c: {  	p1 =	slt.u32 s9, $0xF7A;
	s5 =	simm.s32 @!p2 $0x0  }
0x1d: {  	s5 =	simm.s32 @p1 $0x1;
	p0 =	seq.s32 s7, s2  }
0x1e: {  	s7 =	smul.u32 @!p0 $0xF7A, s2;
	p2 =	seq.s32 @!p0 s5, $0x0  }
0x1f: {  	s9 =	smul.u32 $0xF7A, s1;
	s8 =	simm.s32 @!p0 $0x1BF5;
	p2 =	por !p2, p0  }
0x20: {  	[sflag:s8] =	ssyncset.s32 @!p0 $0xFFFFF086;
	s6 =	sadd.s32 @!p0 s3, s7;
	s7 =	simm.s32 @!p0 $0x108  }
0x21: {  	s3 =	sadd.s32 s3, s9;
	s6 =	sadd.s32 @!p0 $0x88, s6;
	s7 =	simm.s32 @p2 $0x1082  }
0x22: {  	[simem:s7], [sflag:s8] =	dma.local @!p0 [hbm:s6], $0xF7A  }
0x23: {  	s9 =	sor.u32 $0xD0000000, s2;
	s6 =	simm.s32 $0x108;
	_ =	swait.ge @!p0 [sflag:s8], $0x0  }
0x24: {  	s3 =	sadd.s32 $0x88, s3;
	s6 =	simm.s32 @!p1 $0x1082;
	[sflag:s4] =	ssyncset.s32 $0xFFFFF086  }
0x25: {  	[simem:s6], [sflag:s4] =	dma.local [hbm:s3], $0xF7A  }
0x26: {  	[smem:$0x3F99] =	sst s1;
	(tag) =	ssettag s2;
	_ =	strace s9  }
0x27: {  	s1 =	sld [smem:$0x3FA9]  }
0x28: {  	s2 =	sld [smem:$0x3FAA]  }
0x29: {  	s4 =	sld [smem:$0x3FAC]  }
0x2a: {  	p0 =	seq.s32 s5, $0x0;
	s5 =	sld [smem:$0x3FAD]  }
0x2b: {  	s6 =	sld [smem:$0x3FAE]  }
0x2c: {  	s7 =	sld [smem:$0x3FAF]  }
0x2d: {  	s3 =	simm.s32 $0x108;
	s8 =	sld [smem:$0x3FB0]  }
0x2e: {  	s3 =	simm.s32 @!p0 $0x1082;
	s9 =	sld [smem:$0x3FB1]  }
0x2f: {  	lr =	sadd.s32 s0, s3;
	s0 =	sld [smem:$0x3FA8]  }
0x30: {  	s3 =	sld [smem:$0x3FAB]  }
0x31: {  	[smem:$0x3FB4] =	sst s10  }
0x32: {  	s10 =	sld [smem:$0x3FB2];
	_ =	sdelay $0x3  }
0x33: {  	p0 =	seq.s32 s10, $0x1;
	s10 =	sld [smem:$0x3FB4];
	_ =	sdelay $0x3  }
0x34: {  	[smem:$0x3FB4] =	sst s10  }
0x35: {  	s10 =	sld [smem:$0x3FB3];
	_ =	sdelay $0x3  }
0x36: {  	p1 =	seq.s32 s10, $0x1;
	s10 =	sld [smem:$0x3FB4];
	_ =	sdelay $0x3  }
0x37: {  	[smem:$0x3FB4] =	sst s10  }
0x38: {  	s10 =	sld [smem:$0x3FB5]  }
0x39: {  	_ = 	snop;
	(pc) =	sbr.ind lr, $3  }
0x3a: {  	_ = 	snop  }
0x3b: {  	_ = 	snop  }
0x3c: {  	p2 =	seq.s32 s10, $0x1;
	s10 =	sld [smem:$0x3FB4]  }
0x3d: {  	_ =	shalt  }
0x3e: {  	_ =	shalt  }
0x3f: {  	_ =	shalt  }
0x40: {  	_ =	shalt  }
0x41: {  	_ =	shalt  }
0x42: {  	_ =	shalt  }
0x43: {  	_ =	shalt  }
0x44: {  	_ =	shalt  }
0x45: {  	_ =	shalt  }
0x46: {  	_ =	shalt  }
0x47: {  	_ =	shalt  }
0x48: {  	_ =	shalt  }
0x49: {  	_ =	shalt  }
0x4a: {  	_ =	shalt  }
0x4b: {  	_ =	shalt  }
0x4c: {  	_ =	shalt  }
0x4d: {  	_ =	shalt  }
0x4e: {  	_ =	shalt  }
0x4f: {  	_ =	shalt  }
0x50: {  	_ =	shalt  }
0x51: {  	_ =	shalt  }
0x52: {  	_ =	shalt  }
0x53: {  	_ =	shalt  }
0x54: {  	_ =	shalt  }
0x55: {  	_ =	shalt  }
0x56: {  	_ =	shalt  }
0x57: {  	_ =	shalt  }
0x58: {  	_ =	shalt  }
0x59: {  	_ =	shalt  }
0x5a: {  	_ =	shalt  }
0x5b: {  	_ =	shalt  }
0x5c: {  	_ =	shalt  }
0x5d: {  	_ =	shalt  }
0x5e: {  	_ =	shalt  }
0x5f: {  	_ =	shalt  }
0x60: {  	_ =	shalt  }
0x61: {  	_ =	shalt  }
0x62: {  	_ =	shalt  }
0x63: {  	_ =	shalt  }
0x64: {  	_ =	shalt  }
0x65: {  	_ =	shalt  }
0x66: {  	_ =	shalt  }
0x67: {  	_ =	shalt  }
0x68: {  	_ =	shalt  }
0x69: {  	_ =	shalt  }
0x6a: {  	_ =	shalt  }
0x6b: {  	_ =	shalt  }
0x6c: {  	_ =	shalt  }
0x6d: {  	_ =	shalt  }
0x6e: {  	_ =	shalt  }
0x6f: {  	_ =	shalt  }
0x70: {  	_ =	shalt  }
0x71: {  	_ =	shalt  }
0x72: {  	_ =	shalt  }
0x73: {  	_ =	shalt  }
0x74: {  	_ =	shalt  }
0x75: {  	_ =	shalt  }
0x76: {  	_ =	shalt  }
0x77: {  	_ =	shalt  }
0x78: {  	_ =	shalt  }
0x79: {  	_ =	shalt  }
0x7a: {  	_ =	shalt  }
0x7b: {  	_ =	shalt  }
0x7c: {  	_ =	shalt  }
0x7d: {  	_ =	shalt  }
0x7e: {  	_ =	shalt  }
0x7f: {  	_ =	shalt  }
0x80: {  	_ =	shalt  }
0x81: {  	_ =	shalt  }
0x82: {  	_ =	shalt  }
0x83: {  	_ =	shalt  }
0x84: {  	_ =	shalt  }
0x85: {  	_ =	shalt  }
0x86: {  	_ =	shalt  }
0x87: {  	_ =	shalt  }
.Lfunc_end0:
.L_simem_size_0:
called_computation.1_lowered:
.L_overlay_start_0:
0x88: {  	s2 =	sld [smem:$0x3FD9]  }
0x89: {  	s3 =	sld [smem:$0x3FFE];
	_ =	sdelay $0x1  }
0x8a: {  	s1 =	srdreg.scid  }
0x8b: {  	s0 =	sand.u32 $0x1, s1  }
0x8c: {  	s17 =	sshll.u32 s0, $0xA;
	s2 =	sadd.s32 s3, s2  }
0x8d: {  	s2 =	sadd.s32 s2, s17  }
0x8e: {  	[smem:$0x3FC0] =	sst s2  }
0x8f: {  	_ = 	snop  }
0x90: {  	s2 =	sld [smem:$0x3FD0];
	(tm) =	ssettm $0x1  }
0x91: {  	s18 =	sld [smem:$0x3FFB];
	_ =	sdelay $0x3  }
0x92: {  	_ =	strace s18  }
0x93: {  	s3 =	sld [smem:$0x3FFC];
	_ =	sdelay $0x3  }
0x94: {  	_ =	strace s3  }
0x95: {  	s3 =	sld [smem:$0x3FFD];
	_ =	sdelay $0x3  }
0x96: {  	_ =	strace s3  }
0x97: {  	_ =	strace $0x8FFFFFFF  }
0x98: {  	s19 =	sld [smem:$0x3FDB];
	_ =	sdelay $0x1  }
0x99: {  	s4 =	simm.s32 $_scs_section_size  }
0x9a: {  	s5 =	simm.s32 $_size__tile_overlayer_lowered;
	s6 =	simm.s32 $_tile_overlayer_lowered  }
0x9b: {  	s22 =	simm.s32 $0x1BFF;
	s21 =	sshll.u32 s6, $0x1;
	s3 =	sadd.s32 s4, s19  }
0x9c: {  	s7 =	simm.s32 $0x0;
	s20 =	sshll.u32 s5, $0x1;
	s5 =	sadd.s32 s21, s3  }
0x9d: {  	[timem:s7], [sflag:s22] =	dma.local [hbm:s5], s20  }
0x9e: {  	_ =	swait.ge [sflag:s22], s20  }
0x9f: {  	s4 =	ssub.s32 $0x0, s20;
	[sflag:s22] =	ssyncset.done $0x0  }
0xa0: {  	[sflag:s22] =	ssyncadd.s32 s4;
	_ =	sdelay $0x1  }
0xa1: {  	s23 =	simm.s32 $0x1B8B  }
0xa2: {  	_ =	swait.ge [sflag:s23], $0x1  }
0xa3: {  	[sflag:s23] =	ssyncset.done $0x0  }
0xa4: {  	s25 =	simm.s32 $0x1B8E;
	s24 =	sld [smem:$0x3FFE];
	[sflag:s23] =	ssyncadd.s32 $0xFFFFFFFF  }
0xa5: {  	s26 =	simm.s32 $execute0_lowered;
	[smem:$0x3FD2] =	sst s25  }
0xa6: {  	s5 =	sshll.u32 s26, $0x1;
	_ =	strace $0x80000049;
	[dreg:$0x1] =	wrdreg $0xFFFFFFFF  }
0xa7: {  	s28 =	simm.s32 $_size_execute0_lowered;
	s3 =	sadd.s32 s3, s5;
	[dreg:$0x0] =	wrdreg $0x0  }
0xa8: {  	s5 =	sshll.u32 s28, $0x1;
	[dreg:$0x2] =	wrdreg s3  }
0xa9: {  	[dreg:$0x3] =	wrdreg s5  }
0xaa: {  	[dreg:$0x4] =	wrdreg $0xC0  }
0xab: {  	_ =	task [dreg:s7], $0x5FFFF  }
0xac: {  	[dreg:$0x1] =	wrdreg $0xFFFFFFFF  }
0xad: {  	[dreg:$0x0] =	wrdreg $0x60  }
0xae: {  	[dreg:$0x2] =	wrdreg s24  }
0xaf: {  	[dreg:$0x3] =	wrdreg s2  }
0xb0: {  	[dreg:$0x4] =	wrdreg $0xA8000  }
0xb1: {  	[dreg:$0x5] =	wrdreg $0x9  }
0xb2: {  	_ =	task.clear_ibuf [dreg:s7], $0x6FFFF;
	_ =	strace $0x90000049  }
0xb3: {  	s29 =	simm.s32 $0x9;
	_ =	strace $0x8000004B  }
0xb4: {  	_ =	swait.ge [sflag:s29], $0x1  }
0xb5: {  	[sflag:s29] =	ssyncadd.s32 $0xFFFFFFFF  }
0xb6: {  	_ =	strace $0x9000004B  }
0xb7: {  	_ =	sfence  }
0xb8: {  	s30 =	sld [smem:$0x0];
	_ =	sdelay $0x2  }
0xb9: {  	s31 =	sshll.u32 s1, $0xD;
	s1 =	sshrl.u32 s1, $0x2  }
0xba: {  	s3 =	sand.u32 $0x4000, s31;
	s1 =	sadd.s32 s1, s30  }
0xbb: {  	s0 =	sor.u32 s3, s0;
	s1 =	sshll.u32 s1, $0x11  }
0xbc: {  	s0 =	sor.u32 s1, s0  }
0xbd: {  	s0 =	sadd.s32 $0x8F2B, s0  }
0xbe: {  	[sflag:s0] =	ssyncadd.remote.s32 $0x1  }
0xbf: {  	_ =	sfence.sel $0xFFFF  }
0xc0: {  	[dreg:$0x0] =	wrdreg $0xFFFFFFFF;
	(pc) =	sbr.abs _section_cstart, $3  }
0xc1: {  	[dreg:$0x1] =	wrdreg $0xFFFFFFFF  }
0xc2: {  	_ =	task.clear_ibuf [dreg:s7], $0x2FFFF;
	_ =	strace $0x9FFFFFFF  }
0xc3: {  	(tm) =	ssettm $0x7FFFFFFF  }
tec
execute0_lowered:
.L_overlay_start_1:
0x0: {  	(tag) =	ssettag $0x1  }
0x1: {  	s0 =	rddreg [dreg:$0x0]  }
0x2: {  	s1 =	srdreg.scid;
	s16 =	rddreg [dreg:$0x1]  }
0x3: {  	s8 =	stileid.u32;
	s2 =	rddreg [dreg:$0x2];
	s3 =	simm.s32 $0x0  }
0x4: {  	s19 =	simm.s32 $0x6800;
	s20 =	simm.s32 $0x1400;
	s21 =	simm.s32 $0x1  }
0x5: {  	s22 =	simm.s32 $0x7D;
	s23 =	simm.s32 $0x2800;
	s28 =	simm.s32 $0x1380  }
0x6: {  	s29 =	simm.s32 $0x2700;
	s30 =	simm.s32 $0x2780;
	s5 =	smul.u32 $0x14000, s8  }
0x7: {  	s31 =	simm.s32 $0x5;
	s1 =	sand.u32 $0x1, s1;
	s6 =	smul.u32 $0x50000, s8  }
0x8: {  	[smem:$0x7FF] =	sst s3;
	s15 =	sadd.s32 $0x3200, s0;
	s4 =	smul.u32 $0x140000, s1  }
0x9: {  	_ =	strace $0x8000004A;
	s7 =	ssub.s32 $0x2, s1;
	s1 =	sshll.u32 s1, $0x4  }
0xa: {  	s24 =	sshrl.u32 s6, $0x2;
	s25 =	sshrl.u32 s7, $0x1;
	s1 =	sor.u32 s8, s1  }
0xb: {  	s4 =	sadd.s32 s5, s4;
	s18 =	ssub.s32 s7, s25;
	s11 =	smul.u32 $0x2800, s1  }
0xc: {  	s1 =	smul.u32 $0x500, s1;
	s25 =	simm.s32 $0x4;
	s5 =	sshrl.u32 s4, $0x3  }
0xd: {  	s4 =	sadd.s32 $0xD200, s0;
	s18 =	smax.u32 s18, $0x1;
	s0 =	sadd.s32 s5, s0  }
0xe: {  	s5 =	sadd.s32 s24, s2;
	s13 =	sshrl.u32 s11, $0x3;
	s14 =	sadd.s32 s16, s1  }
0xf: {  	s24 =	simm.s32 $0x2;
	s26 =	sadd.s32 $0x2800, s5;
	s7 =	sadd.s32 $0x5000, s5  }
0x10: {  	s8 =	sadd.s32 $0x7800, s5;
	s9 =	sadd.s32 $0xA000, s5;
	s10 =	sadd.s32 $0xC800, s5  }
0x11: {  	s11 =	sadd.s32 $0xF000, s5;
	s12 =	sadd.s32 $0x11800, s5;
	s17 =	sadd.s32 $0x280, s13  }
0x12: {  	s13 =	sadd.s32 s15, s1;
	[dreg:$0x4] =	wrdreg s26;
	s15 =	sadd.s32 s15, s17  }
0x13: {  	v0 =	vimm.f32 $0.0e+00;
	s16 =	sadd.s32 s16, s17;
	s17 =	sadd.s32 $0x34400, s0;
	s26 =	simm.s32 $0x3  }
.LBB2_1:
0x14: {  	s1 =	simm.s32 $0x0;
	s0 =	simm.s32 $0x200  }
.LBB2_2:
0x15: {  	p0 =	sne.s32 s0, $0x9E00;
	[tilespmem:s1+$0x6870] =	vst v0  }
0x16: {  	[tilespmem:s1+$0x6800] =	vst v0  }
0x17: {  	[tilespmem:s1+$0x6810] =	vst v0  }
.Ltmp0:
0x18: {  	[tilespmem:s1+$0x6820] =	vst v0;
	(pc) =	sbr.rel @p0 .LBB2_2-.Ltmp0, $4  }
0x19: {  	[tilespmem:s1+$0x6830] =	vst v0  }
0x1a: {  	[tilespmem:s1+$0x6840] =	vst v0  }
0x1b: {  	[tilespmem:s1+$0x6850] =	vst v0  }
0x1c: {  	[tilespmem:s1+$0x6860] =	vst v0;
	s1 =	sshra.s32 s0, $0x2;
	s0 =	sadd.s32 $0x200, s0  }
0x1d: {  	[tilespmem:s1+$0x6870] =	vst v0  }
0x1e: {  	[tilespmem:s1+$0x6800] =	vst v0  }
0x1f: {  	[tilespmem:s1+$0x6810] =	vst v0  }
0x20: {  	[tilespmem:s1+$0x6820] =	vst v0  }
0x21: {  	[tilespmem:s1+$0x6830] =	vst v0  }
0x22: {  	[tilespmem:s1+$0x6840] =	vst v0  }
0x23: {  	[tilespmem:s1+$0x6850] =	vst v0  }
0x24: {  	[tilespmem:s1+$0x6860] =	vst v0  }
0x25: {  	[spmem:s5] =	stream.linear.scatter [tilespmem:s19], [sflag:$0x4], $0x2800, $0x38;
	[tilespmem:$0x1E800] =	vst v63  }
0x26: {  	s0 =	rddreg [dreg:$0x4]  }
0x27: {  	[spmem:s0] =	stream.linear.scatter [tilespmem:s19], [sflag:$0x4], $0x2800, $0x38;
	[tilespmem:$0x1E800] =	vst v63  }
0x28: {  	_ = 	snop  }
0x29: {  	[spmem:s7] =	stream.linear.scatter [tilespmem:s19], [sflag:$0x4], $0x2800, $0x38;
	[tilespmem:$0x1E800] =	vst v63  }
0x2a: {  	_ = 	snop  }
0x2b: {  	[spmem:s8] =	stream.linear.scatter [tilespmem:s19], [sflag:$0x4], $0x2800, $0x38;
	[tilespmem:$0x1E800] =	vst v63  }
0x2c: {  	_ = 	snop  }
0x2d: {  	[spmem:s9] =	stream.linear.scatter [tilespmem:s19], [sflag:$0x4], $0x2800, $0x38;
	[tilespmem:$0x1E800] =	vst v63  }
0x2e: {  	_ = 	snop  }
0x2f: {  	[spmem:s10] =	stream.linear.scatter [tilespmem:s19], [sflag:$0x4], $0x2800, $0x38;
	[tilespmem:$0x1E800] =	vst v63  }
0x30: {  	_ = 	snop  }
0x31: {  	[spmem:s11] =	stream.linear.scatter [tilespmem:s19], [sflag:$0x4], $0x2800, $0x38;
	[tilespmem:$0x1E800] =	vst v63  }
0x32: {  	_ = 	snop  }
0x33: {  	[spmem:s12] =	stream.linear.scatter [tilespmem:s19], [sflag:$0x4], $0x2800, $0x38;
	[tilespmem:$0x1E800] =	vst v63  }
0x34: {  	s6 =	simm.s32 $0x0  }
0x35: {  	[tilespmem:s6], [sflag:$0x1] =	stream.linear.gather [hbm4b:s13+s6], $0x1400, $0x38;
	[tilespmem:$0x1E800] =	vst v63  }
0x36: {  	_ = 	snop  }
0x37: {  	[tilespmem:s20], [sflag:$0x2] =	stream.linear.gather [hbm4b:s14+s6], $0x1400, $0x38;
	[tilespmem:$0x1E800] =	vst v63  }
0x38: {  	_ =	swait.ge [sflag:s21], $0x1400  }
0x39: {  	[sflag:s21] =	ssyncset.done $0x0  }
0x3a: {  	[sflag:s21] =	ssyncadd.s32 $0xFFFFEC00  }
0x3b: {  	[tilespmem:s23], [sflag:$0x1] =	stream.indirect.gather [hbm4b:s4+s22], $0x80, s6, s22, $0xb8;
	[tilespmem:$0x1E800] =	vst v63  }
0x3c: {  	_ =	swait.ge [sflag:s24], $0x1400  }
0x3d: {  	[sflag:s24] =	ssyncset.done $0x0  }
0x3e: {  	[sflag:s24] =	ssyncadd.s32 $0xFFFFEC00  }
0x3f: {  	_ =	swait.ge [sflag:s25], $0x2800  }
0x40: {  	[sflag:s25] =	ssyncset.done $0x0  }
0x41: {  	[sflag:s25] =	ssyncadd.s32 $0xFFFFD800  }
0x42: {  	_ =	swait.ge [sflag:s25], $0x2800  }
0x43: {  	[sflag:s25] =	ssyncset.done $0x0  }
0x44: {  	[sflag:s25] =	ssyncadd.s32 $0xFFFFD800  }
0x45: {  	_ =	swait.ge [sflag:s25], $0x2800  }
0x46: {  	[sflag:s25] =	ssyncset.done $0x0  }
0x47: {  	[sflag:s25] =	ssyncadd.s32 $0xFFFFD800  }
0x48: {  	_ =	swait.ge [sflag:s25], $0x2800  }
0x49: {  	[sflag:s25] =	ssyncset.done $0x0  }
0x4a: {  	[sflag:s25] =	ssyncadd.s32 $0xFFFFD800  }
0x4b: {  	_ =	swait.ge [sflag:s25], $0x2800  }
0x4c: {  	[sflag:s25] =	ssyncset.done $0x0  }
0x4d: {  	[sflag:s25] =	ssyncadd.s32 $0xFFFFD800  }
0x4e: {  	_ =	swait.ge [sflag:s25], $0x2800  }
0x4f: {  	[sflag:s25] =	ssyncset.done $0x0  }
0x50: {  	[sflag:s25] =	ssyncadd.s32 $0xFFFFD800  }
0x51: {  	_ =	swait.ge [sflag:s25], $0x2800  }
0x52: {  	[sflag:s25] =	ssyncset.done $0x0  }
0x53: {  	[sflag:s25] =	ssyncadd.s32 $0xFFFFD800  }
0x54: {  	_ =	swait.ge [sflag:s25], $0x2800  }
0x55: {  	[sflag:s25] =	ssyncset.done $0x0  }
0x56: {  	[sflag:s25] =	ssyncadd.s32 $0xFFFFD800  }
0x57: {  	[bflag:$0x0] =	sbarrier.arrive $0xFFFF  }
0x58: {  	_ =	swait.ge [sflag:s21], $0x3E80  }
0x59: {  	[sflag:s21] =	ssyncset.done $0x0  }
0x5a: {  	s1 =	simm.s32 $0x80;
	[sflag:s21] =	ssyncadd.s32 $0xFFFFC180  }
0x5b: {  	[tilespmem:s19], [sflag:$0x2] =	stream.indirect.gather [hbm4b:s4+s22], $0x80, s1, s22, $0xb8;
	[tilespmem:$0x1E800] =	vst v63  }
0x5c: {  	s6 =	simm.s32 $0x1400  }
0x5d: {  	[spmem:s2] =	stream.indirect.scatter.add.f32 [tilespmem:s23], [sflag:$0x3], $0x80, s6, s22, $0xb8;
	[tilespmem:$0x1E800] =	vst v63  }
0x5e: {  	_ =	swait.ge [sflag:s24], $0x3E80  }
0x5f: {  	[sflag:s24] =	ssyncset.done $0x0  }
0x60: {  	s1 =	simm.s32 $0x1480;
	[sflag:s24] =	ssyncadd.s32 $0xFFFFC180  }
0x61: {  	[spmem:s2] =	stream.indirect.scatter.add.f32 [tilespmem:s19], [sflag:$0x4], $0x80, s1, s22, $0xb8;
	[tilespmem:$0x1E800] =	vst v63  }
0x62: {  	_ =	swait.ge [sflag:s26], $0x3E80  }
0x63: {  	[sflag:s26] =	ssyncset.done $0x0  }
0x64: {  	s6 =	simm.s32 $0x100;
	[sflag:s26] =	ssyncadd.s32 $0xFFFFC180  }
0x65: {  	[tilespmem:s23], [sflag:$0x1] =	stream.indirect.gather [hbm4b:s4+s22], $0x80, s6, s22, $0xb8;
	[tilespmem:$0x1E800] =	vst v63  }
0x66: {  	_ =	swait.ge [sflag:s25], $0x3E80  }
0x67: {  	s1 =	simm.s32 $0x400;
	[sflag:s25] =	ssyncset.done $0x0  }
.LBB2_4:
0x68: {  	p0 =	sne.s32 s1, $0x4800  }
0x69: {  	[sflag:s25] =	ssyncadd.s32 $0xFFFFC180;
	s0 =	smov.u32 s1;
	s1 =	sadd.s32 $0x400, s1  }
0x6a: {  	_ =	swait.ge [sflag:s21], $0x3E80  }
0x6b: {  	s0 =	sshra.s32 s0, $0x2;
	[sflag:s21] =	ssyncset.done $0x0  }
0x6c: {  	s6 =	sadd.s32 $0x80, s0;
	[sflag:s21] =	ssyncadd.s32 $0xFFFFC180  }
0x6d: {  	[tilespmem:s19], [sflag:$0x2] =	stream.indirect.gather [hbm4b:s4+s22], $0x80, s6, s22, $0xb8;
	[tilespmem:$0x1E800] =	vst v63  }
0x6e: {  	s6 =	sadd.s32 $0x1400, s0  }
0x6f: {  	[spmem:s2] =	stream.indirect.scatter.add.f32 [tilespmem:s23], [sflag:$0x3], $0x80, s6, s22, $0xb8;
	[tilespmem:$0x1E800] =	vst v63  }
0x70: {  	_ =	swait.ge [sflag:s24], $0x3E80  }
0x71: {  	[sflag:s24] =	ssyncset.done $0x0  }
0x72: {  	s6 =	sadd.s32 $0x1480, s0;
	[sflag:s24] =	ssyncadd.s32 $0xFFFFC180  }
0x73: {  	[spmem:s2] =	stream.indirect.scatter.add.f32 [tilespmem:s19], [sflag:$0x4], $0x80, s6, s22, $0xb8;
	[tilespmem:$0x1E800] =	vst v63  }
0x74: {  	_ =	swait.ge [sflag:s26], $0x3E80  }
.Ltmp1:
0x75: {  	[sflag:s26] =	ssyncset.done $0x0;
	(pc) =	sbr.rel @p0 .LBB2_4-.Ltmp1, $4  }
0x76: {  	s0 =	sadd.s32 $0x100, s0;
	[sflag:s26] =	ssyncadd.s32 $0xFFFFC180  }
0x77: {  	[tilespmem:s23], [sflag:$0x1] =	stream.indirect.gather [hbm4b:s4+s22], $0x80, s0, s22, $0xb8;
	[tilespmem:$0x1E800] =	vst v63  }
0x78: {  	_ =	swait.ge [sflag:s25], $0x3E80  }
0x79: {  	[sflag:s25] =	ssyncset.done $0x0  }
0x7a: {  	[sflag:s25] =	ssyncadd.s32 $0xFFFFC180  }
0x7b: {  	_ =	swait.ge [sflag:s21], $0x3E80  }
0x7c: {  	[sflag:s21] =	ssyncset.done $0x0  }
0x7d: {  	[sflag:s21] =	ssyncadd.s32 $0xFFFFC180  }
0x7e: {  	[tilespmem:s19], [sflag:$0x2] =	stream.indirect.gather [hbm4b:s4+s22], $0x80, s28, s22, $0xb8;
	[tilespmem:$0x1E800] =	vst v63  }
0x7f: {  	_ = 	snop  }
0x80: {  	[spmem:s2] =	stream.indirect.scatter.add.f32 [tilespmem:s23], [sflag:$0x3], $0x80, s29, s22, $0xb8;
	[tilespmem:$0x1E800] =	vst v63  }
0x81: {  	_ =	swait.ge [sflag:s24], $0x3E80  }
0x82: {  	[sflag:s24] =	ssyncset.done $0x0  }
0x83: {  	[sflag:s24] =	ssyncadd.s32 $0xFFFFC180  }
0x84: {  	[spmem:s2] =	stream.indirect.scatter.add.f32 [tilespmem:s19], [sflag:$0x4], $0x80, s30, s22, $0xb8;
	[tilespmem:$0x1E800] =	vst v63  }
0x85: {  	_ =	swait.ge [sflag:s26], $0x3E80  }
0x86: {  	[sflag:s26] =	ssyncset.done $0x0  }
0x87: {  	[sflag:s26] =	ssyncadd.s32 $0xFFFFC180  }
0x88: {  	_ =	swait.ge [sflag:s25], $0x3E80  }
0x89: {  	[sflag:s25] =	ssyncset.done $0x0  }
0x8a: {  	s0 =	simm.s32 $0x0;
	[sflag:s25] =	ssyncadd.s32 $0xFFFFC180  }
0x8b: {  	[tilespmem:s0], [sflag:$0x1] =	stream.linear.gather [hbm4b:s15+s0], $0x1400, $0x38;
	[tilespmem:$0x1E800] =	vst v63  }
0x8c: {  	_ = 	snop  }
0x8d: {  	[tilespmem:s20], [sflag:$0x2] =	stream.linear.gather [hbm4b:s16+s0], $0x1400, $0x38;
	[tilespmem:$0x1E800] =	vst v63  }
0x8e: {  	_ =	swait.ge [sflag:s21], $0x1400  }
0x8f: {  	[sflag:s21] =	ssyncset.done $0x0  }
0x90: {  	[sflag:s21] =	ssyncadd.s32 $0xFFFFEC00  }
0x91: {  	[tilespmem:s23], [sflag:$0x1] =	stream.indirect.gather [hbm4b:s4+s22], $0x80, s0, s22, $0xb8;
	[tilespmem:$0x1E800] =	vst v63  }
0x92: {  	_ =	swait.ge [sflag:s24], $0x1400  }
0x93: {  	[sflag:s24] =	ssyncset.done $0x0  }
0x94: {  	[sflag:s24] =	ssyncadd.s32 $0xFFFFEC00  }
0x95: {  	_ =	swait.ge [sflag:s21], $0x3E80  }
0x96: {  	[sflag:s21] =	ssyncset.done $0x0  }
0x97: {  	s1 =	simm.s32 $0x80;
	[sflag:s21] =	ssyncadd.s32 $0xFFFFC180  }
0x98: {  	[tilespmem:s19], [sflag:$0x2] =	stream.indirect.gather [hbm4b:s4+s22], $0x80, s1, s22, $0xb8;
	[tilespmem:$0x1E800] =	vst v63  }
0x99: {  	s6 =	simm.s32 $0x1400  }
0x9a: {  	[spmem:s2] =	stream.indirect.scatter.add.f32 [tilespmem:s23], [sflag:$0x3], $0x80, s6, s22, $0xb8;
	[tilespmem:$0x1E800] =	vst v63  }
0x9b: {  	_ =	swait.ge [sflag:s24], $0x3E80  }
0x9c: {  	[sflag:s24] =	ssyncset.done $0x0  }
0x9d: {  	s1 =	simm.s32 $0x1480;
	[sflag:s24] =	ssyncadd.s32 $0xFFFFC180  }
0x9e: {  	[spmem:s2] =	stream.indirect.scatter.add.f32 [tilespmem:s19], [sflag:$0x4], $0x80, s1, s22, $0xb8;
	[tilespmem:$0x1E800] =	vst v63  }
0x9f: {  	_ =	swait.ge [sflag:s26], $0x3E80  }
0xa0: {  	[sflag:s26] =	ssyncset.done $0x0  }
0xa1: {  	s6 =	simm.s32 $0x100;
	[sflag:s26] =	ssyncadd.s32 $0xFFFFC180  }
0xa2: {  	[tilespmem:s23], [sflag:$0x1] =	stream.indirect.gather [hbm4b:s4+s22], $0x80, s6, s22, $0xb8;
	[tilespmem:$0x1E800] =	vst v63  }
0xa3: {  	_ =	swait.ge [sflag:s25], $0x3E80  }
0xa4: {  	s1 =	simm.s32 $0x400;
	[sflag:s25] =	ssyncset.done $0x0  }
.LBB2_6:
0xa5: {  	p0 =	sne.s32 s1, $0x4800  }
0xa6: {  	[sflag:s25] =	ssyncadd.s32 $0xFFFFC180;
	s0 =	smov.u32 s1;
	s1 =	sadd.s32 $0x400, s1  }
0xa7: {  	_ =	swait.ge [sflag:s21], $0x3E80  }
0xa8: {  	s0 =	sshra.s32 s0, $0x2;
	[sflag:s21] =	ssyncset.done $0x0  }
0xa9: {  	s6 =	sadd.s32 $0x80, s0;
	[sflag:s21] =	ssyncadd.s32 $0xFFFFC180  }
0xaa: {  	[tilespmem:s19], [sflag:$0x2] =	stream.indirect.gather [hbm4b:s4+s22], $0x80, s6, s22, $0xb8;
	[tilespmem:$0x1E800] =	vst v63  }
0xab: {  	s6 =	sadd.s32 $0x1400, s0  }
0xac: {  	[spmem:s2] =	stream.indirect.scatter.add.f32 [tilespmem:s23], [sflag:$0x3], $0x80, s6, s22, $0xb8;
	[tilespmem:$0x1E800] =	vst v63  }
0xad: {  	_ =	swait.ge [sflag:s24], $0x3E80  }
0xae: {  	[sflag:s24] =	ssyncset.done $0x0  }
0xaf: {  	s6 =	sadd.s32 $0x1480, s0;
	[sflag:s24] =	ssyncadd.s32 $0xFFFFC180  }
0xb0: {  	[spmem:s2] =	stream.indirect.scatter.add.f32 [tilespmem:s19], [sflag:$0x4], $0x80, s6, s22, $0xb8;
	[tilespmem:$0x1E800] =	vst v63  }
0xb1: {  	_ =	swait.ge [sflag:s26], $0x3E80  }
.Ltmp2:
0xb2: {  	[sflag:s26] =	ssyncset.done $0x0;
	(pc) =	sbr.rel @p0 .LBB2_6-.Ltmp2, $4  }
0xb3: {  	s0 =	sadd.s32 $0x100, s0;
	[sflag:s26] =	ssyncadd.s32 $0xFFFFC180  }
0xb4: {  	[tilespmem:s23], [sflag:$0x1] =	stream.indirect.gather [hbm4b:s4+s22], $0x80, s0, s22, $0xb8;
	[tilespmem:$0x1E800] =	vst v63  }
0xb5: {  	_ =	swait.ge [sflag:s25], $0x3E80  }
0xb6: {  	[sflag:s25] =	ssyncset.done $0x0  }
0xb7: {  	[sflag:s25] =	ssyncadd.s32 $0xFFFFC180  }
0xb8: {  	_ =	swait.ge [sflag:s21], $0x3E80  }
0xb9: {  	[sflag:s21] =	ssyncset.done $0x0  }
0xba: {  	[sflag:s21] =	ssyncadd.s32 $0xFFFFC180  }
0xbb: {  	[tilespmem:s19], [sflag:$0x2] =	stream.indirect.gather [hbm4b:s4+s22], $0x80, s28, s22, $0xb8;
	[tilespmem:$0x1E800] =	vst v63  }
0xbc: {  	_ = 	snop  }
0xbd: {  	[spmem:s2] =	stream.indirect.scatter.add.f32 [tilespmem:s23], [sflag:$0x3], $0x80, s29, s22, $0xb8;
	[tilespmem:$0x1E800] =	vst v63  }
0xbe: {  	_ =	swait.ge [sflag:s24], $0x3E80  }
0xbf: {  	[sflag:s24] =	ssyncset.done $0x0  }
0xc0: {  	[sflag:s24] =	ssyncadd.s32 $0xFFFFC180  }
0xc1: {  	[spmem:s2] =	stream.indirect.scatter.add.f32 [tilespmem:s19], [sflag:$0x4], $0x80, s30, s22, $0xb8;
	[tilespmem:$0x1E800] =	vst v63  }
0xc2: {  	_ =	swait.ge [sflag:s26], $0x3E80  }
0xc3: {  	[sflag:s26] =	ssyncset.done $0x0  }
0xc4: {  	[sflag:s26] =	ssyncadd.s32 $0xFFFFC180  }
0xc5: {  	s0 =	stileid.u32;
	_ =	swait.ge [sflag:s25], $0x3E80  }
0xc6: {  	s1 =	sshrl.u32 s5, $0x3;
	s3 =	sadd.s32 $0x1, s3;
	[sflag:s25] =	ssyncset.done $0x0  }
0xc7: {  	s0 =	sshll.u32 s0, $0x6;
	p0 =	sne.s32 s3, s18;
	[sflag:s25] =	ssyncadd.s32 $0xFFFFC180  }
.Ltmp3:
0xc8: {  	s0 =	sor.u32 $0x1C05, s0;
	[bflag:$0x0] =	sbarrier.arrive $0xFFFF;
	(pc) =	sbr.rel @p0 .LBB2_1-.Ltmp3, $4  }
0xc9: {  	[hbm:s17], [sflag:s0] =	dma.local [spmem:s1], $0x2800  }
0xca: {  	_ =	swait.ge [sflag:s31], $0x2800  }
0xcb: {  	[sflag:s31] =	ssyncset.done $0x0  }
0xcc: {  	[sflag:s31] =	ssyncadd.s32 $0xFFFFD800  }
0xcd: {  	_ =	sfence.sel $0x180000  }
0xce: {  	[bflag:$0x0] =	sbarrier.arrive $0xFFFF  }
0xcf: {  	_ =	strace $0x9000004A  }
0xd0: {  	s0 =	stileid.u32;
	[bflag:$0x2] =	sbarrier.arrive $0xFFFF  }
0xd1: {  	p0 =	sne.s32 s0, $0x0;
	s0 =	rddreg [dreg:$0x3]  }
0xd2: {  	s0 =	sadd.s32 @!p0 $0x100000, s0  }
0xd3: {  	[sflag:s0] =	ssyncadd.tile.s32 @!p0 $0x1;
	_ =	shalt  }
.Lfunc_end2:
_tile_overlayer_lowered:
.L_overlay_start_2:
0xd4: {  	(tag) =	ssettag $0x2  }
0xd5: {  	s0 =	rddreg [dreg:$0x0];
	s2 =	stileid.u32  }
0xd6: {  	s1 =	rddreg [dreg:$0x1];
	p0 =	sne.s32 s2, $0x0  }
0xd7: {  	s3 =	rddreg [dreg:$0x2];
	[bflag:$0x3] =	sbarrier.arrive $0xFFFF;
	s2 =	simm.s32 @!p0 $0x1C05  }
0xd8: {  	[timem:s3], [sflag:s2] =	dma.local @!p0 [hbm:s0], s1  }
0xd9: {  	s0 =	simm.s32 @!p0 $0x5  }
0xda: {  	_ =	swait.ge @!p0 [sflag:s0], s1  }
0xdb: {  	s1 =	ssub.s32 @!p0 $0x0, s1;
	[sflag:s0] =	ssyncset.done @!p0 $0x0  }
0xdc: {  	[sflag:s0] =	ssyncadd.s32 @!p0 s1  }
0xdd: {  	[bflag:$0x3] =	sbarrier.arrive $0xFFFF  }
0xde: {  	_ =	shalt  }

// kernel: kernel.16.cloned.1.call-start
scs
__scs_entry_jumppad:
0x0: {  	(pc) =	sbr.rel $0x88, $3  }
0x1: {  	(tag) =	ssettag $0x0;
	lr =	simm.s32 $0x1  }
0x2: {  	[smem:$0x3F99] =	sst lr;
	_ =	strace $0xD0000000  }
0x3: {  	_ = 	snop  }
0x4: {  	_ = 	snop  }
0x5: {  	_ = 	snop  }
0x6: {  	_ = 	snop  }
0x7: {  	_ = 	snop  }
__scs_overlays_trampoline_lowered:
0x8: {  	[smem:$0x3FA8] =	sst s0  }
0x9: {  	[smem:$0x3FA9] =	sst s1  }
0xa: {  	[smem:$0x3FAA] =	sst s2  }
0xb: {  	[smem:$0x3FAB] =	sst s3  }
0xc: {  	[smem:$0x3FAC] =	sst s4  }
0xd: {  	[smem:$0x3FAD] =	sst s5  }
0xe: {  	[smem:$0x3FAE] =	sst s6  }
0xf: {  	[smem:$0x3FAF] =	sst s7  }
0x10: {  	[smem:$0x3FB0] =	sst s8  }
0x11: {  	[smem:$0x3FB1] =	sst s9;
	s0 =	simm.s32 @!p0 $0x0  }
0x12: {  	s1 =	sld [smem:$0x3F97];
	s0 =	simm.s32 @p0 $0x1  }
0x13: {  	[smem:$0x3FB2] =	sst s0;
	s0 =	simm.s32 @!p1 $0x0  }
0x14: {  	s2 =	sld [smem:$0x3F96];
	s0 =	simm.s32 @p1 $0x1  }
0x15: {  	[smem:$0x3FB3] =	sst s0;
	s0 =	simm.s32 @!p2 $0x0  }
0x16: {  	s3 =	sld [smem:$0x3FDB];
	s0 =	simm.s32 @p2 $0x1  }
0x17: {  	s4 =	simm.s32 $0x1BF5;
	[smem:$0x3FB5] =	sst s0  }
0x18: {  	s0 =	sld [smem:$0x3F98];
	_ =	swait.ge [sflag:s4], $0x0  }
0x19: {  	s7 =	sld [smem:$0x3F99]  }
0x1a: {  	s8 =	sadd.s32 $0xFFFFE003, lr  }
0x1b: {  	s9 =	sadd.s32 $0xFFFFFEF7, lr;
	s5 =	simm.s32 $0xFFFFFFFF;
	p2 =	slt.u32 s8, $0xFFFFF086  }
0x1c: {  	p1 =	slt.u32 s9, $0xF7A;
	s5 =	simm.s32 @!p2 $0x0  }
0x1d: {  	s5 =	simm.s32 @p1 $0x1;
	p0 =	seq.s32 s7, s2  }
0x1e: {  	s7 =	smul.u32 @!p0 $0xF7A, s2;
	p2 =	seq.s32 @!p0 s5, $0x0  }
0x1f: {  	s9 =	smul.u32 $0xF7A, s1;
	s8 =	simm.s32 @!p0 $0x1BF5;
	p2 =	por !p2, p0  }
0x20: {  	[sflag:s8] =	ssyncset.s32 @!p0 $0xFFFFF086;
	s6 =	sadd.s32 @!p0 s3, s7;
	s7 =	simm.s32 @!p0 $0x108  }
0x21: {  	s3 =	sadd.s32 s3, s9;
	s6 =	sadd.s32 @!p0 $0x88, s6;
	s7 =	simm.s32 @p2 $0x1082  }
0x22: {  	[simem:s7], [sflag:s8] =	dma.local @!p0 [hbm:s6], $0xF7A  }
0x23: {  	s9 =	sor.u32 $0xD0000000, s2;
	s6 =	simm.s32 $0x108;
	_ =	swait.ge @!p0 [sflag:s8], $0x0  }
0x24: {  	s3 =	sadd.s32 $0x88, s3;
	s6 =	simm.s32 @!p1 $0x1082;
	[sflag:s4] =	ssyncset.s32 $0xFFFFF086  }
0x25: {  	[simem:s6], [sflag:s4] =	dma.local [hbm:s3], $0xF7A  }
0x26: {  	[smem:$0x3F99] =	sst s1;
	(tag) =	ssettag s2;
	_ =	strace s9  }
0x27: {  	s1 =	sld [smem:$0x3FA9]  }
0x28: {  	s2 =	sld [smem:$0x3FAA]  }
0x29: {  	s4 =	sld [smem:$0x3FAC]  }
0x2a: {  	p0 =	seq.s32 s5, $0x0;
	s5 =	sld [smem:$0x3FAD]  }
0x2b: {  	s6 =	sld [smem:$0x3FAE]  }
0x2c: {  	s7 =	sld [smem:$0x3FAF]  }
0x2d: {  	s3 =	simm.s32 $0x108;
	s8 =	sld [smem:$0x3FB0]  }
0x2e: {  	s3 =	simm.s32 @!p0 $0x1082;
	s9 =	sld [smem:$0x3FB1]  }
0x2f: {  	lr =	sadd.s32 s0, s3;
	s0 =	sld [smem:$0x3FA8]  }
0x30: {  	s3 =	sld [smem:$0x3FAB]  }
0x31: {  	[smem:$0x3FB4] =	sst s10  }
0x32: {  	s10 =	sld [smem:$0x3FB2];
	_ =	sdelay $0x3  }
0x33: {  	p0 =	seq.s32 s10, $0x1;
	s10 =	sld [smem:$0x3FB4];
	_ =	sdelay $0x3  }
0x34: {  	[smem:$0x3FB4] =	sst s10  }
0x35: {  	s10 =	sld [smem:$0x3FB3];
	_ =	sdelay $0x3  }
0x36: {  	p1 =	seq.s32 s10, $0x1;
	s10 =	sld [smem:$0x3FB4];
	_ =	sdelay $0x3  }
0x37: {  	[smem:$0x3FB4] =	sst s10  }
0x38: {  	s10 =	sld [smem:$0x3FB5]  }
0x39: {  	_ = 	snop;
	(pc) =	sbr.ind lr, $3  }
0x3a: {  	_ = 	snop  }
0x3b: {  	_ = 	snop  }
0x3c: {  	p2 =	seq.s32 s10, $0x1;
	s10 =	sld [smem:$0x3FB4]  }
0x3d: {  	_ =	shalt  }
0x3e: {  	_ =	shalt  }
0x3f: {  	_ =	shalt  }
0x40: {  	_ =	shalt  }
0x41: {  	_ =	shalt  }
0x42: {  	_ =	shalt  }
0x43: {  	_ =	shalt  }
0x44: {  	_ =	shalt  }
0x45: {  	_ =	shalt  }
0x46: {  	_ =	shalt  }
0x47: {  	_ =	shalt  }
0x48: {  	_ =	shalt  }
0x49: {  	_ =	shalt  }
0x4a: {  	_ =	shalt  }
0x4b: {  	_ =	shalt  }
0x4c: {  	_ =	shalt  }
0x4d: {  	_ =	shalt  }
0x4e: {  	_ =	shalt  }
0x4f: {  	_ =	shalt  }
0x50: {  	_ =	shalt  }
0x51: {  	_ =	shalt  }
0x52: {  	_ =	shalt  }
0x53: {  	_ =	shalt  }
0x54: {  	_ =	shalt  }
0x55: {  	_ =	shalt  }
0x56: {  	_ =	shalt  }
0x57: {  	_ =	shalt  }
0x58: {  	_ =	shalt  }
0x59: {  	_ =	shalt  }
0x5a: {  	_ =	shalt  }
0x5b: {  	_ =	shalt  }
0x5c: {  	_ =	shalt  }
0x5d: {  	_ =	shalt  }
0x5e: {  	_ =	shalt  }
0x5f: {  	_ =	shalt  }
0x60: {  	_ =	shalt  }
0x61: {  	_ =	shalt  }
0x62: {  	_ =	shalt  }
0x63: {  	_ =	shalt  }
0x64: {  	_ =	shalt  }
0x65: {  	_ =	shalt  }
0x66: {  	_ =	shalt  }
0x67: {  	_ =	shalt  }
0x68: {  	_ =	shalt  }
0x69: {  	_ =	shalt  }
0x6a: {  	_ =	shalt  }
0x6b: {  	_ =	shalt  }
0x6c: {  	_ =	shalt  }
0x6d: {  	_ =	shalt  }
0x6e: {  	_ =	shalt  }
0x6f: {  	_ =	shalt  }
0x70: {  	_ =	shalt  }
0x71: {  	_ =	shalt  }
0x72: {  	_ =	shalt  }
0x73: {  	_ =	shalt  }
0x74: {  	_ =	shalt  }
0x75: {  	_ =	shalt  }
0x76: {  	_ =	shalt  }
0x77: {  	_ =	shalt  }
0x78: {  	_ =	shalt  }
0x79: {  	_ =	shalt  }
0x7a: {  	_ =	shalt  }
0x7b: {  	_ =	shalt  }
0x7c: {  	_ =	shalt  }
0x7d: {  	_ =	shalt  }
0x7e: {  	_ =	shalt  }
0x7f: {  	_ =	shalt  }
0x80: {  	_ =	shalt  }
0x81: {  	_ =	shalt  }
0x82: {  	_ =	shalt  }
0x83: {  	_ =	shalt  }
0x84: {  	_ =	shalt  }
0x85: {  	_ =	shalt  }
0x86: {  	_ =	shalt  }
0x87: {  	_ =	shalt  }
.Lfunc_end0:
.L_simem_size_0:
called_computation.2_lowered:
.L_overlay_start_0:
0x88: {  	s2 =	sld [smem:$0x3FD9]  }
0x89: {  	s3 =	sld [smem:$0x3FFE];
	_ =	sdelay $0x1  }
0x8a: {  	s1 =	srdreg.scid  }
0x8b: {  	s0 =	sand.u32 $0x1, s1  }
0x8c: {  	s17 =	sshll.u32 s0, $0xA;
	s2 =	sadd.s32 s3, s2  }
0x8d: {  	s2 =	sadd.s32 s2, s17  }
0x8e: {  	[smem:$0x3FC0] =	sst s2  }
0x8f: {  	_ = 	snop  }
0x90: {  	s2 =	sld [smem:$0x3FD0];
	(tm) =	ssettm $0x1  }
0x91: {  	s18 =	sld [smem:$0x3FFB];
	_ =	sdelay $0x3  }
0x92: {  	_ =	strace s18  }
0x93: {  	s3 =	sld [smem:$0x3FFC];
	_ =	sdelay $0x3  }
0x94: {  	_ =	strace s3  }
0x95: {  	s3 =	sld [smem:$0x3FFD];
	_ =	sdelay $0x3  }
0x96: {  	_ =	strace s3  }
0x97: {  	_ =	strace $0x8FFFFFFF  }
0x98: {  	s19 =	sld [smem:$0x3FDB];
	_ =	sdelay $0x1  }
0x99: {  	s4 =	simm.s32 $_scs_section_size  }
0x9a: {  	s5 =	simm.s32 $_size__tile_overlayer_lowered;
	s6 =	simm.s32 $_tile_overlayer_lowered  }
0x9b: {  	s22 =	simm.s32 $0x1BFF;
	s21 =	sshll.u32 s6, $0x1;
	s3 =	sadd.s32 s4, s19  }
0x9c: {  	s7 =	simm.s32 $0x0;
	s20 =	sshll.u32 s5, $0x1;
	s5 =	sadd.s32 s21, s3  }
0x9d: {  	[timem:s7], [sflag:s22] =	dma.local [hbm:s5], s20  }
0x9e: {  	_ =	swait.ge [sflag:s22], s20  }
0x9f: {  	s4 =	ssub.s32 $0x0, s20;
	[sflag:s22] =	ssyncset.done $0x0  }
0xa0: {  	[sflag:s22] =	ssyncadd.s32 s4;
	_ =	sdelay $0x1  }
0xa1: {  	s23 =	simm.s32 $0x1B8B  }
0xa2: {  	_ =	swait.ge [sflag:s23], $0x1  }
0xa3: {  	[sflag:s23] =	ssyncset.done $0x0  }
0xa4: {  	s25 =	simm.s32 $0x1B8E;
	s24 =	sld [smem:$0x3FFE];
	[sflag:s23] =	ssyncadd.s32 $0xFFFFFFFF  }
0xa5: {  	s26 =	simm.s32 $execute0_lowered;
	[smem:$0x3FD2] =	sst s25  }
0xa6: {  	s5 =	sshll.u32 s26, $0x1;
	_ =	strace $0x8000004C;
	[dreg:$0x1] =	wrdreg $0xFFFFFFFF  }
0xa7: {  	s28 =	simm.s32 $_size_execute0_lowered;
	s3 =	sadd.s32 s3, s5;
	[dreg:$0x0] =	wrdreg $0x0  }
0xa8: {  	s5 =	sshll.u32 s28, $0x1;
	[dreg:$0x2] =	wrdreg s3  }
0xa9: {  	[dreg:$0x3] =	wrdreg s5  }
0xaa: {  	[dreg:$0x4] =	wrdreg $0xC0  }
0xab: {  	_ =	task [dreg:s7], $0x5FFFF  }
0xac: {  	[dreg:$0x1] =	wrdreg $0xFFFFFFFF  }
0xad: {  	[dreg:$0x0] =	wrdreg $0x60  }
0xae: {  	[dreg:$0x2] =	wrdreg s24  }
0xaf: {  	[dreg:$0x3] =	wrdreg s2  }
0xb0: {  	[dreg:$0x4] =	wrdreg $0xA8000  }
0xb1: {  	[dreg:$0x5] =	wrdreg $0x9  }
0xb2: {  	_ =	task.clear_ibuf [dreg:s7], $0x6FFFF;
	_ =	strace $0x9000004C  }
0xb3: {  	s29 =	simm.s32 $0x9;
	_ =	strace $0x8000004E  }
0xb4: {  	_ =	swait.ge [sflag:s29], $0x1  }
0xb5: {  	[sflag:s29] =	ssyncadd.s32 $0xFFFFFFFF  }
0xb6: {  	_ =	strace $0x9000004E  }
0xb7: {  	_ =	sfence  }
0xb8: {  	s30 =	sld [smem:$0x0];
	_ =	sdelay $0x2  }
0xb9: {  	s31 =	sshll.u32 s1, $0xD;
	s1 =	sshrl.u32 s1, $0x2  }
0xba: {  	s3 =	sand.u32 $0x4000, s31;
	s1 =	sadd.s32 s1, s30  }
0xbb: {  	s0 =	sor.u32 s3, s0;
	s1 =	sshll.u32 s1, $0x11  }
0xbc: {  	s0 =	sor.u32 s1, s0  }
0xbd: {  	s0 =	sadd.s32 $0x8F2B, s0  }
0xbe: {  	[sflag:s0] =	ssyncadd.remote.s32 $0x1  }
0xbf: {  	_ =	sfence.sel $0xFFFF  }
0xc0: {  	[dreg:$0x0] =	wrdreg $0xFFFFFFFF;
	(pc) =	sbr.abs _section_cstart, $3  }
0xc1: {  	[dreg:$0x1] =	wrdreg $0xFFFFFFFF  }
0xc2: {  	_ =	task.clear_ibuf [dreg:s7], $0x2FFFF;
	_ =	strace $0x9FFFFFFF  }
0xc3: {  	(tm) =	ssettm $0x7FFFFFFF  }
tec
execute0_lowered:
.L_overlay_start_1:
0x0: {  	(tag) =	ssettag $0x1  }
0x1: {  	s0 =	rddreg [dreg:$0x0]  }
0x2: {  	s1 =	srdreg.scid;
	s16 =	rddreg [dreg:$0x1]  }
0x3: {  	s8 =	stileid.u32;
	s2 =	rddreg [dreg:$0x2];
	s3 =	simm.s32 $0x0  }
0x4: {  	s19 =	simm.s32 $0x6800;
	s20 =	simm.s32 $0x1400;
	s21 =	simm.s32 $0x1  }
0x5: {  	s22 =	simm.s32 $0x7D;
	s23 =	simm.s32 $0x2800;
	s28 =	simm.s32 $0x1380  }
0x6: {  	s29 =	simm.s32 $0x2700;
	s30 =	simm.s32 $0x2780;
	s5 =	smul.u32 $0x14000, s8  }
0x7: {  	s31 =	simm.s32 $0x5;
	s1 =	sand.u32 $0x1, s1;
	s6 =	smul.u32 $0x50000, s8  }
0x8: {  	[smem:$0x7FF] =	sst s3;
	s15 =	sadd.s32 $0x3200, s0;
	s4 =	smul.u32 $0x140000, s1  }
0x9: {  	_ =	strace $0x8000004D;
	s7 =	ssub.s32 $0x2, s1;
	s1 =	sshll.u32 s1, $0x4  }
0xa: {  	s24 =	sshrl.u32 s6, $0x2;
	s25 =	sshrl.u32 s7, $0x1;
	s1 =	sor.u32 s8, s1  }
0xb: {  	s4 =	sadd.s32 s5, s4;
	s18 =	ssub.s32 s7, s25;
	s11 =	smul.u32 $0x2800, s1  }
0xc: {  	s1 =	smul.u32 $0x500, s1;
	s25 =	simm.s32 $0x4;
	s5 =	sshrl.u32 s4, $0x3  }
0xd: {  	s4 =	sadd.s32 $0xD200, s0;
	s18 =	smax.u32 s18, $0x1;
	s0 =	sadd.s32 s5, s0  }
0xe: {  	s5 =	sadd.s32 s24, s2;
	s13 =	sshrl.u32 s11, $0x3;
	s14 =	sadd.s32 s16, s1  }
0xf: {  	s24 =	simm.s32 $0x2;
	s26 =	sadd.s32 $0x2800, s5;
	s7 =	sadd.s32 $0x5000, s5  }
0x10: {  	s8 =	sadd.s32 $0x7800, s5;
	s9 =	sadd.s32 $0xA000, s5;
	s10 =	sadd.s32 $0xC800, s5  }
0x11: {  	s11 =	sadd.s32 $0xF000, s5;
	s12 =	sadd.s32 $0x11800, s5;
	s17 =	sadd.s32 $0x280, s13  }
0x12: {  	s13 =	sadd.s32 s15, s1;
	[dreg:$0x4] =	wrdreg s26;
	s15 =	sadd.s32 s15, s17  }
0x13: {  	v0 =	vimm.f32 $0.0e+00;
	s16 =	sadd.s32 s16, s17;
	s17 =	sadd.s32 $0x34400, s0;
	s26 =	simm.s32 $0x3  }
.LBB2_1:
0x14: {  	s1 =	simm.s32 $0x0;
	s0 =	simm.s32 $0x200  }
.LBB2_2:
0x15: {  	p0 =	sne.s32 s0, $0x9E00;
	[tilespmem:s1+$0x6870] =	vst v0  }
0x16: {  	[tilespmem:s1+$0x6800] =	vst v0  }
0x17: {  	[tilespmem:s1+$0x6810] =	vst v0  }
.Ltmp0:
0x18: {  	[tilespmem:s1+$0x6820] =	vst v0;
	(pc) =	sbr.rel @p0 .LBB2_2-.Ltmp0, $4  }
0x19: {  	[tilespmem:s1+$0x6830] =	vst v0  }
0x1a: {  	[tilespmem:s1+$0x6840] =	vst v0  }
0x1b: {  	[tilespmem:s1+$0x6850] =	vst v0  }
0x1c: {  	[tilespmem:s1+$0x6860] =	vst v0;
	s1 =	sshra.s32 s0, $0x2;
	s0 =	sadd.s32 $0x200, s0  }
0x1d: {  	[tilespmem:s1+$0x6870] =	vst v0  }
0x1e: {  	[tilespmem:s1+$0x6800] =	vst v0  }
0x1f: {  	[tilespmem:s1+$0x6810] =	vst v0  }
0x20: {  	[tilespmem:s1+$0x6820] =	vst v0  }
0x21: {  	[tilespmem:s1+$0x6830] =	vst v0  }
0x22: {  	[tilespmem:s1+$0x6840] =	vst v0  }
0x23: {  	[tilespmem:s1+$0x6850] =	vst v0  }
0x24: {  	[tilespmem:s1+$0x6860] =	vst v0  }
0x25: {  	[spmem:s5] =	stream.linear.scatter [tilespmem:s19], [sflag:$0x4], $0x2800, $0x38;
	[tilespmem:$0x1E800] =	vst v63  }
0x26: {  	s0 =	rddreg [dreg:$0x4]  }
0x27: {  	[spmem:s0] =	stream.linear.scatter [tilespmem:s19], [sflag:$0x4], $0x2800, $0x38;
	[tilespmem:$0x1E800] =	vst v63  }
0x28: {  	_ = 	snop  }
0x29: {  	[spmem:s7] =	stream.linear.scatter [tilespmem:s19], [sflag:$0x4], $0x2800, $0x38;
	[tilespmem:$0x1E800] =	vst v63  }
0x2a: {  	_ = 	snop  }
0x2b: {  	[spmem:s8] =	stream.linear.scatter [tilespmem:s19], [sflag:$0x4], $0x2800, $0x38;
	[tilespmem:$0x1E800] =	vst v63  }
0x2c: {  	_ = 	snop  }
0x2d: {  	[spmem:s9] =	stream.linear.scatter [tilespmem:s19], [sflag:$0x4], $0x2800, $0x38;
	[tilespmem:$0x1E800] =	vst v63  }
0x2e: {  	_ = 	snop  }
0x2f: {  	[spmem:s10] =	stream.linear.scatter [tilespmem:s19], [sflag:$0x4], $0x2800, $0x38;
	[tilespmem:$0x1E800] =	vst v63  }
0x30: {  	_ = 	snop  }
0x31: {  	[spmem:s11] =	stream.linear.scatter [tilespmem:s19], [sflag:$0x4], $0x2800, $0x38;
	[tilespmem:$0x1E800] =	vst v63  }
0x32: {  	_ = 	snop  }
0x33: {  	[spmem:s12] =	stream.linear.scatter [tilespmem:s19], [sflag:$0x4], $0x2800, $0x38;
	[tilespmem:$0x1E800] =	vst v63  }
0x34: {  	s6 =	simm.s32 $0x0  }
0x35: {  	[tilespmem:s6], [sflag:$0x1] =	stream.linear.gather [hbm4b:s13+s6], $0x1400, $0x38;
	[tilespmem:$0x1E800] =	vst v63  }
0x36: {  	_ = 	snop  }
0x37: {  	[tilespmem:s20], [sflag:$0x2] =	stream.linear.gather [hbm4b:s14+s6], $0x1400, $0x38;
	[tilespmem:$0x1E800] =	vst v63  }
0x38: {  	_ =	swait.ge [sflag:s21], $0x1400  }
0x39: {  	[sflag:s21] =	ssyncset.done $0x0  }
0x3a: {  	[sflag:s21] =	ssyncadd.s32 $0xFFFFEC00  }
0x3b: {  	[tilespmem:s23], [sflag:$0x1] =	stream.indirect.gather [hbm4b:s4+s22], $0x80, s6, s22, $0xb8;
	[tilespmem:$0x1E800] =	vst v63  }
0x3c: {  	_ =	swait.ge [sflag:s24], $0x1400  }
0x3d: {  	[sflag:s24] =	ssyncset.done $0x0  }
0x3e: {  	[sflag:s24] =	ssyncadd.s32 $0xFFFFEC00  }
0x3f: {  	_ =	swait.ge [sflag:s25], $0x2800  }
0x40: {  	[sflag:s25] =	ssyncset.done $0x0  }
0x41: {  	[sflag:s25] =	ssyncadd.s32 $0xFFFFD800  }
0x42: {  	_ =	swait.ge [sflag:s25], $0x2800  }
0x43: {  	[sflag:s25] =	ssyncset.done $0x0  }
0x44: {  	[sflag:s25] =	ssyncadd.s32 $0xFFFFD800  }
0x45: {  	_ =	swait.ge [sflag:s25], $0x2800  }
0x46: {  	[sflag:s25] =	ssyncset.done $0x0  }
0x47: {  	[sflag:s25] =	ssyncadd.s32 $0xFFFFD800  }
0x48: {  	_ =	swait.ge [sflag:s25], $0x2800  }
0x49: {  	[sflag:s25] =	ssyncset.done $0x0  }
0x4a: {  	[sflag:s25] =	ssyncadd.s32 $0xFFFFD800  }
0x4b: {  	_ =	swait.ge [sflag:s25], $0x2800  }
0x4c: {  	[sflag:s25] =	ssyncset.done $0x0  }
0x4d: {  	[sflag:s25] =	ssyncadd.s32 $0xFFFFD800  }
0x4e: {  	_ =	swait.ge [sflag:s25], $0x2800  }
0x4f: {  	[sflag:s25] =	ssyncset.done $0x0  }
0x50: {  	[sflag:s25] =	ssyncadd.s32 $0xFFFFD800  }
0x51: {  	_ =	swait.ge [sflag:s25], $0x2800  }
0x52: {  	[sflag:s25] =	ssyncset.done $0x0  }
0x53: {  	[sflag:s25] =	ssyncadd.s32 $0xFFFFD800  }
0x54: {  	_ =	swait.ge [sflag:s25], $0x2800  }
0x55: {  	[sflag:s25] =	ssyncset.done $0x0  }
0x56: {  	[sflag:s25] =	ssyncadd.s32 $0xFFFFD800  }
0x57: {  	[bflag:$0x0] =	sbarrier.arrive $0xFFFF  }
0x58: {  	_ =	swait.ge [sflag:s21], $0x3E80  }
0x59: {  	[sflag:s21] =	ssyncset.done $0x0  }
0x5a: {  	s1 =	simm.s32 $0x80;
	[sflag:s21] =	ssyncadd.s32 $0xFFFFC180  }
0x5b: {  	[tilespmem:s19], [sflag:$0x2] =	stream.indirect.gather [hbm4b:s4+s22], $0x80, s1, s22, $0xb8;
	[tilespmem:$0x1E800] =	vst v63  }
0x5c: {  	s6 =	simm.s32 $0x1400  }
0x5d: {  	[spmem:s2] =	stream.indirect.scatter.add.f32 [tilespmem:s23], [sflag:$0x3], $0x80, s6, s22, $0xb8;
	[tilespmem:$0x1E800] =	vst v63  }
0x5e: {  	_ =	swait.ge [sflag:s24], $0x3E80  }
0x5f: {  	[sflag:s24] =	ssyncset.done $0x0  }
0x60: {  	s1 =	simm.s32 $0x1480;
	[sflag:s24] =	ssyncadd.s32 $0xFFFFC180  }
0x61: {  	[spmem:s2] =	stream.indirect.scatter.add.f32 [tilespmem:s19], [sflag:$0x4], $0x80, s1, s22, $0xb8;
	[tilespmem:$0x1E800] =	vst v63  }
0x62: {  	_ =	swait.ge [sflag:s26], $0x3E80  }
0x63: {  	[sflag:s26] =	ssyncset.done $0x0  }
0x64: {  	s6 =	simm.s32 $0x100;
	[sflag:s26] =	ssyncadd.s32 $0xFFFFC180  }
0x65: {  	[tilespmem:s23], [sflag:$0x1] =	stream.indirect.gather [hbm4b:s4+s22], $0x80, s6, s22, $0xb8;
	[tilespmem:$0x1E800] =	vst v63  }
0x66: {  	_ =	swait.ge [sflag:s25], $0x3E80  }
0x67: {  	s1 =	simm.s32 $0x400;
	[sflag:s25] =	ssyncset.done $0x0  }
.LBB2_4:
0x68: {  	p0 =	sne.s32 s1, $0x4800  }
0x69: {  	[sflag:s25] =	ssyncadd.s32 $0xFFFFC180;
	s0 =	smov.u32 s1;
	s1 =	sadd.s32 $0x400, s1  }
0x6a: {  	_ =	swait.ge [sflag:s21], $0x3E80  }
0x6b: {  	s0 =	sshra.s32 s0, $0x2;
	[sflag:s21] =	ssyncset.done $0x0  }
0x6c: {  	s6 =	sadd.s32 $0x80, s0;
	[sflag:s21] =	ssyncadd.s32 $0xFFFFC180  }
0x6d: {  	[tilespmem:s19], [sflag:$0x2] =	stream.indirect.gather [hbm4b:s4+s22], $0x80, s6, s22, $0xb8;
	[tilespmem:$0x1E800] =	vst v63  }
0x6e: {  	s6 =	sadd.s32 $0x1400, s0  }
0x6f: {  	[spmem:s2] =	stream.indirect.scatter.add.f32 [tilespmem:s23], [sflag:$0x3], $0x80, s6, s22, $0xb8;
	[tilespmem:$0x1E800] =	vst v63  }
0x70: {  	_ =	swait.ge [sflag:s24], $0x3E80  }
0x71: {  	[sflag:s24] =	ssyncset.done $0x0  }
0x72: {  	s6 =	sadd.s32 $0x1480, s0;
	[sflag:s24] =	ssyncadd.s32 $0xFFFFC180  }
0x73: {  	[spmem:s2] =	stream.indirect.scatter.add.f32 [tilespmem:s19], [sflag:$0x4], $0x80, s6, s22, $0xb8;
	[tilespmem:$0x1E800] =	vst v63  }
0x74: {  	_ =	swait.ge [sflag:s26], $0x3E80  }
.Ltmp1:
0x75: {  	[sflag:s26] =	ssyncset.done $0x0;
	(pc) =	sbr.rel @p0 .LBB2_4-.Ltmp1, $4  }
0x76: {  	s0 =	sadd.s32 $0x100, s0;
	[sflag:s26] =	ssyncadd.s32 $0xFFFFC180  }
0x77: {  	[tilespmem:s23], [sflag:$0x1] =	stream.indirect.gather [hbm4b:s4+s22], $0x80, s0, s22, $0xb8;
	[tilespmem:$0x1E800] =	vst v63  }
0x78: {  	_ =	swait.ge [sflag:s25], $0x3E80  }
0x79: {  	[sflag:s25] =	ssyncset.done $0x0  }
0x7a: {  	[sflag:s25] =	ssyncadd.s32 $0xFFFFC180  }
0x7b: {  	_ =	swait.ge [sflag:s21], $0x3E80  }
0x7c: {  	[sflag:s21] =	ssyncset.done $0x0  }
0x7d: {  	[sflag:s21] =	ssyncadd.s32 $0xFFFFC180  }
0x7e: {  	[tilespmem:s19], [sflag:$0x2] =	stream.indirect.gather [hbm4b:s4+s22], $0x80, s28, s22, $0xb8;
	[tilespmem:$0x1E800] =	vst v63  }
0x7f: {  	_ = 	snop  }
0x80: {  	[spmem:s2] =	stream.indirect.scatter.add.f32 [tilespmem:s23], [sflag:$0x3], $0x80, s29, s22, $0xb8;
	[tilespmem:$0x1E800] =	vst v63  }
0x81: {  	_ =	swait.ge [sflag:s24], $0x3E80  }
0x82: {  	[sflag:s24] =	ssyncset.done $0x0  }
0x83: {  	[sflag:s24] =	ssyncadd.s32 $0xFFFFC180  }
0x84: {  	[spmem:s2] =	stream.indirect.scatter.add.f32 [tilespmem:s19], [sflag:$0x4], $0x80, s30, s22, $0xb8;
	[tilespmem:$0x1E800] =	vst v63  }
0x85: {  	_ =	swait.ge [sflag:s26], $0x3E80  }
0x86: {  	[sflag:s26] =	ssyncset.done $0x0  }
0x87: {  	[sflag:s26] =	ssyncadd.s32 $0xFFFFC180  }
0x88: {  	_ =	swait.ge [sflag:s25], $0x3E80  }
0x89: {  	[sflag:s25] =	ssyncset.done $0x0  }
0x8a: {  	s0 =	simm.s32 $0x0;
	[sflag:s25] =	ssyncadd.s32 $0xFFFFC180  }
0x8b: {  	[tilespmem:s0], [sflag:$0x1] =	stream.linear.gather [hbm4b:s15+s0], $0x1400, $0x38;
	[tilespmem:$0x1E800] =	vst v63  }
0x8c: {  	_ = 	snop  }
0x8d: {  	[tilespmem:s20], [sflag:$0x2] =	stream.linear.gather [hbm4b:s16+s0], $0x1400, $0x38;
	[tilespmem:$0x1E800] =	vst v63  }
0x8e: {  	_ =	swait.ge [sflag:s21], $0x1400  }
0x8f: {  	[sflag:s21] =	ssyncset.done $0x0  }
0x90: {  	[sflag:s21] =	ssyncadd.s32 $0xFFFFEC00  }
0x91: {  	[tilespmem:s23], [sflag:$0x1] =	stream.indirect.gather [hbm4b:s4+s22], $0x80, s0, s22, $0xb8;
	[tilespmem:$0x1E800] =	vst v63  }
0x92: {  	_ =	swait.ge [sflag:s24], $0x1400  }
0x93: {  	[sflag:s24] =	ssyncset.done $0x0  }
0x94: {  	[sflag:s24] =	ssyncadd.s32 $0xFFFFEC00  }
0x95: {  	_ =	swait.ge [sflag:s21], $0x3E80  }
0x96: {  	[sflag:s21] =	ssyncset.done $0x0  }
0x97: {  	s1 =	simm.s32 $0x80;
	[sflag:s21] =	ssyncadd.s32 $0xFFFFC180  }
0x98: {  	[tilespmem:s19], [sflag:$0x2] =	stream.indirect.gather [hbm4b:s4+s22], $0x80, s1, s22, $0xb8;
	[tilespmem:$0x1E800] =	vst v63  }
0x99: {  	s6 =	simm.s32 $0x1400  }
0x9a: {  	[spmem:s2] =	stream.indirect.scatter.add.f32 [tilespmem:s23], [sflag:$0x3], $0x80, s6, s22, $0xb8;
	[tilespmem:$0x1E800] =	vst v63  }
0x9b: {  	_ =	swait.ge [sflag:s24], $0x3E80  }
0x9c: {  	[sflag:s24] =	ssyncset.done $0x0  }
0x9d: {  	s1 =	simm.s32 $0x1480;
	[sflag:s24] =	ssyncadd.s32 $0xFFFFC180  }
0x9e: {  	[spmem:s2] =	stream.indirect.scatter.add.f32 [tilespmem:s19], [sflag:$0x4], $0x80, s1, s22, $0xb8;
	[tilespmem:$0x1E800] =	vst v63  }
0x9f: {  	_ =	swait.ge [sflag:s26], $0x3E80  }
0xa0: {  	[sflag:s26] =	ssyncset.done $0x0  }
0xa1: {  	s6 =	simm.s32 $0x100;
	[sflag:s26] =	ssyncadd.s32 $0xFFFFC180  }
0xa2: {  	[tilespmem:s23], [sflag:$0x1] =	stream.indirect.gather [hbm4b:s4+s22], $0x80, s6, s22, $0xb8;
	[tilespmem:$0x1E800] =	vst v63  }
0xa3: {  	_ =	swait.ge [sflag:s25], $0x3E80  }
0xa4: {  	s1 =	simm.s32 $0x400;
	[sflag:s25] =	ssyncset.done $0x0  }
.LBB2_6:
0xa5: {  	p0 =	sne.s32 s1, $0x4800  }
0xa6: {  	[sflag:s25] =	ssyncadd.s32 $0xFFFFC180;
	s0 =	smov.u32 s1;
	s1 =	sadd.s32 $0x400, s1  }
0xa7: {  	_ =	swait.ge [sflag:s21], $0x3E80  }
0xa8: {  	s0 =	sshra.s32 s0, $0x2;
	[sflag:s21] =	ssyncset.done $0x0  }
0xa9: {  	s6 =	sadd.s32 $0x80, s0;
	[sflag:s21] =	ssyncadd.s32 $0xFFFFC180  }
0xaa: {  	[tilespmem:s19], [sflag:$0x2] =	stream.indirect.gather [hbm4b:s4+s22], $0x80, s6, s22, $0xb8;
	[tilespmem:$0x1E800] =	vst v63  }
0xab: {  	s6 =	sadd.s32 $0x1400, s0  }
0xac: {  	[spmem:s2] =	stream.indirect.scatter.add.f32 [tilespmem:s23], [sflag:$0x3], $0x80, s6, s22, $0xb8;
	[tilespmem:$0x1E800] =	vst v63  }
0xad: {  	_ =	swait.ge [sflag:s24], $0x3E80  }
0xae: {  	[sflag:s24] =	ssyncset.done $0x0  }
0xaf: {  	s6 =	sadd.s32 $0x1480, s0;
	[sflag:s24] =	ssyncadd.s32 $0xFFFFC180  }
0xb0: {  	[spmem:s2] =	stream.indirect.scatter.add.f32 [tilespmem:s19], [sflag:$0x4], $0x80, s6, s22, $0xb8;
	[tilespmem:$0x1E800] =	vst v63  }
0xb1: {  	_ =	swait.ge [sflag:s26], $0x3E80  }
.Ltmp2:
0xb2: {  	[sflag:s26] =	ssyncset.done $0x0;
	(pc) =	sbr.rel @p0 .LBB2_6-.Ltmp2, $4  }
0xb3: {  	s0 =	sadd.s32 $0x100, s0;
	[sflag:s26] =	ssyncadd.s32 $0xFFFFC180  }
0xb4: {  	[tilespmem:s23], [sflag:$0x1] =	stream.indirect.gather [hbm4b:s4+s22], $0x80, s0, s22, $0xb8;
	[tilespmem:$0x1E800] =	vst v63  }
0xb5: {  	_ =	swait.ge [sflag:s25], $0x3E80  }
0xb6: {  	[sflag:s25] =	ssyncset.done $0x0  }
0xb7: {  	[sflag:s25] =	ssyncadd.s32 $0xFFFFC180  }
0xb8: {  	_ =	swait.ge [sflag:s21], $0x3E80  }
0xb9: {  	[sflag:s21] =	ssyncset.done $0x0  }
0xba: {  	[sflag:s21] =	ssyncadd.s32 $0xFFFFC180  }
0xbb: {  	[tilespmem:s19], [sflag:$0x2] =	stream.indirect.gather [hbm4b:s4+s22], $0x80, s28, s22, $0xb8;
	[tilespmem:$0x1E800] =	vst v63  }
0xbc: {  	_ = 	snop  }
0xbd: {  	[spmem:s2] =	stream.indirect.scatter.add.f32 [tilespmem:s23], [sflag:$0x3], $0x80, s29, s22, $0xb8;
	[tilespmem:$0x1E800] =	vst v63  }
0xbe: {  	_ =	swait.ge [sflag:s24], $0x3E80  }
0xbf: {  	[sflag:s24] =	ssyncset.done $0x0  }
0xc0: {  	[sflag:s24] =	ssyncadd.s32 $0xFFFFC180  }
0xc1: {  	[spmem:s2] =	stream.indirect.scatter.add.f32 [tilespmem:s19], [sflag:$0x4], $0x80, s30, s22, $0xb8;
	[tilespmem:$0x1E800] =	vst v63  }
0xc2: {  	_ =	swait.ge [sflag:s26], $0x3E80  }
0xc3: {  	[sflag:s26] =	ssyncset.done $0x0  }
0xc4: {  	[sflag:s26] =	ssyncadd.s32 $0xFFFFC180  }
0xc5: {  	s0 =	stileid.u32;
	_ =	swait.ge [sflag:s25], $0x3E80  }
0xc6: {  	s1 =	sshrl.u32 s5, $0x3;
	s3 =	sadd.s32 $0x1, s3;
	[sflag:s25] =	ssyncset.done $0x0  }
0xc7: {  	s0 =	sshll.u32 s0, $0x6;
	p0 =	sne.s32 s3, s18;
	[sflag:s25] =	ssyncadd.s32 $0xFFFFC180  }
.Ltmp3:
0xc8: {  	s0 =	sor.u32 $0x1C05, s0;
	[bflag:$0x0] =	sbarrier.arrive $0xFFFF;
	(pc) =	sbr.rel @p0 .LBB2_1-.Ltmp3, $4  }
0xc9: {  	[hbm:s17], [sflag:s0] =	dma.local [spmem:s1], $0x2800  }
0xca: {  	_ =	swait.ge [sflag:s31], $0x2800  }
0xcb: {  	[sflag:s31] =	ssyncset.done $0x0  }
0xcc: {  	[sflag:s31] =	ssyncadd.s32 $0xFFFFD800  }
0xcd: {  	_ =	sfence.sel $0x180000  }
0xce: {  	[bflag:$0x0] =	sbarrier.arrive $0xFFFF  }
0xcf: {  	_ =	strace $0x9000004D  }
0xd0: {  	s0 =	stileid.u32;
	[bflag:$0x2] =	sbarrier.arrive $0xFFFF  }
0xd1: {  	p0 =	sne.s32 s0, $0x0;
	s0 =	rddreg [dreg:$0x3]  }
0xd2: {  	s0 =	sadd.s32 @!p0 $0x100000, s0  }
0xd3: {  	[sflag:s0] =	ssyncadd.tile.s32 @!p0 $0x1;
	_ =	shalt  }
.Lfunc_end2:
_tile_overlayer_lowered:
.L_overlay_start_2:
0xd4: {  	(tag) =	ssettag $0x2  }
0xd5: {  	s0 =	rddreg [dreg:$0x0];
	s2 =	stileid.u32  }
0xd6: {  	s1 =	rddreg [dreg:$0x1];
	p0 =	sne.s32 s2, $0x0  }
0xd7: {  	s3 =	rddreg [dreg:$0x2];
	[bflag:$0x3] =	sbarrier.arrive $0xFFFF;
	s2 =	simm.s32 @!p0 $0x1C05  }
0xd8: {  	[timem:s3], [sflag:s2] =	dma.local @!p0 [hbm:s0], s1  }
0xd9: {  	s0 =	simm.s32 @!p0 $0x5  }
0xda: {  	_ =	swait.ge @!p0 [sflag:s0], s1  }
0xdb: {  	s1 =	ssub.s32 @!p0 $0x0, s1;
	[sflag:s0] =	ssyncset.done @!p0 $0x0  }
0xdc: {  	[sflag:s0] =	ssyncadd.s32 @!p0 s1  }
0xdd: {  	[bflag:$0x3] =	sbarrier.arrive $0xFFFF  }
0xde: {  	_ =	shalt  }

// kernel: kernel.19.cloned.1.call-start
scs
__scs_entry_jumppad:
0x0: {  	(pc) =	sbr.rel $0x88, $3  }
0x1: {  	(tag) =	ssettag $0x0;
	lr =	simm.s32 $0x1  }
0x2: {  	[smem:$0x3F99] =	sst lr;
	_ =	strace $0xD0000000  }
0x3: {  	_ = 	snop  }
0x4: {  	_ = 	snop  }
0x5: {  	_ = 	snop  }
0x6: {  	_ = 	snop  }
0x7: {  	_ = 	snop  }
__scs_overlays_trampoline_lowered:
0x8: {  	[smem:$0x3FA8] =	sst s0  }
0x9: {  	[smem:$0x3FA9] =	sst s1  }
0xa: {  	[smem:$0x3FAA] =	sst s2  }
0xb: {  	[smem:$0x3FAB] =	sst s3  }
0xc: {  	[smem:$0x3FAC] =	sst s4  }
0xd: {  	[smem:$0x3FAD] =	sst s5  }
0xe: {  	[smem:$0x3FAE] =	sst s6  }
0xf: {  	[smem:$0x3FAF] =	sst s7  }
0x10: {  	[smem:$0x3FB0] =	sst s8  }
0x11: {  	[smem:$0x3FB1] =	sst s9;
	s0 =	simm.s32 @!p0 $0x0  }
0x12: {  	s1 =	sld [smem:$0x3F97];
	s0 =	simm.s32 @p0 $0x1  }
0x13: {  	[smem:$0x3FB2] =	sst s0;
	s0 =	simm.s32 @!p1 $0x0  }
0x14: {  	s2 =	sld [smem:$0x3F96];
	s0 =	simm.s32 @p1 $0x1  }
0x15: {  	[smem:$0x3FB3] =	sst s0;
	s0 =	simm.s32 @!p2 $0x0  }
0x16: {  	s3 =	sld [smem:$0x3FDB];
	s0 =	simm.s32 @p2 $0x1  }
0x17: {  	s4 =	simm.s32 $0x1BF5;
	[smem:$0x3FB5] =	sst s0  }
0x18: {  	s0 =	sld [smem:$0x3F98];
	_ =	swait.ge [sflag:s4], $0x0  }
0x19: {  	s7 =	sld [smem:$0x3F99]  }
0x1a: {  	s8 =	sadd.s32 $0xFFFFE003, lr  }
0x1b: {  	s9 =	sadd.s32 $0xFFFFFEF7, lr;
	s5 =	simm.s32 $0xFFFFFFFF;
	p2 =	slt.u32 s8, $0xFFFFF086  }
0x1c: {  	p1 =	slt.u32 s9, $0xF7A;
	s5 =	simm.s32 @!p2 $0x0  }
0x1d: {  	s5 =	simm.s32 @p1 $0x1;
	p0 =	seq.s32 s7, s2  }
0x1e: {  	s7 =	smul.u32 @!p0 $0xF7A, s2;
	p2 =	seq.s32 @!p0 s5, $0x0  }
0x1f: {  	s9 =	smul.u32 $0xF7A, s1;
	s8 =	simm.s32 @!p0 $0x1BF5;
	p2 =	por !p2, p0  }
0x20: {  	[sflag:s8] =	ssyncset.s32 @!p0 $0xFFFFF086;
	s6 =	sadd.s32 @!p0 s3, s7;
	s7 =	simm.s32 @!p0 $0x108  }
0x21: {  	s3 =	sadd.s32 s3, s9;
	s6 =	sadd.s32 @!p0 $0x88, s6;
	s7 =	simm.s32 @p2 $0x1082  }
0x22: {  	[simem:s7], [sflag:s8] =	dma.local @!p0 [hbm:s6], $0xF7A  }
0x23: {  	s9 =	sor.u32 $0xD0000000, s2;
	s6 =	simm.s32 $0x108;
	_ =	swait.ge @!p0 [sflag:s8], $0x0  }
0x24: {  	s3 =	sadd.s32 $0x88, s3;
	s6 =	simm.s32 @!p1 $0x1082;
	[sflag:s4] =	ssyncset.s32 $0xFFFFF086  }
0x25: {  	[simem:s6], [sflag:s4] =	dma.local [hbm:s3], $0xF7A  }
0x26: {  	[smem:$0x3F99] =	sst s1;
	(tag) =	ssettag s2;
	_ =	strace s9  }
0x27: {  	s1 =	sld [smem:$0x3FA9]  }
0x28: {  	s2 =	sld [smem:$0x3FAA]  }
0x29: {  	s4 =	sld [smem:$0x3FAC]  }
0x2a: {  	p0 =	seq.s32 s5, $0x0;
	s5 =	sld [smem:$0x3FAD]  }
0x2b: {  	s6 =	sld [smem:$0x3FAE]  }
0x2c: {  	s7 =	sld [smem:$0x3FAF]  }
0x2d: {  	s3 =	simm.s32 $0x108;
	s8 =	sld [smem:$0x3FB0]  }
0x2e: {  	s3 =	simm.s32 @!p0 $0x1082;
	s9 =	sld [smem:$0x3FB1]  }
0x2f: {  	lr =	sadd.s32 s0, s3;
	s0 =	sld [smem:$0x3FA8]  }
0x30: {  	s3 =	sld [smem:$0x3FAB]  }
0x31: {  	[smem:$0x3FB4] =	sst s10  }
0x32: {  	s10 =	sld [smem:$0x3FB2];
	_ =	sdelay $0x3  }
0x33: {  	p0 =	seq.s32 s10, $0x1;
	s10 =	sld [smem:$0x3FB4];
	_ =	sdelay $0x3  }
0x34: {  	[smem:$0x3FB4] =	sst s10  }
0x35: {  	s10 =	sld [smem:$0x3FB3];
	_ =	sdelay $0x3  }
0x36: {  	p1 =	seq.s32 s10, $0x1;
	s10 =	sld [smem:$0x3FB4];
	_ =	sdelay $0x3  }
0x37: {  	[smem:$0x3FB4] =	sst s10  }
0x38: {  	s10 =	sld [smem:$0x3FB5]  }
0x39: {  	_ = 	snop;
	(pc) =	sbr.ind lr, $3  }
0x3a: {  	_ = 	snop  }
0x3b: {  	_ = 	snop  }
0x3c: {  	p2 =	seq.s32 s10, $0x1;
	s10 =	sld [smem:$0x3FB4]  }
0x3d: {  	_ =	shalt  }
0x3e: {  	_ =	shalt  }
0x3f: {  	_ =	shalt  }
0x40: {  	_ =	shalt  }
0x41: {  	_ =	shalt  }
0x42: {  	_ =	shalt  }
0x43: {  	_ =	shalt  }
0x44: {  	_ =	shalt  }
0x45: {  	_ =	shalt  }
0x46: {  	_ =	shalt  }
0x47: {  	_ =	shalt  }
0x48: {  	_ =	shalt  }
0x49: {  	_ =	shalt  }
0x4a: {  	_ =	shalt  }
0x4b: {  	_ =	shalt  }
0x4c: {  	_ =	shalt  }
0x4d: {  	_ =	shalt  }
0x4e: {  	_ =	shalt  }
0x4f: {  	_ =	shalt  }
0x50: {  	_ =	shalt  }
0x51: {  	_ =	shalt  }
0x52: {  	_ =	shalt  }
0x53: {  	_ =	shalt  }
0x54: {  	_ =	shalt  }
0x55: {  	_ =	shalt  }
0x56: {  	_ =	shalt  }
0x57: {  	_ =	shalt  }
0x58: {  	_ =	shalt  }
0x59: {  	_ =	shalt  }
0x5a: {  	_ =	shalt  }
0x5b: {  	_ =	shalt  }
0x5c: {  	_ =	shalt  }
0x5d: {  	_ =	shalt  }
0x5e: {  	_ =	shalt  }
0x5f: {  	_ =	shalt  }
0x60: {  	_ =	shalt  }
0x61: {  	_ =	shalt  }
0x62: {  	_ =	shalt  }
0x63: {  	_ =	shalt  }
0x64: {  	_ =	shalt  }
0x65: {  	_ =	shalt  }
0x66: {  	_ =	shalt  }
0x67: {  	_ =	shalt  }
0x68: {  	_ =	shalt  }
0x69: {  	_ =	shalt  }
0x6a: {  	_ =	shalt  }
0x6b: {  	_ =	shalt  }
0x6c: {  	_ =	shalt  }
0x6d: {  	_ =	shalt  }
0x6e: {  	_ =	shalt  }
0x6f: {  	_ =	shalt  }
0x70: {  	_ =	shalt  }
0x71: {  	_ =	shalt  }
0x72: {  	_ =	shalt  }
0x73: {  	_ =	shalt  }
0x74: {  	_ =	shalt  }
0x75: {  	_ =	shalt  }
0x76: {  	_ =	shalt  }
0x77: {  	_ =	shalt  }
0x78: {  	_ =	shalt  }
0x79: {  	_ =	shalt  }
0x7a: {  	_ =	shalt  }
0x7b: {  	_ =	shalt  }
0x7c: {  	_ =	shalt  }
0x7d: {  	_ =	shalt  }
0x7e: {  	_ =	shalt  }
0x7f: {  	_ =	shalt  }
0x80: {  	_ =	shalt  }
0x81: {  	_ =	shalt  }
0x82: {  	_ =	shalt  }
0x83: {  	_ =	shalt  }
0x84: {  	_ =	shalt  }
0x85: {  	_ =	shalt  }
0x86: {  	_ =	shalt  }
0x87: {  	_ =	shalt  }
.Lfunc_end0:
.L_simem_size_0:
called_computation.3_lowered:
.L_overlay_start_0:
0x88: {  	s2 =	sld [smem:$0x3FD9]  }
0x89: {  	s3 =	sld [smem:$0x3FFE];
	_ =	sdelay $0x1  }
0x8a: {  	s1 =	srdreg.scid  }
0x8b: {  	s0 =	sand.u32 $0x1, s1  }
0x8c: {  	s17 =	sshll.u32 s0, $0xA;
	s2 =	sadd.s32 s3, s2  }
0x8d: {  	s2 =	sadd.s32 s2, s17  }
0x8e: {  	[smem:$0x3FC0] =	sst s2  }
0x8f: {  	_ = 	snop  }
0x90: {  	s2 =	sld [smem:$0x3FD0];
	(tm) =	ssettm $0x1  }
0x91: {  	s18 =	sld [smem:$0x3FFB];
	_ =	sdelay $0x3  }
0x92: {  	_ =	strace s18  }
0x93: {  	s3 =	sld [smem:$0x3FFC];
	_ =	sdelay $0x3  }
0x94: {  	_ =	strace s3  }
0x95: {  	s3 =	sld [smem:$0x3FFD];
	_ =	sdelay $0x3  }
0x96: {  	_ =	strace s3  }
0x97: {  	_ =	strace $0x8FFFFFFF  }
0x98: {  	s19 =	sld [smem:$0x3FDB];
	_ =	sdelay $0x1  }
0x99: {  	s4 =	simm.s32 $_scs_section_size  }
0x9a: {  	s5 =	simm.s32 $_size__tile_overlayer_lowered;
	s6 =	simm.s32 $_tile_overlayer_lowered  }
0x9b: {  	s22 =	simm.s32 $0x1BFF;
	s21 =	sshll.u32 s6, $0x1;
	s3 =	sadd.s32 s4, s19  }
0x9c: {  	s7 =	simm.s32 $0x0;
	s20 =	sshll.u32 s5, $0x1;
	s5 =	sadd.s32 s21, s3  }
0x9d: {  	[timem:s7], [sflag:s22] =	dma.local [hbm:s5], s20  }
0x9e: {  	_ =	swait.ge [sflag:s22], s20  }
0x9f: {  	s4 =	ssub.s32 $0x0, s20;
	[sflag:s22] =	ssyncset.done $0x0  }
0xa0: {  	[sflag:s22] =	ssyncadd.s32 s4;
	_ =	sdelay $0x1  }
0xa1: {  	s23 =	simm.s32 $0x1B8B  }
0xa2: {  	_ =	swait.ge [sflag:s23], $0x1  }
0xa3: {  	[sflag:s23] =	ssyncset.done $0x0  }
0xa4: {  	s25 =	simm.s32 $0x1B8E;
	s24 =	sld [smem:$0x3FFE];
	[sflag:s23] =	ssyncadd.s32 $0xFFFFFFFF  }
0xa5: {  	s26 =	simm.s32 $execute0_lowered;
	[smem:$0x3FD2] =	sst s25  }
0xa6: {  	s5 =	sshll.u32 s26, $0x1;
	_ =	strace $0x8000004F;
	[dreg:$0x1] =	wrdreg $0xFFFFFFFF  }
0xa7: {  	s28 =	simm.s32 $_size_execute0_lowered;
	s3 =	sadd.s32 s3, s5;
	[dreg:$0x0] =	wrdreg $0x0  }
0xa8: {  	s5 =	sshll.u32 s28, $0x1;
	[dreg:$0x2] =	wrdreg s3  }
0xa9: {  	[dreg:$0x3] =	wrdreg s5  }
0xaa: {  	[dreg:$0x4] =	wrdreg $0xC0  }
0xab: {  	_ =	task [dreg:s7], $0x5FFFF  }
0xac: {  	[dreg:$0x1] =	wrdreg $0xFFFFFFFF  }
0xad: {  	[dreg:$0x0] =	wrdreg $0x60  }
0xae: {  	[dreg:$0x2] =	wrdreg s24  }
0xaf: {  	[dreg:$0x3] =	wrdreg s2  }
0xb0: {  	[dreg:$0x4] =	wrdreg $0xA8000  }
0xb1: {  	[dreg:$0x5] =	wrdreg $0x9  }
0xb2: {  	_ =	task.clear_ibuf [dreg:s7], $0x6FFFF;
	_ =	strace $0x9000004F  }
0xb3: {  	s29 =	simm.s32 $0x9;
	_ =	strace $0x80000051  }
0xb4: {  	_ =	swait.ge [sflag:s29], $0x1  }
0xb5: {  	[sflag:s29] =	ssyncadd.s32 $0xFFFFFFFF  }
0xb6: {  	_ =	strace $0x90000051  }
0xb7: {  	_ =	sfence  }
0xb8: {  	s30 =	sld [smem:$0x0];
	_ =	sdelay $0x2  }
0xb9: {  	s31 =	sshll.u32 s1, $0xD;
	s1 =	sshrl.u32 s1, $0x2  }
0xba: {  	s3 =	sand.u32 $0x4000, s31;
	s1 =	sadd.s32 s1, s30  }
0xbb: {  	s0 =	sor.u32 s3, s0;
	s1 =	sshll.u32 s1, $0x11  }
0xbc: {  	s0 =	sor.u32 s1, s0  }
0xbd: {  	s0 =	sadd.s32 $0x8F2B, s0  }
0xbe: {  	[sflag:s0] =	ssyncadd.remote.s32 $0x1  }
0xbf: {  	_ =	sfence.sel $0xFFFF  }
0xc0: {  	[dreg:$0x0] =	wrdreg $0xFFFFFFFF;
	(pc) =	sbr.abs _section_cstart, $3  }
0xc1: {  	[dreg:$0x1] =	wrdreg $0xFFFFFFFF  }
0xc2: {  	_ =	task.clear_ibuf [dreg:s7], $0x2FFFF;
	_ =	strace $0x9FFFFFFF  }
0xc3: {  	(tm) =	ssettm $0x7FFFFFFF  }
tec
execute0_lowered:
.L_overlay_start_1:
0x0: {  	(tag) =	ssettag $0x1  }
0x1: {  	s0 =	rddreg [dreg:$0x0]  }
0x2: {  	s1 =	srdreg.scid;
	s16 =	rddreg [dreg:$0x1]  }
0x3: {  	s8 =	stileid.u32;
	s2 =	rddreg [dreg:$0x2];
	s3 =	simm.s32 $0x0  }
0x4: {  	s19 =	simm.s32 $0x6800;
	s20 =	simm.s32 $0x1400;
	s21 =	simm.s32 $0x1  }
0x5: {  	s22 =	simm.s32 $0x7D;
	s23 =	simm.s32 $0x2800;
	s28 =	simm.s32 $0x1380  }
0x6: {  	s29 =	simm.s32 $0x2700;
	s30 =	simm.s32 $0x2780;
	s5 =	smul.u32 $0x14000, s8  }
0x7: {  	s31 =	simm.s32 $0x5;
	s1 =	sand.u32 $0x1, s1;
	s6 =	smul.u32 $0x50000, s8  }
0x8: {  	[smem:$0x7FF] =	sst s3;
	s15 =	sadd.s32 $0x3200, s0;
	s4 =	smul.u32 $0x140000, s1  }
0x9: {  	_ =	strace $0x80000050;
	s7 =	ssub.s32 $0x2, s1;
	s1 =	sshll.u32 s1, $0x4  }
0xa: {  	s24 =	sshrl.u32 s6, $0x2;
	s25 =	sshrl.u32 s7, $0x1;
	s1 =	sor.u32 s8, s1  }
0xb: {  	s4 =	sadd.s32 s5, s4;
	s18 =	ssub.s32 s7, s25;
	s11 =	smul.u32 $0x2800, s1  }
0xc: {  	s1 =	smul.u32 $0x500, s1;
	s25 =	simm.s32 $0x4;
	s5 =	sshrl.u32 s4, $0x3  }
0xd: {  	s4 =	sadd.s32 $0xD200, s0;
	s18 =	smax.u32 s18, $0x1;
	s0 =	sadd.s32 s5, s0  }
0xe: {  	s5 =	sadd.s32 s24, s2;
	s13 =	sshrl.u32 s11, $0x3;
	s14 =	sadd.s32 s16, s1  }
0xf: {  	s24 =	simm.s32 $0x2;
	s26 =	sadd.s32 $0x2800, s5;
	s7 =	sadd.s32 $0x5000, s5  }
0x10: {  	s8 =	sadd.s32 $0x7800, s5;
	s9 =	sadd.s32 $0xA000, s5;
	s10 =	sadd.s32 $0xC800, s5  }
0x11: {  	s11 =	sadd.s32 $0xF000, s5;
	s12 =	sadd.s32 $0x11800, s5;
	s17 =	sadd.s32 $0x280, s13  }
0x12: {  	s13 =	sadd.s32 s15, s1;
	[dreg:$0x4] =	wrdreg s26;
	s15 =	sadd.s32 s15, s17  }
0x13: {  	v0 =	vimm.f32 $0.0e+00;
	s16 =	sadd.s32 s16, s17;
	s17 =	sadd.s32 $0x34400, s0;
	s26 =	simm.s32 $0x3  }
.LBB2_1:
0x14: {  	s1 =	simm.s32 $0x0;
	s0 =	simm.s32 $0x200  }
.LBB2_2:
0x15: {  	p0 =	sne.s32 s0, $0x9E00;
	[tilespmem:s1+$0x6870] =	vst v0  }
0x16: {  	[tilespmem:s1+$0x6800] =	vst v0  }
0x17: {  	[tilespmem:s1+$0x6810] =	vst v0  }
.Ltmp0:
0x18: {  	[tilespmem:s1+$0x6820] =	vst v0;
	(pc) =	sbr.rel @p0 .LBB2_2-.Ltmp0, $4  }
0x19: {  	[tilespmem:s1+$0x6830] =	vst v0  }
0x1a: {  	[tilespmem:s1+$0x6840] =	vst v0  }
0x1b: {  	[tilespmem:s1+$0x6850] =	vst v0  }
0x1c: {  	[tilespmem:s1+$0x6860] =	vst v0;
	s1 =	sshra.s32 s0, $0x2;
	s0 =	sadd.s32 $0x200, s0  }
0x1d: {  	[tilespmem:s1+$0x6870] =	vst v0  }
0x1e: {  	[tilespmem:s1+$0x6800] =	vst v0  }
0x1f: {  	[tilespmem:s1+$0x6810] =	vst v0  }
0x20: {  	[tilespmem:s1+$0x6820] =	vst v0  }
0x21: {  	[tilespmem:s1+$0x6830] =	vst v0  }
0x22: {  	[tilespmem:s1+$0x6840] =	vst v0  }
0x23: {  	[tilespmem:s1+$0x6850] =	vst v0  }
0x24: {  	[tilespmem:s1+$0x6860] =	vst v0  }
0x25: {  	[spmem:s5] =	stream.linear.scatter [tilespmem:s19], [sflag:$0x4], $0x2800, $0x38;
	[tilespmem:$0x1E800] =	vst v63  }
0x26: {  	s0 =	rddreg [dreg:$0x4]  }
0x27: {  	[spmem:s0] =	stream.linear.scatter [tilespmem:s19], [sflag:$0x4], $0x2800, $0x38;
	[tilespmem:$0x1E800] =	vst v63  }
0x28: {  	_ = 	snop  }
0x29: {  	[spmem:s7] =	stream.linear.scatter [tilespmem:s19], [sflag:$0x4], $0x2800, $0x38;
	[tilespmem:$0x1E800] =	vst v63  }
0x2a: {  	_ = 	snop  }
0x2b: {  	[spmem:s8] =	stream.linear.scatter [tilespmem:s19], [sflag:$0x4], $0x2800, $0x38;
	[tilespmem:$0x1E800] =	vst v63  }
0x2c: {  	_ = 	snop  }
0x2d: {  	[spmem:s9] =	stream.linear.scatter [tilespmem:s19], [sflag:$0x4], $0x2800, $0x38;
	[tilespmem:$0x1E800] =	vst v63  }
0x2e: {  	_ = 	snop  }
0x2f: {  	[spmem:s10] =	stream.linear.scatter [tilespmem:s19], [sflag:$0x4], $0x2800, $0x38;
	[tilespmem:$0x1E800] =	vst v63  }
0x30: {  	_ = 	snop  }
0x31: {  	[spmem:s11] =	stream.linear.scatter [tilespmem:s19], [sflag:$0x4], $0x2800, $0x38;
	[tilespmem:$0x1E800] =	vst v63  }
0x32: {  	_ = 	snop  }
0x33: {  	[spmem:s12] =	stream.linear.scatter [tilespmem:s19], [sflag:$0x4], $0x2800, $0x38;
	[tilespmem:$0x1E800] =	vst v63  }
0x34: {  	s6 =	simm.s32 $0x0  }
0x35: {  	[tilespmem:s6], [sflag:$0x1] =	stream.linear.gather [hbm4b:s13+s6], $0x1400, $0x38;
	[tilespmem:$0x1E800] =	vst v63  }
0x36: {  	_ = 	snop  }
0x37: {  	[tilespmem:s20], [sflag:$0x2] =	stream.linear.gather [hbm4b:s14+s6], $0x1400, $0x38;
	[tilespmem:$0x1E800] =	vst v63  }
0x38: {  	_ =	swait.ge [sflag:s21], $0x1400  }
0x39: {  	[sflag:s21] =	ssyncset.done $0x0  }
0x3a: {  	[sflag:s21] =	ssyncadd.s32 $0xFFFFEC00  }
0x3b: {  	[tilespmem:s23], [sflag:$0x1] =	stream.indirect.gather [hbm4b:s4+s22], $0x80, s6, s22, $0xb8;
	[tilespmem:$0x1E800] =	vst v63  }
0x3c: {  	_ =	swait.ge [sflag:s24], $0x1400  }
0x3d: {  	[sflag:s24] =	ssyncset.done $0x0  }
0x3e: {  	[sflag:s24] =	ssyncadd.s32 $0xFFFFEC00  }
0x3f: {  	_ =	swait.ge [sflag:s25], $0x2800  }
0x40: {  	[sflag:s25] =	ssyncset.done $0x0  }
0x41: {  	[sflag:s25] =	ssyncadd.s32 $0xFFFFD800  }
0x42: {  	_ =	swait.ge [sflag:s25], $0x2800  }
0x43: {  	[sflag:s25] =	ssyncset.done $0x0  }
0x44: {  	[sflag:s25] =	ssyncadd.s32 $0xFFFFD800  }
0x45: {  	_ =	swait.ge [sflag:s25], $0x2800  }
0x46: {  	[sflag:s25] =	ssyncset.done $0x0  }
0x47: {  	[sflag:s25] =	ssyncadd.s32 $0xFFFFD800  }
0x48: {  	_ =	swait.ge [sflag:s25], $0x2800  }
0x49: {  	[sflag:s25] =	ssyncset.done $0x0  }
0x4a: {  	[sflag:s25] =	ssyncadd.s32 $0xFFFFD800  }
0x4b: {  	_ =	swait.ge [sflag:s25], $0x2800  }
0x4c: {  	[sflag:s25] =	ssyncset.done $0x0  }
0x4d: {  	[sflag:s25] =	ssyncadd.s32 $0xFFFFD800  }
0x4e: {  	_ =	swait.ge [sflag:s25], $0x2800  }
0x4f: {  	[sflag:s25] =	ssyncset.done $0x0  }
0x50: {  	[sflag:s25] =	ssyncadd.s32 $0xFFFFD800  }
0x51: {  	_ =	swait.ge [sflag:s25], $0x2800  }
0x52: {  	[sflag:s25] =	ssyncset.done $0x0  }
0x53: {  	[sflag:s25] =	ssyncadd.s32 $0xFFFFD800  }
0x54: {  	_ =	swait.ge [sflag:s25], $0x2800  }
0x55: {  	[sflag:s25] =	ssyncset.done $0x0  }
0x56: {  	[sflag:s25] =	ssyncadd.s32 $0xFFFFD800  }
0x57: {  	[bflag:$0x0] =	sbarrier.arrive $0xFFFF  }
0x58: {  	_ =	swait.ge [sflag:s21], $0x3E80  }
0x59: {  	[sflag:s21] =	ssyncset.done $0x0  }
0x5a: {  	s1 =	simm.s32 $0x80;
	[sflag:s21] =	ssyncadd.s32 $0xFFFFC180  }
0x5b: {  	[tilespmem:s19], [sflag:$0x2] =	stream.indirect.gather [hbm4b:s4+s22], $0x80, s1, s22, $0xb8;
	[tilespmem:$0x1E800] =	vst v63  }
0x5c: {  	s6 =	simm.s32 $0x1400  }
0x5d: {  	[spmem:s2] =	stream.indirect.scatter.add.f32 [tilespmem:s23], [sflag:$0x3], $0x80, s6, s22, $0xb8;
	[tilespmem:$0x1E800] =	vst v63  }
0x5e: {  	_ =	swait.ge [sflag:s24], $0x3E80  }
0x5f: {  	[sflag:s24] =	ssyncset.done $0x0  }
0x60: {  	s1 =	simm.s32 $0x1480;
	[sflag:s24] =	ssyncadd.s32 $0xFFFFC180  }
0x61: {  	[spmem:s2] =	stream.indirect.scatter.add.f32 [tilespmem:s19], [sflag:$0x4], $0x80, s1, s22, $0xb8;
	[tilespmem:$0x1E800] =	vst v63  }
0x62: {  	_ =	swait.ge [sflag:s26], $0x3E80  }
0x63: {  	[sflag:s26] =	ssyncset.done $0x0  }
0x64: {  	s6 =	simm.s32 $0x100;
	[sflag:s26] =	ssyncadd.s32 $0xFFFFC180  }
0x65: {  	[tilespmem:s23], [sflag:$0x1] =	stream.indirect.gather [hbm4b:s4+s22], $0x80, s6, s22, $0xb8;
	[tilespmem:$0x1E800] =	vst v63  }
0x66: {  	_ =	swait.ge [sflag:s25], $0x3E80  }
0x67: {  	s1 =	simm.s32 $0x400;
	[sflag:s25] =	ssyncset.done $0x0  }
.LBB2_4:
0x68: {  	p0 =	sne.s32 s1, $0x4800  }
0x69: {  	[sflag:s25] =	ssyncadd.s32 $0xFFFFC180;
	s0 =	smov.u32 s1;
	s1 =	sadd.s32 $0x400, s1  }
0x6a: {  	_ =	swait.ge [sflag:s21], $0x3E80  }
0x6b: {  	s0 =	sshra.s32 s0, $0x2;
	[sflag:s21] =	ssyncset.done $0x0  }
0x6c: {  	s6 =	sadd.s32 $0x80, s0;
	[sflag:s21] =	ssyncadd.s32 $0xFFFFC180  }
0x6d: {  	[tilespmem:s19], [sflag:$0x2] =	stream.indirect.gather [hbm4b:s4+s22], $0x80, s6, s22, $0xb8;
	[tilespmem:$0x1E800] =	vst v63  }
0x6e: {  	s6 =	sadd.s32 $0x1400, s0  }
0x6f: {  	[spmem:s2] =	stream.indirect.scatter.add.f32 [tilespmem:s23], [sflag:$0x3], $0x80, s6, s22, $0xb8;
	[tilespmem:$0x1E800] =	vst v63  }
0x70: {  	_ =	swait.ge [sflag:s24], $0x3E80  }
0x71: {  	[sflag:s24] =	ssyncset.done $0x0  }
0x72: {  	s6 =	sadd.s32 $0x1480, s0;
	[sflag:s24] =	ssyncadd.s32 $0xFFFFC180  }
0x73: {  	[spmem:s2] =	stream.indirect.scatter.add.f32 [tilespmem:s19], [sflag:$0x4], $0x80, s6, s22, $0xb8;
	[tilespmem:$0x1E800] =	vst v63  }
0x74: {  	_ =	swait.ge [sflag:s26], $0x3E80  }
.Ltmp1:
0x75: {  	[sflag:s26] =	ssyncset.done $0x0;
	(pc) =	sbr.rel @p0 .LBB2_4-.Ltmp1, $4  }
0x76: {  	s0 =	sadd.s32 $0x100, s0;
	[sflag:s26] =	ssyncadd.s32 $0xFFFFC180  }
0x77: {  	[tilespmem:s23], [sflag:$0x1] =	stream.indirect.gather [hbm4b:s4+s22], $0x80, s0, s22, $0xb8;
	[tilespmem:$0x1E800] =	vst v63  }
0x78: {  	_ =	swait.ge [sflag:s25], $0x3E80  }
0x79: {  	[sflag:s25] =	ssyncset.done $0x0  }
0x7a: {  	[sflag:s25] =	ssyncadd.s32 $0xFFFFC180  }
0x7b: {  	_ =	swait.ge [sflag:s21], $0x3E80  }
0x7c: {  	[sflag:s21] =	ssyncset.done $0x0  }
0x7d: {  	[sflag:s21] =	ssyncadd.s32 $0xFFFFC180  }
0x7e: {  	[tilespmem:s19], [sflag:$0x2] =	stream.indirect.gather [hbm4b:s4+s22], $0x80, s28, s22, $0xb8;
	[tilespmem:$0x1E800] =	vst v63  }
0x7f: {  	_ = 	snop  }
0x80: {  	[spmem:s2] =	stream.indirect.scatter.add.f32 [tilespmem:s23], [sflag:$0x3], $0x80, s29, s22, $0xb8;
	[tilespmem:$0x1E800] =	vst v63  }
0x81: {  	_ =	swait.ge [sflag:s24], $0x3E80  }
0x82: {  	[sflag:s24] =	ssyncset.done $0x0  }
0x83: {  	[sflag:s24] =	ssyncadd.s32 $0xFFFFC180  }
0x84: {  	[spmem:s2] =	stream.indirect.scatter.add.f32 [tilespmem:s19], [sflag:$0x4], $0x80, s30, s22, $0xb8;
	[tilespmem:$0x1E800] =	vst v63  }
0x85: {  	_ =	swait.ge [sflag:s26], $0x3E80  }
0x86: {  	[sflag:s26] =	ssyncset.done $0x0  }
0x87: {  	[sflag:s26] =	ssyncadd.s32 $0xFFFFC180  }
0x88: {  	_ =	swait.ge [sflag:s25], $0x3E80  }
0x89: {  	[sflag:s25] =	ssyncset.done $0x0  }
0x8a: {  	s0 =	simm.s32 $0x0;
	[sflag:s25] =	ssyncadd.s32 $0xFFFFC180  }
0x8b: {  	[tilespmem:s0], [sflag:$0x1] =	stream.linear.gather [hbm4b:s15+s0], $0x1400, $0x38;
	[tilespmem:$0x1E800] =	vst v63  }
0x8c: {  	_ = 	snop  }
0x8d: {  	[tilespmem:s20], [sflag:$0x2] =	stream.linear.gather [hbm4b:s16+s0], $0x1400, $0x38;
	[tilespmem:$0x1E800] =	vst v63  }
0x8e: {  	_ =	swait.ge [sflag:s21], $0x1400  }
0x8f: {  	[sflag:s21] =	ssyncset.done $0x0  }
0x90: {  	[sflag:s21] =	ssyncadd.s32 $0xFFFFEC00  }
0x91: {  	[tilespmem:s23], [sflag:$0x1] =	stream.indirect.gather [hbm4b:s4+s22], $0x80, s0, s22, $0xb8;
	[tilespmem:$0x1E800] =	vst v63  }
0x92: {  	_ =	swait.ge [sflag:s24], $0x1400  }
0x93: {  	[sflag:s24] =	ssyncset.done $0x0  }
0x94: {  	[sflag:s24] =	ssyncadd.s32 $0xFFFFEC00  }
0x95: {  	_ =	swait.ge [sflag:s21], $0x3E80  }
0x96: {  	[sflag:s21] =	ssyncset.done $0x0  }
0x97: {  	s1 =	simm.s32 $0x80;
	[sflag:s21] =	ssyncadd.s32 $0xFFFFC180  }
0x98: {  	[tilespmem:s19], [sflag:$0x2] =	stream.indirect.gather [hbm4b:s4+s22], $0x80, s1, s22, $0xb8;
	[tilespmem:$0x1E800] =	vst v63  }
0x99: {  	s6 =	simm.s32 $0x1400  }
0x9a: {  	[spmem:s2] =	stream.indirect.scatter.add.f32 [tilespmem:s23], [sflag:$0x3], $0x80, s6, s22, $0xb8;
	[tilespmem:$0x1E800] =	vst v63  }
0x9b: {  	_ =	swait.ge [sflag:s24], $0x3E80  }
0x9c: {  	[sflag:s24] =	ssyncset.done $0x0  }
0x9d: {  	s1 =	simm.s32 $0x1480;
	[sflag:s24] =	ssyncadd.s32 $0xFFFFC180  }
0x9e: {  	[spmem:s2] =	stream.indirect.scatter.add.f32 [tilespmem:s19], [sflag:$0x4], $0x80, s1, s22, $0xb8;
	[tilespmem:$0x1E800] =	vst v63  }
0x9f: {  	_ =	swait.ge [sflag:s26], $0x3E80  }
0xa0: {  	[sflag:s26] =	ssyncset.done $0x0  }
0xa1: {  	s6 =	simm.s32 $0x100;
	[sflag:s26] =	ssyncadd.s32 $0xFFFFC180  }
0xa2: {  	[tilespmem:s23], [sflag:$0x1] =	stream.indirect.gather [hbm4b:s4+s22], $0x80, s6, s22, $0xb8;
	[tilespmem:$0x1E800] =	vst v63  }
0xa3: {  	_ =	swait.ge [sflag:s25], $0x3E80  }
0xa4: {  	s1 =	simm.s32 $0x400;
	[sflag:s25] =	ssyncset.done $0x0  }
.LBB2_6:
0xa5: {  	p0 =	sne.s32 s1, $0x4800  }
0xa6: {  	[sflag:s25] =	ssyncadd.s32 $0xFFFFC180;
	s0 =	smov.u32 s1;
	s1 =	sadd.s32 $0x400, s1  }
0xa7: {  	_ =	swait.ge [sflag:s21], $0x3E80  }
0xa8: {  	s0 =	sshra.s32 s0, $0x2;
	[sflag:s21] =	ssyncset.done $0x0  }
0xa9: {  	s6 =	sadd.s32 $0x80, s0;
	[sflag:s21] =	ssyncadd.s32 $0xFFFFC180  }
0xaa: {  	[tilespmem:s19], [sflag:$0x2] =	stream.indirect.gather [hbm4b:s4+s22], $0x80, s6, s22, $0xb8;
	[tilespmem:$0x1E800] =	vst v63  }
0xab: {  	s6 =	sadd.s32 $0x1400, s0  }
0xac: {  	[spmem:s2] =	stream.indirect.scatter.add.f32 [tilespmem:s23], [sflag:$0x3], $0x80, s6, s22, $0xb8;
	[tilespmem:$0x1E800] =	vst v63  }
0xad: {  	_ =	swait.ge [sflag:s24], $0x3E80  }
0xae: {  	[sflag:s24] =	ssyncset.done $0x0  }
0xaf: {  	s6 =	sadd.s32 $0x1480, s0;
	[sflag:s24] =	ssyncadd.s32 $0xFFFFC180  }
0xb0: {  	[spmem:s2] =	stream.indirect.scatter.add.f32 [tilespmem:s19], [sflag:$0x4], $0x80, s6, s22, $0xb8;
	[tilespmem:$0x1E800] =	vst v63  }
0xb1: {  	_ =	swait.ge [sflag:s26], $0x3E80  }
.Ltmp2:
0xb2: {  	[sflag:s26] =	ssyncset.done $0x0;
	(pc) =	sbr.rel @p0 .LBB2_6-.Ltmp2, $4  }
0xb3: {  	s0 =	sadd.s32 $0x100, s0;
	[sflag:s26] =	ssyncadd.s32 $0xFFFFC180  }
0xb4: {  	[tilespmem:s23], [sflag:$0x1] =	stream.indirect.gather [hbm4b:s4+s22], $0x80, s0, s22, $0xb8;
	[tilespmem:$0x1E800] =	vst v63  }
0xb5: {  	_ =	swait.ge [sflag:s25], $0x3E80  }
0xb6: {  	[sflag:s25] =	ssyncset.done $0x0  }
0xb7: {  	[sflag:s25] =	ssyncadd.s32 $0xFFFFC180  }
0xb8: {  	_ =	swait.ge [sflag:s21], $0x3E80  }
0xb9: {  	[sflag:s21] =	ssyncset.done $0x0  }
0xba: {  	[sflag:s21] =	ssyncadd.s32 $0xFFFFC180  }
0xbb: {  	[tilespmem:s19], [sflag:$0x2] =	stream.indirect.gather [hbm4b:s4+s22], $0x80, s28, s22, $0xb8;
	[tilespmem:$0x1E800] =	vst v63  }
0xbc: {  	_ = 	snop  }
0xbd: {  	[spmem:s2] =	stream.indirect.scatter.add.f32 [tilespmem:s23], [sflag:$0x3], $0x80, s29, s22, $0xb8;
	[tilespmem:$0x1E800] =	vst v63  }
0xbe: {  	_ =	swait.ge [sflag:s24], $0x3E80  }
0xbf: {  	[sflag:s24] =	ssyncset.done $0x0  }
0xc0: {  	[sflag:s24] =	ssyncadd.s32 $0xFFFFC180  }
0xc1: {  	[spmem:s2] =	stream.indirect.scatter.add.f32 [tilespmem:s19], [sflag:$0x4], $0x80, s30, s22, $0xb8;
	[tilespmem:$0x1E800] =	vst v63  }
0xc2: {  	_ =	swait.ge [sflag:s26], $0x3E80  }
0xc3: {  	[sflag:s26] =	ssyncset.done $0x0  }
0xc4: {  	[sflag:s26] =	ssyncadd.s32 $0xFFFFC180  }
0xc5: {  	s0 =	stileid.u32;
	_ =	swait.ge [sflag:s25], $0x3E80  }
0xc6: {  	s1 =	sshrl.u32 s5, $0x3;
	s3 =	sadd.s32 $0x1, s3;
	[sflag:s25] =	ssyncset.done $0x0  }
0xc7: {  	s0 =	sshll.u32 s0, $0x6;
	p0 =	sne.s32 s3, s18;
	[sflag:s25] =	ssyncadd.s32 $0xFFFFC180  }
.Ltmp3:
0xc8: {  	s0 =	sor.u32 $0x1C05, s0;
	[bflag:$0x0] =	sbarrier.arrive $0xFFFF;
	(pc) =	sbr.rel @p0 .LBB2_1-.Ltmp3, $4  }
0xc9: {  	[hbm:s17], [sflag:s0] =	dma.local [spmem:s1], $0x2800  }
0xca: {  	_ =	swait.ge [sflag:s31], $0x2800  }
0xcb: {  	[sflag:s31] =	ssyncset.done $0x0  }
0xcc: {  	[sflag:s31] =	ssyncadd.s32 $0xFFFFD800  }
0xcd: {  	_ =	sfence.sel $0x180000  }
0xce: {  	[bflag:$0x0] =	sbarrier.arrive $0xFFFF  }
0xcf: {  	_ =	strace $0x90000050  }
0xd0: {  	s0 =	stileid.u32;
	[bflag:$0x2] =	sbarrier.arrive $0xFFFF  }
0xd1: {  	p0 =	sne.s32 s0, $0x0;
	s0 =	rddreg [dreg:$0x3]  }
0xd2: {  	s0 =	sadd.s32 @!p0 $0x100000, s0  }
0xd3: {  	[sflag:s0] =	ssyncadd.tile.s32 @!p0 $0x1;
	_ =	shalt  }
.Lfunc_end2:
_tile_overlayer_lowered:
.L_overlay_start_2:
0xd4: {  	(tag) =	ssettag $0x2  }
0xd5: {  	s0 =	rddreg [dreg:$0x0];
	s2 =	stileid.u32  }
0xd6: {  	s1 =	rddreg [dreg:$0x1];
	p0 =	sne.s32 s2, $0x0  }
0xd7: {  	s3 =	rddreg [dreg:$0x2];
	[bflag:$0x3] =	sbarrier.arrive $0xFFFF;
	s2 =	simm.s32 @!p0 $0x1C05  }
0xd8: {  	[timem:s3], [sflag:s2] =	dma.local @!p0 [hbm:s0], s1  }
0xd9: {  	s0 =	simm.s32 @!p0 $0x5  }
0xda: {  	_ =	swait.ge @!p0 [sflag:s0], s1  }
0xdb: {  	s1 =	ssub.s32 @!p0 $0x0, s1;
	[sflag:s0] =	ssyncset.done @!p0 $0x0  }
0xdc: {  	[sflag:s0] =	ssyncadd.s32 @!p0 s1  }
0xdd: {  	[bflag:$0x3] =	sbarrier.arrive $0xFFFF  }
0xde: {  	_ =	shalt  }

</sc_bundles>
